<compile_context>
chip_gen: v7x
topology: tpu7x:2x2x1
jax: 0.10.2.dev20260603
libtpu: 0.0.44.dev20260713+nightly
codegen_flags: <defaults>
</compile_context>

<pallas_src>
import functools

import jax
import jax.numpy as jnp
from jax import lax
from jax.experimental import pallas as pl
from jax.experimental.pallas import tpu as pltpu
from jax.experimental.pallas import tpu_sc as plsc

N = 10000
D = 128
E = 320000
NT = 16
RPT = 624
CH = 128
NCHUNK = 160
NPH = 4
CPP = NCHUNK // NPH
NIT = CPP // 2
EP = NT * NCHUNK * CH
DUMMY = N
NACC = 10016

RB = 1024
GRID = 10
NTBL = RB * GRID
RRB = 1000

_f32 = jnp.float32



def _mm1_body(hd, hp, wdd, wpd, wpp, wdp, mpd_o, mdp_o, d1_o, p1_o):
    mpd_o[...] = jnp.dot(hp[...], wpd[...], preferred_element_type=_f32)
    mdp_o[...] = jnp.dot(hd[...], wdp[...], preferred_element_type=_f32)
    d1_o[...] = jnp.dot(hd[...], wdd[...], preferred_element_type=_f32)
    p1_o[...] = jnp.dot(hp[...], wpp[...], preferred_element_type=_f32)


def _mid_body(sd, sp, hd, hp, wdd, wpd, wpp, wdp, mpd_o, mdp_o, d2_o, p2_o):
    xd = jnp.maximum(sd[...], 0.0)
    xp = jnp.maximum(sp[...], 0.0)
    mpd_o[...] = jnp.dot(xp, wpd[...], preferred_element_type=_f32)
    mdp_o[...] = jnp.dot(xd, wdp[...], preferred_element_type=_f32)
    d2_o[...] = jnp.dot(xd, wdd[...], preferred_element_type=_f32) + hd[...]
    p2_o[...] = jnp.dot(xp, wpp[...], preferred_element_type=_f32) + hp[...]


_row_spec = pl.BlockSpec((RB, D), lambda i: (i, 0))
_rrow_spec = pl.BlockSpec((RRB, D), lambda i: (i, 0))
_w_spec = pl.BlockSpec((D, D), lambda i: (0, 0))
_nd = jax.ShapeDtypeStruct((N, D), _f32)
_td = jax.ShapeDtypeStruct((NTBL, D), _f32)

_mm1 = pl.pallas_call(
    _mm1_body,
    grid=(GRID,),
    in_specs=[_row_spec, _row_spec] + [_w_spec] * 4,
    out_specs=[_row_spec] * 4,
    out_shape=[_td] * 4,
)

_mid = pl.pallas_call(
    _mid_body,
    grid=(GRID,),
    in_specs=[_row_spec] * 4 + [_w_spec] * 4,
    out_specs=[_row_spec] * 4,
    out_shape=[_td] * 4,
)


@functools.partial(
    pl.kernel,
    mesh=plsc.VectorSubcoreMesh(core_axis_name="c", subcore_axis_name="s"),
    out_type=[_nd, _nd],
    scratch_types=[
        pltpu.VMEM_SHARED((NACC, D), _f32),
        pltpu.VMEM((CPP, CH), jnp.int32),
        pltpu.VMEM((CPP, CH), jnp.int32),
        pltpu.VMEM((CH, D), _f32),
        pltpu.VMEM((CH, D), _f32),
        pltpu.SemaphoreType.DMA,
        pltpu.SemaphoreType.DMA,
        pltpu.SemaphoreType.DMA,
        pltpu.SemaphoreType.DMA,
    ],
)
def _sc_agg(mpd_hbm, mdp_hbm, didx_hbm, pidx_hbm, dinit_hbm, pinit_hbm,
            outd_hbm, outp_hbm, acc, gidx_v, sidx_v, rows0, rows1,
            semg0, semg1, sems0, sems1):
    c = lax.axis_index("c")
    s = lax.axis_index("s")
    rbase = s * RPT

    def run_dir(tbl, gidx, sidx, init, out):
        pltpu.sync_copy(init.at[pl.ds(rbase, RPT)],
                        acc.at[pl.ds(rbase, RPT)])

        @pl.when(s == NT - 1)
        def _():
            pltpu.sync_copy(init.at[pl.ds(NT * RPT, N - NT * RPT)],
                            acc.at[pl.ds(NT * RPT, N - NT * RPT)])

        plsc.subcore_barrier()

        def gather(j, rows, semg):
            pltpu.async_copy(tbl.at[gidx_v.at[j]], rows, semg)

        def scatter(j, rows, sems):
            pltpu.async_copy(rows, acc.at[sidx_v.at[j]], sems, add=True)

        def wait_g(rows, semg):
            pltpu.make_async_copy(tbl.at[gidx_v.at[0]], rows, semg).wait()

        def wait_s(rows, sems):
            pltpu.make_async_copy(rows, acc.at[sidx_v.at[0]], sems).wait()

        def phase(p, carry):
            pltpu.sync_copy(gidx.at[s].at[pl.ds(p * CPP, CPP)], gidx_v)
            pltpu.sync_copy(sidx.at[s].at[pl.ds(p * CPP, CPP)], sidx_v)
            gather(0, rows0, semg0)

            def body(k, carry2):
                j0 = 2 * k
                wait_g(rows0, semg0)
                scatter(j0, rows0, sems0)

                @pl.when(k > 0)
                def _():
                    wait_s(rows1, sems1)

                gather(j0 + 1, rows1, semg1)
                wait_g(rows1, semg1)
                scatter(j0 + 1, rows1, sems1)
                wait_s(rows0, sems0)

                @pl.when(k < NIT - 1)
                def _():
                    gather(j0 + 2, rows0, semg0)

                return carry2

            carry = lax.fori_loop(0, NIT, body, carry)
            wait_s(rows1, sems1)
            return carry

        lax.fori_loop(0, NPH, phase, 0)
        plsc.subcore_barrier()

        def wb_block(base, nrows):
            pltpu.sync_copy(acc.at[pl.ds(base, nrows)],
                            rows0.at[pl.ds(0, nrows)])

            def relu_row(r, carry3):
                for v in range(8):
                    x = rows0[r, pl.ds(v * 16, 16)]
                    rows0[r, pl.ds(v * 16, 16)] = jnp.maximum(x, 0.0)
                return carry3

            lax.fori_loop(0, nrows, relu_row, 0)
            pltpu.sync_copy(rows0.at[pl.ds(0, nrows)],
                            out.at[pl.ds(base, nrows)])

        def wb(b, carry2):
            wb_block(rbase + b * 104, 104)
            return carry2

        lax.fori_loop(0, RPT // 104, wb, 0)

        @pl.when(s == NT - 1)
        def _():
            wb_block(NT * RPT, N - NT * RPT)

    @pl.when(c == 0)
    def _():
        run_dir(mpd_hbm, pidx_hbm, didx_hbm, dinit_hbm, outd_hbm)

    @pl.when(c == 1)
    def _():
        run_dir(mdp_hbm, didx_hbm, pidx_hbm, pinit_hbm, outp_hbm)



def kernel(h_drug, h_prot, edge_index,
           W1_dd, W1_pd, W1_pp, W1_dp,
           W2_dd, W2_pd, W2_pp, W2_dp):
    pad = jnp.full((EP - E,), DUMMY, jnp.int32)
    didx = jnp.concatenate([edge_index[0], pad]).reshape(NT, NCHUNK, CH)
    pidx = jnp.concatenate([edge_index[1], pad]).reshape(NT, NCHUNK, CH)

    m1pd, m1dp, d1, p1 = _mm1(h_drug, h_prot, W1_dd, W1_pd, W1_pp, W1_dp)
    s1d, s1p = _sc_agg(m1pd, m1dp, didx, pidx, d1, p1)
    m2pd, m2dp, d2, p2 = _mid(s1d, s1p, h_drug, h_prot,
                              W2_dd, W2_pd, W2_pp, W2_dp)
    s2d, s2p = _sc_agg(m2pd, m2dp, didx, pidx, d2, p2)
    return (s2d, s2p)

# --- scband reference (transcript-rebuilt; emitter-appended) ---
"""Pipeline reference for scband-residual-module-16295105921288 (READ-ONLY COPY).

The authoritative reference and input builder live on the scoring server;
editing this copy changes nothing except your own understanding.
"""

import jax, jax.numpy as jnp
import numpy as np

N_DRUG = 10000
N_PROT = 10000
E = 320000
D = 128


def _bipartite_conv(h_drug, h_prot, edge_index, W_dd, W_pd, W_pp, W_dp):
    # edge_index[0] = drug node idx, edge_index[1] = prot node idx
    drug_idx = edge_index[0]
    prot_idx = edge_index[1]
    # messages prot -> drug
    m_pd = jnp.take(h_prot @ W_pd, prot_idx, axis=0)
    agg_drug = jax.ops.segment_sum(m_pd, drug_idx, num_segments=N_DRUG)
    out_drug = h_drug @ W_dd + agg_drug
    # messages drug -> prot
    m_dp = jnp.take(h_drug @ W_dp, drug_idx, axis=0)
    agg_prot = jax.ops.segment_sum(m_dp, prot_idx, num_segments=N_PROT)
    out_prot = h_prot @ W_pp + agg_prot
    return out_drug, out_prot


def setup_inputs(seed: int = 0) -> dict:
    key = jax.random.key(seed)
    ks = jax.random.split(key, 12)
    h_drug = jax.random.normal(ks[0], (N_DRUG, D), dtype=jnp.float32)
    h_prot = jax.random.normal(ks[1], (N_PROT, D), dtype=jnp.float32)
    edge_index = jnp.stack([
        jax.random.randint(ks[2], (E,), 0, N_DRUG, dtype=jnp.int64) if False else jax.random.randint(ks[2], (E,), 0, N_DRUG).astype(jnp.int32),
        jax.random.randint(ks[3], (E,), 0, N_PROT).astype(jnp.int32),
    ], axis=0)
    scale = 1.0 / np.sqrt(D)
    W1_dd = jax.random.normal(ks[4], (D, D), dtype=jnp.float32) * scale
    W1_pd = jax.random.normal(ks[5], (D, D), dtype=jnp.float32) * scale
    W1_pp = jax.random.normal(ks[6], (D, D), dtype=jnp.float32) * scale
    W1_dp = jax.random.normal(ks[7], (D, D), dtype=jnp.float32) * scale
    W2_dd = jax.random.normal(ks[8], (D, D), dtype=jnp.float32) * scale
    W2_pd = jax.random.normal(ks[9], (D, D), dtype=jnp.float32) * scale
    W2_pp = jax.random.normal(ks[10], (D, D), dtype=jnp.float32) * scale
    W2_dp = jax.random.normal(ks[11], (D, D), dtype=jnp.float32) * scale
    return {"h_drug": h_drug, "h_prot": h_prot, "edge_index": edge_index,
            "W1_dd": W1_dd, "W1_pd": W1_pd, "W1_pp": W1_pp, "W1_dp": W1_dp,
            "W2_dd": W2_dd, "W2_pd": W2_pd, "W2_pp": W2_pp, "W2_dp": W2_dp}


def reference(h_drug, h_prot, edge_index,
              W1_dd, W1_pd, W1_pp, W1_dp,
              W2_dd, W2_pd, W2_pp, W2_dp):
    out_drug, out_prot = _bipartite_conv(h_drug, h_prot, edge_index, W1_dd, W1_pd, W1_pp, W1_dp)
    out_drug = jax.nn.relu(out_drug)
    out_prot = jax.nn.relu(out_prot)
    out_drug, out_prot = _bipartite_conv(out_drug, out_prot, edge_index, W2_dd, W2_pd, W2_pp, W2_dp)
    return (jax.nn.relu(h_drug + out_drug), jax.nn.relu(h_prot + out_prot))

if __name__ == "__main__":
    import jax
    _d = setup_inputs()
    print(jax.jit(kernel)(*tuple(_d.values())))

</pallas_src>

<mosaic_0001>
#map = affine_map<(d0, d1) -> (0, 0)>
#map1 = affine_map<(d0, d1) -> (0, 0, 0)>
module attributes {stable_mosaic.version = 14 : i64} {
  func.func @_sc_agg(%arg0: i32, %arg1: i32, %arg2: memref<10240x128xf32, #tpu.memory_space<hbm>>, %arg3: memref<10240x128xf32, #tpu.memory_space<hbm>>, %arg4: memref<16x160x128xi32, #tpu.memory_space<hbm>>, %arg5: memref<16x160x128xi32, #tpu.memory_space<hbm>>, %arg6: memref<10240x128xf32, #tpu.memory_space<hbm>>, %arg7: memref<10240x128xf32, #tpu.memory_space<hbm>>, %arg8: memref<10000x128xf32, #tpu.memory_space<hbm>>, %arg9: memref<10000x128xf32, #tpu.memory_space<hbm>>, %arg10: memref<10016x128xf32, #tpu.memory_space<vmem_shared>>, %arg11: memref<40x128xi32, #tpu.memory_space<vmem>>, %arg12: memref<40x128xi32, #tpu.memory_space<vmem>>, %arg13: memref<128x128xf32, #tpu.memory_space<vmem>>, %arg14: memref<128x128xf32, #tpu.memory_space<vmem>>, %arg15: memref<!tpu.dma_semaphore, #tpu.memory_space<semaphore_mem>>, %arg16: memref<!tpu.dma_semaphore, #tpu.memory_space<semaphore_mem>>, %arg17: memref<!tpu.dma_semaphore, #tpu.memory_space<semaphore_mem>>, %arg18: memref<!tpu.dma_semaphore, #tpu.memory_space<semaphore_mem>>) attributes {dimension_semantics = [#tpu.dimension_semantics<core_parallel>, #tpu.dimension_semantics<subcore_parallel>], iteration_bounds = array<i64: 2, 16>, scalar_prefetch = 0 : i64, scratch_operands = 9 : i64, tpu.core_type = #tpu.core_type<sc_vector_subcore>, window_params = [{transform_indices = #map}, {transform_indices = #map}, {transform_indices = #map1}, {transform_indices = #map1}, {transform_indices = #map}, {transform_indices = #map}, {transform_indices = #map}, {transform_indices = #map}]} {
    %mul3A = arith.constant 624 : i32
    %mul3A_0 = arith.muli %arg1, %mul3A : i32
    %eq3A = arith.constant 0 : i32
    %eq3A_1 = arith.cmpi eq, %arg0, %eq3A : i32
    %convert_element_type3A = arith.extui %eq3A_1 : i1 to i32
    %cond3A = arith.constant 0 : i32
    %cond3A_2 = arith.cmpi ne, %convert_element_type3A, %cond3A : i32
    scf.if %cond3A_2 {
      "tpu.region"() ({
        %run_scoped3A = tpu.sem_alloc : memref<!tpu.dma_semaphore, #tpu.memory_space<semaphore_mem>>
        %dma_start3A = arith.constant 0 : i32
        %dma_start3A_30 = tpu.memref_slice %arg10[%mul3A_0, %dma_start3A] : memref<10016x128xf32, #tpu.memory_space<vmem_shared>> -> memref<624x128xf32, #tpu.memory_space<vmem_shared>>
        %dma_start3A_31 = arith.constant 0 : i32
        %dma_start3A_32 = tpu.memref_slice %arg6[%mul3A_0, %dma_start3A_31] : memref<10240x128xf32, #tpu.memory_space<hbm>> -> memref<624x128xf32, #tpu.memory_space<hbm>>
        tpu.enqueue_dma source(%dma_start3A_32 : memref<624x128xf32, #tpu.memory_space<hbm>>) target(%dma_start3A_30 : memref<624x128xf32, #tpu.memory_space<vmem_shared>>) target_semaphore(%run_scoped3A : memref<!tpu.dma_semaphore, #tpu.memory_space<semaphore_mem>>)
        %dma_wait3A = arith.constant 0 : i32
        %dma_wait3A_33 = tpu.memref_slice %arg10[%mul3A_0, %dma_wait3A] : memref<10016x128xf32, #tpu.memory_space<vmem_shared>> -> memref<624x128xf32, #tpu.memory_space<vmem_shared>>
        %dma_wait3A_34 = arith.constant 0 : i32
        %dma_wait3A_35 = tpu.memref_slice %arg6[%mul3A_0, %dma_wait3A_34] : memref<10240x128xf32, #tpu.memory_space<hbm>> -> memref<624x128xf32, #tpu.memory_space<hbm>>
        tpu.wait_dma2 semaphore(%run_scoped3A : memref<!tpu.dma_semaphore, #tpu.memory_space<semaphore_mem>>) src(%dma_wait3A_35 : memref<624x128xf32, #tpu.memory_space<hbm>>) dst(%dma_wait3A_33 : memref<624x128xf32, #tpu.memory_space<vmem_shared>>)
        tpu.yield
      }) : () -> ()
      %eq3A_8 = arith.constant 15 : i32
      %eq3A_9 = arith.cmpi eq, %arg1, %eq3A_8 : i32
      %convert_element_type3A_10 = arith.extui %eq3A_9 : i1 to i32
      %cond3A_11 = arith.constant 0 : i32
      %cond3A_12 = arith.cmpi ne, %convert_element_type3A_10, %cond3A_11 : i32
      scf.if %cond3A_12 {
        "tpu.region"() ({
          %run_scoped3A = tpu.sem_alloc : memref<!tpu.dma_semaphore, #tpu.memory_space<semaphore_mem>>
          %dma_start3A = arith.constant 9984 : i32
          %dma_start3A_30 = arith.constant 0 : i32
          %dma_start3A_31 = tpu.memref_slice %arg10[%dma_start3A, %dma_start3A_30] : memref<10016x128xf32, #tpu.memory_space<vmem_shared>> -> memref<16x128xf32, #tpu.memory_space<vmem_shared>>
          %dma_start3A_32 = arith.constant 9984 : i32
          %dma_start3A_33 = arith.constant 0 : i32
          %dma_start3A_34 = tpu.memref_slice %arg6[%dma_start3A_32, %dma_start3A_33] : memref<10240x128xf32, #tpu.memory_space<hbm>> -> memref<16x128xf32, #tpu.memory_space<hbm>>
          tpu.enqueue_dma source(%dma_start3A_34 : memref<16x128xf32, #tpu.memory_space<hbm>>) target(%dma_start3A_31 : memref<16x128xf32, #tpu.memory_space<vmem_shared>>) target_semaphore(%run_scoped3A : memref<!tpu.dma_semaphore, #tpu.memory_space<semaphore_mem>>)
          %dma_wait3A = arith.constant 9984 : i32
          %dma_wait3A_35 = arith.constant 0 : i32
          %dma_wait3A_36 = tpu.memref_slice %arg10[%dma_wait3A, %dma_wait3A_35] : memref<10016x128xf32, #tpu.memory_space<vmem_shared>> -> memref<16x128xf32, #tpu.memory_space<vmem_shared>>
          %dma_wait3A_37 = arith.constant 9984 : i32
          %dma_wait3A_38 = arith.constant 0 : i32
          %dma_wait3A_39 = tpu.memref_slice %arg6[%dma_wait3A_37, %dma_wait3A_38] : memref<10240x128xf32, #tpu.memory_space<hbm>> -> memref<16x128xf32, #tpu.memory_space<hbm>>
          tpu.wait_dma2 semaphore(%run_scoped3A : memref<!tpu.dma_semaphore, #tpu.memory_space<semaphore_mem>>) src(%dma_wait3A_39 : memref<16x128xf32, #tpu.memory_space<hbm>>) dst(%dma_wait3A_36 : memref<16x128xf32, #tpu.memory_space<vmem_shared>>)
          tpu.yield
        }) : () -> ()
      } else {
      }
      %barrier3A = arith.constant 0 : index
      tpu.barrier barrier_id(%barrier3A)
      %scan3A = arith.constant 0 : i32
      %scan3A_13 = arith.constant 0 : i32
      %scan3A_14 = arith.constant 4 : i32
      %scan3A_15 = arith.addi %scan3A_13, %scan3A_14 : i32
      %scan3A_16 = arith.constant 1 : i32
      scf.for %scan3A_30 = %scan3A_13 to %scan3A_15 step %scan3A_16  : i32 {
        %mul3A_31 = arith.constant 40 : i32
        %mul3A_32 = arith.muli %scan3A_30, %mul3A_31 : i32
        "tpu.region"() ({
          %run_scoped3A = tpu.sem_alloc : memref<!tpu.dma_semaphore, #tpu.memory_space<semaphore_mem>>
          %dma_start3A_52 = arith.constant 0 : i32
          %dma_start3A_53 = arith.constant 0 : i32
          %dma_start3A_54 = tpu.memref_slice %arg5[%arg1, %dma_start3A_52, %dma_start3A_53] : memref<16x160x128xi32, #tpu.memory_space<hbm>> -> memref<1x160x128xi32, #tpu.memory_space<hbm>>
          %dma_start3A_55 = tpu.memref_squeeze %dma_start3A_54 : memref<1x160x128xi32, #tpu.memory_space<hbm>> -> memref<160x128xi32, #tpu.memory_space<hbm>>
          %dma_start3A_56 = arith.constant 0 : i32
          %dma_start3A_57 = tpu.memref_slice %dma_start3A_55[%mul3A_32, %dma_start3A_56] : memref<160x128xi32, #tpu.memory_space<hbm>> -> memref<40x128xi32, #tpu.memory_space<hbm>>
          %dma_start3A_58 = arith.constant 0 : i32
          %dma_start3A_59 = arith.constant 0 : i32
          %dma_start3A_60 = tpu.memref_slice %arg5[%arg1, %dma_start3A_58, %dma_start3A_59] : memref<16x160x128xi32, #tpu.memory_space<hbm>> -> memref<1x160x128xi32, #tpu.memory_space<hbm>>
          %dma_start3A_61 = tpu.memref_squeeze %dma_start3A_60 : memref<1x160x128xi32, #tpu.memory_space<hbm>> -> memref<160x128xi32, #tpu.memory_space<hbm>>
          %dma_start3A_62 = arith.constant 0 : i32
          %dma_start3A_63 = tpu.memref_slice %dma_start3A_61[%mul3A_32, %dma_start3A_62] : memref<160x128xi32, #tpu.memory_space<hbm>> -> memref<40x128xi32, #tpu.memory_space<hbm>>
          tpu.enqueue_dma source(%dma_start3A_63 : memref<40x128xi32, #tpu.memory_space<hbm>>) target(%arg11 : memref<40x128xi32, #tpu.memory_space<vmem>>) target_semaphore(%run_scoped3A : memref<!tpu.dma_semaphore, #tpu.memory_space<semaphore_mem>>)
          %dma_wait3A_64 = arith.constant 0 : i32
          %dma_wait3A_65 = arith.constant 0 : i32
          %dma_wait3A_66 = tpu.memref_slice %arg5[%arg1, %dma_wait3A_64, %dma_wait3A_65] : memref<16x160x128xi32, #tpu.memory_space<hbm>> -> memref<1x160x128xi32, #tpu.memory_space<hbm>>
          %dma_wait3A_67 = tpu.memref_squeeze %dma_wait3A_66 : memref<1x160x128xi32, #tpu.memory_space<hbm>> -> memref<160x128xi32, #tpu.memory_space<hbm>>
          %dma_wait3A_68 = arith.constant 0 : i32
          %dma_wait3A_69 = tpu.memref_slice %dma_wait3A_67[%mul3A_32, %dma_wait3A_68] : memref<160x128xi32, #tpu.memory_space<hbm>> -> memref<40x128xi32, #tpu.memory_space<hbm>>
          %dma_wait3A_70 = arith.constant 0 : i32
          %dma_wait3A_71 = arith.constant 0 : i32
          %dma_wait3A_72 = tpu.memref_slice %arg5[%arg1, %dma_wait3A_70, %dma_wait3A_71] : memref<16x160x128xi32, #tpu.memory_space<hbm>> -> memref<1x160x128xi32, #tpu.memory_space<hbm>>
          %dma_wait3A_73 = tpu.memref_squeeze %dma_wait3A_72 : memref<1x160x128xi32, #tpu.memory_space<hbm>> -> memref<160x128xi32, #tpu.memory_space<hbm>>
          %dma_wait3A_74 = arith.constant 0 : i32
          %dma_wait3A_75 = tpu.memref_slice %dma_wait3A_73[%mul3A_32, %dma_wait3A_74] : memref<160x128xi32, #tpu.memory_space<hbm>> -> memref<40x128xi32, #tpu.memory_space<hbm>>
          tpu.wait_dma2 semaphore(%run_scoped3A : memref<!tpu.dma_semaphore, #tpu.memory_space<semaphore_mem>>) src(%dma_wait3A_75 : memref<40x128xi32, #tpu.memory_space<hbm>>) dst(%arg11 : memref<40x128xi32, #tpu.memory_space<vmem>>)
          tpu.yield
        }) : () -> ()
        %mul3A_33 = arith.constant 40 : i32
        %mul3A_34 = arith.muli %scan3A_30, %mul3A_33 : i32
        "tpu.region"() ({
          %run_scoped3A = tpu.sem_alloc : memref<!tpu.dma_semaphore, #tpu.memory_space<semaphore_mem>>
          %dma_start3A_52 = arith.constant 0 : i32
          %dma_start3A_53 = arith.constant 0 : i32
          %dma_start3A_54 = tpu.memref_slice %arg4[%arg1, %dma_start3A_52, %dma_start3A_53] : memref<16x160x128xi32, #tpu.memory_space<hbm>> -> memref<1x160x128xi32, #tpu.memory_space<hbm>>
          %dma_start3A_55 = tpu.memref_squeeze %dma_start3A_54 : memref<1x160x128xi32, #tpu.memory_space<hbm>> -> memref<160x128xi32, #tpu.memory_space<hbm>>
          %dma_start3A_56 = arith.constant 0 : i32
          %dma_start3A_57 = tpu.memref_slice %dma_start3A_55[%mul3A_34, %dma_start3A_56] : memref<160x128xi32, #tpu.memory_space<hbm>> -> memref<40x128xi32, #tpu.memory_space<hbm>>
          %dma_start3A_58 = arith.constant 0 : i32
          %dma_start3A_59 = arith.constant 0 : i32
          %dma_start3A_60 = tpu.memref_slice %arg4[%arg1, %dma_start3A_58, %dma_start3A_59] : memref<16x160x128xi32, #tpu.memory_space<hbm>> -> memref<1x160x128xi32, #tpu.memory_space<hbm>>
          %dma_start3A_61 = tpu.memref_squeeze %dma_start3A_60 : memref<1x160x128xi32, #tpu.memory_space<hbm>> -> memref<160x128xi32, #tpu.memory_space<hbm>>
          %dma_start3A_62 = arith.constant 0 : i32
          %dma_start3A_63 = tpu.memref_slice %dma_start3A_61[%mul3A_34, %dma_start3A_62] : memref<160x128xi32, #tpu.memory_space<hbm>> -> memref<40x128xi32, #tpu.memory_space<hbm>>
          tpu.enqueue_dma source(%dma_start3A_63 : memref<40x128xi32, #tpu.memory_space<hbm>>) target(%arg12 : memref<40x128xi32, #tpu.memory_space<vmem>>) target_semaphore(%run_scoped3A : memref<!tpu.dma_semaphore, #tpu.memory_space<semaphore_mem>>)
          %dma_wait3A_64 = arith.constant 0 : i32
          %dma_wait3A_65 = arith.constant 0 : i32
          %dma_wait3A_66 = tpu.memref_slice %arg4[%arg1, %dma_wait3A_64, %dma_wait3A_65] : memref<16x160x128xi32, #tpu.memory_space<hbm>> -> memref<1x160x128xi32, #tpu.memory_space<hbm>>
          %dma_wait3A_67 = tpu.memref_squeeze %dma_wait3A_66 : memref<1x160x128xi32, #tpu.memory_space<hbm>> -> memref<160x128xi32, #tpu.memory_space<hbm>>
          %dma_wait3A_68 = arith.constant 0 : i32
          %dma_wait3A_69 = tpu.memref_slice %dma_wait3A_67[%mul3A_34, %dma_wait3A_68] : memref<160x128xi32, #tpu.memory_space<hbm>> -> memref<40x128xi32, #tpu.memory_space<hbm>>
          %dma_wait3A_70 = arith.constant 0 : i32
          %dma_wait3A_71 = arith.constant 0 : i32
          %dma_wait3A_72 = tpu.memref_slice %arg4[%arg1, %dma_wait3A_70, %dma_wait3A_71] : memref<16x160x128xi32, #tpu.memory_space<hbm>> -> memref<1x160x128xi32, #tpu.memory_space<hbm>>
          %dma_wait3A_73 = tpu.memref_squeeze %dma_wait3A_72 : memref<1x160x128xi32, #tpu.memory_space<hbm>> -> memref<160x128xi32, #tpu.memory_space<hbm>>
          %dma_wait3A_74 = arith.constant 0 : i32
          %dma_wait3A_75 = tpu.memref_slice %dma_wait3A_73[%mul3A_34, %dma_wait3A_74] : memref<160x128xi32, #tpu.memory_space<hbm>> -> memref<40x128xi32, #tpu.memory_space<hbm>>
          tpu.wait_dma2 semaphore(%run_scoped3A : memref<!tpu.dma_semaphore, #tpu.memory_space<semaphore_mem>>) src(%dma_wait3A_75 : memref<40x128xi32, #tpu.memory_space<hbm>>) dst(%arg12 : memref<40x128xi32, #tpu.memory_space<vmem>>)
          tpu.yield
        }) : () -> ()
        %dma_start3A = arith.constant 0 : i32
        %dma_start3A_35 = arith.constant 0 : i32
        %dma_start3A_36 = tpu.memref_slice %arg11[%dma_start3A, %dma_start3A_35] : memref<40x128xi32, #tpu.memory_space<vmem>> -> memref<1x128xi32, #tpu.memory_space<vmem>>
        %dma_start3A_37 = tpu.memref_squeeze %dma_start3A_36 : memref<1x128xi32, #tpu.memory_space<vmem>> -> memref<128xi32, #tpu.memory_space<vmem>>
        %dma_start3A_38 = arith.constant 0 : i32
        %dma_start3A_39 = arith.constant 0 : i32
        %dma_start3A_40 = tpu.memref_slice %arg2[%dma_start3A_38, %dma_start3A_39] : memref<10240x128xf32, #tpu.memory_space<hbm>> -> memref<10240x128xf32, #tpu.memory_space<hbm>>
        tpu.enqueue_indirect_dma source(%dma_start3A_40 : memref<10240x128xf32, #tpu.memory_space<hbm>>) target(%arg13 : memref<128x128xf32, #tpu.memory_space<vmem>>) offsets(%dma_start3A_37 : memref<128xi32, #tpu.memory_space<vmem>>) semaphore(%arg15 : memref<!tpu.dma_semaphore, #tpu.memory_space<semaphore_mem>>)
        %scan3A_41 = arith.constant 0 : i32
        %scan3A_42 = arith.constant 20 : i32
        %scan3A_43 = arith.addi %scan3A_41, %scan3A_42 : i32
        %scan3A_44 = arith.constant 1 : i32
        scf.for %scan3A_52 = %scan3A_41 to %scan3A_43 step %scan3A_44  : i32 {
          %mul3A_53 = arith.constant 2 : i32
          %mul3A_54 = arith.muli %mul3A_53, %scan3A_52 : i32
          %dma_wait3A_55 = arith.constant 0 : i32
          %dma_wait3A_56 = arith.constant 0 : i32
          %dma_wait3A_57 = tpu.memref_slice %arg11[%dma_wait3A_55, %dma_wait3A_56] : memref<40x128xi32, #tpu.memory_space<vmem>> -> memref<1x128xi32, #tpu.memory_space<vmem>>
          %dma_wait3A_58 = tpu.memref_squeeze %dma_wait3A_57 : memref<1x128xi32, #tpu.memory_space<vmem>> -> memref<128xi32, #tpu.memory_space<vmem>>
          %dma_wait3A_59 = arith.constant 0 : i32
          %dma_wait3A_60 = arith.constant 0 : i32
          %dma_wait3A_61 = tpu.memref_slice %arg2[%dma_wait3A_59, %dma_wait3A_60] : memref<10240x128xf32, #tpu.memory_space<hbm>> -> memref<10240x128xf32, #tpu.memory_space<hbm>>
          tpu.wait_indirect_dma semaphore(%arg15 : memref<!tpu.dma_semaphore, #tpu.memory_space<semaphore_mem>>) src(%dma_wait3A_61 : memref<10240x128xf32, #tpu.memory_space<hbm>>) dst(%arg13 : memref<128x128xf32, #tpu.memory_space<vmem>>)
          %dma_start3A_62 = arith.constant 0 : i32
          %dma_start3A_63 = tpu.memref_slice %arg12[%mul3A_54, %dma_start3A_62] : memref<40x128xi32, #tpu.memory_space<vmem>> -> memref<1x128xi32, #tpu.memory_space<vmem>>
          %dma_start3A_64 = tpu.memref_squeeze %dma_start3A_63 : memref<1x128xi32, #tpu.memory_space<vmem>> -> memref<128xi32, #tpu.memory_space<vmem>>
          %dma_start3A_65 = arith.constant 0 : i32
          %dma_start3A_66 = arith.constant 0 : i32
          %dma_start3A_67 = tpu.memref_slice %arg10[%dma_start3A_65, %dma_start3A_66] : memref<10016x128xf32, #tpu.memory_space<vmem_shared>> -> memref<10016x128xf32, #tpu.memory_space<vmem_shared>>
          tpu.enqueue_indirect_dma source(%arg13 : memref<128x128xf32, #tpu.memory_space<vmem>>) target(%dma_start3A_67 : memref<10016x128xf32, #tpu.memory_space<vmem_shared>>) offsets(%dma_start3A_64 : memref<128xi32, #tpu.memory_space<vmem>>) semaphore(%arg17 : memref<!tpu.dma_semaphore, #tpu.memory_space<semaphore_mem>>) {add = true}
          %gt3A = arith.constant 0 : i32
          %gt3A_68 = arith.cmpi sgt, %scan3A_52, %gt3A : i32
          %convert_element_type3A_69 = arith.extui %gt3A_68 : i1 to i32
          %cond3A_70 = arith.constant 0 : i32
          %cond3A_71 = arith.cmpi ne, %convert_element_type3A_69, %cond3A_70 : i32
          scf.if %cond3A_71 {
            %dma_wait3A_105 = arith.constant 0 : i32
            %dma_wait3A_106 = arith.constant 0 : i32
            %dma_wait3A_107 = tpu.memref_slice %arg12[%dma_wait3A_105, %dma_wait3A_106] : memref<40x128xi32, #tpu.memory_space<vmem>> -> memref<1x128xi32, #tpu.memory_space<vmem>>
            %dma_wait3A_108 = tpu.memref_squeeze %dma_wait3A_107 : memref<1x128xi32, #tpu.memory_space<vmem>> -> memref<128xi32, #tpu.memory_space<vmem>>
            %dma_wait3A_109 = arith.constant 0 : i32
            %dma_wait3A_110 = arith.constant 0 : i32
            %dma_wait3A_111 = tpu.memref_slice %arg10[%dma_wait3A_109, %dma_wait3A_110] : memref<10016x128xf32, #tpu.memory_space<vmem_shared>> -> memref<10016x128xf32, #tpu.memory_space<vmem_shared>>
            tpu.wait_indirect_dma semaphore(%arg18 : memref<!tpu.dma_semaphore, #tpu.memory_space<semaphore_mem>>) src(%arg14 : memref<128x128xf32, #tpu.memory_space<vmem>>) dst(%dma_wait3A_111 : memref<10016x128xf32, #tpu.memory_space<vmem_shared>>)
          } else {
          }
          %add3A = arith.constant 1 : i32
          %add3A_72 = arith.addi %mul3A_54, %add3A : i32
          %dma_start3A_73 = arith.constant 0 : i32
          %dma_start3A_74 = tpu.memref_slice %arg11[%add3A_72, %dma_start3A_73] : memref<40x128xi32, #tpu.memory_space<vmem>> -> memref<1x128xi32, #tpu.memory_space<vmem>>
          %dma_start3A_75 = tpu.memref_squeeze %dma_start3A_74 : memref<1x128xi32, #tpu.memory_space<vmem>> -> memref<128xi32, #tpu.memory_space<vmem>>
          %dma_start3A_76 = arith.constant 0 : i32
          %dma_start3A_77 = arith.constant 0 : i32
          %dma_start3A_78 = tpu.memref_slice %arg2[%dma_start3A_76, %dma_start3A_77] : memref<10240x128xf32, #tpu.memory_space<hbm>> -> memref<10240x128xf32, #tpu.memory_space<hbm>>
          tpu.enqueue_indirect_dma source(%dma_start3A_78 : memref<10240x128xf32, #tpu.memory_space<hbm>>) target(%arg14 : memref<128x128xf32, #tpu.memory_space<vmem>>) offsets(%dma_start3A_75 : memref<128xi32, #tpu.memory_space<vmem>>) semaphore(%arg16 : memref<!tpu.dma_semaphore, #tpu.memory_space<semaphore_mem>>)
          %dma_wait3A_79 = arith.constant 0 : i32
          %dma_wait3A_80 = arith.constant 0 : i32
          %dma_wait3A_81 = tpu.memref_slice %arg11[%dma_wait3A_79, %dma_wait3A_80] : memref<40x128xi32, #tpu.memory_space<vmem>> -> memref<1x128xi32, #tpu.memory_space<vmem>>
          %dma_wait3A_82 = tpu.memref_squeeze %dma_wait3A_81 : memref<1x128xi32, #tpu.memory_space<vmem>> -> memref<128xi32, #tpu.memory_space<vmem>>
          %dma_wait3A_83 = arith.constant 0 : i32
          %dma_wait3A_84 = arith.constant 0 : i32
          %dma_wait3A_85 = tpu.memref_slice %arg2[%dma_wait3A_83, %dma_wait3A_84] : memref<10240x128xf32, #tpu.memory_space<hbm>> -> memref<10240x128xf32, #tpu.memory_space<hbm>>
          tpu.wait_indirect_dma semaphore(%arg16 : memref<!tpu.dma_semaphore, #tpu.memory_space<semaphore_mem>>) src(%dma_wait3A_85 : memref<10240x128xf32, #tpu.memory_space<hbm>>) dst(%arg14 : memref<128x128xf32, #tpu.memory_space<vmem>>)
          %add3A_86 = arith.constant 1 : i32
          %add3A_87 = arith.addi %mul3A_54, %add3A_86 : i32
          %dma_start3A_88 = arith.constant 0 : i32
          %dma_start3A_89 = tpu.memref_slice %arg12[%add3A_87, %dma_start3A_88] : memref<40x128xi32, #tpu.memory_space<vmem>> -> memref<1x128xi32, #tpu.memory_space<vmem>>
          %dma_start3A_90 = tpu.memref_squeeze %dma_start3A_89 : memref<1x128xi32, #tpu.memory_space<vmem>> -> memref<128xi32, #tpu.memory_space<vmem>>
          %dma_start3A_91 = arith.constant 0 : i32
          %dma_start3A_92 = arith.constant 0 : i32
          %dma_start3A_93 = tpu.memref_slice %arg10[%dma_start3A_91, %dma_start3A_92] : memref<10016x128xf32, #tpu.memory_space<vmem_shared>> -> memref<10016x128xf32, #tpu.memory_space<vmem_shared>>
          tpu.enqueue_indirect_dma source(%arg14 : memref<128x128xf32, #tpu.memory_space<vmem>>) target(%dma_start3A_93 : memref<10016x128xf32, #tpu.memory_space<vmem_shared>>) offsets(%dma_start3A_90 : memref<128xi32, #tpu.memory_space<vmem>>) semaphore(%arg18 : memref<!tpu.dma_semaphore, #tpu.memory_space<semaphore_mem>>) {add = true}
          %dma_wait3A_94 = arith.constant 0 : i32
          %dma_wait3A_95 = arith.constant 0 : i32
          %dma_wait3A_96 = tpu.memref_slice %arg12[%dma_wait3A_94, %dma_wait3A_95] : memref<40x128xi32, #tpu.memory_space<vmem>> -> memref<1x128xi32, #tpu.memory_space<vmem>>
          %dma_wait3A_97 = tpu.memref_squeeze %dma_wait3A_96 : memref<1x128xi32, #tpu.memory_space<vmem>> -> memref<128xi32, #tpu.memory_space<vmem>>
          %dma_wait3A_98 = arith.constant 0 : i32
          %dma_wait3A_99 = arith.constant 0 : i32
          %dma_wait3A_100 = tpu.memref_slice %arg10[%dma_wait3A_98, %dma_wait3A_99] : memref<10016x128xf32, #tpu.memory_space<vmem_shared>> -> memref<10016x128xf32, #tpu.memory_space<vmem_shared>>
          tpu.wait_indirect_dma semaphore(%arg17 : memref<!tpu.dma_semaphore, #tpu.memory_space<semaphore_mem>>) src(%arg13 : memref<128x128xf32, #tpu.memory_space<vmem>>) dst(%dma_wait3A_100 : memref<10016x128xf32, #tpu.memory_space<vmem_shared>>)
          %lt3A = arith.constant 19 : i32
          %lt3A_101 = arith.cmpi slt, %scan3A_52, %lt3A : i32
          %convert_element_type3A_102 = arith.extui %lt3A_101 : i1 to i32
          %cond3A_103 = arith.constant 0 : i32
          %cond3A_104 = arith.cmpi ne, %convert_element_type3A_102, %cond3A_103 : i32
          scf.if %cond3A_104 {
            %add3A_105 = arith.constant 2 : i32
            %add3A_106 = arith.addi %mul3A_54, %add3A_105 : i32
            %dma_start3A_107 = arith.constant 0 : i32
            %dma_start3A_108 = tpu.memref_slice %arg11[%add3A_106, %dma_start3A_107] : memref<40x128xi32, #tpu.memory_space<vmem>> -> memref<1x128xi32, #tpu.memory_space<vmem>>
            %dma_start3A_109 = tpu.memref_squeeze %dma_start3A_108 : memref<1x128xi32, #tpu.memory_space<vmem>> -> memref<128xi32, #tpu.memory_space<vmem>>
            %dma_start3A_110 = arith.constant 0 : i32
            %dma_start3A_111 = arith.constant 0 : i32
            %dma_start3A_112 = tpu.memref_slice %arg2[%dma_start3A_110, %dma_start3A_111] : memref<10240x128xf32, #tpu.memory_space<hbm>> -> memref<10240x128xf32, #tpu.memory_space<hbm>>
            tpu.enqueue_indirect_dma source(%dma_start3A_112 : memref<10240x128xf32, #tpu.memory_space<hbm>>) target(%arg13 : memref<128x128xf32, #tpu.memory_space<vmem>>) offsets(%dma_start3A_109 : memref<128xi32, #tpu.memory_space<vmem>>) semaphore(%arg15 : memref<!tpu.dma_semaphore, #tpu.memory_space<semaphore_mem>>)
          } else {
          }
        }
        %scan3A_45 = arith.constant 20 : i32
        %dma_wait3A = arith.constant 0 : i32
        %dma_wait3A_46 = arith.constant 0 : i32
        %dma_wait3A_47 = tpu.memref_slice %arg12[%dma_wait3A, %dma_wait3A_46] : memref<40x128xi32, #tpu.memory_space<vmem>> -> memref<1x128xi32, #tpu.memory_space<vmem>>
        %dma_wait3A_48 = tpu.memref_squeeze %dma_wait3A_47 : memref<1x128xi32, #tpu.memory_space<vmem>> -> memref<128xi32, #tpu.memory_space<vmem>>
        %dma_wait3A_49 = arith.constant 0 : i32
        %dma_wait3A_50 = arith.constant 0 : i32
        %dma_wait3A_51 = tpu.memref_slice %arg10[%dma_wait3A_49, %dma_wait3A_50] : memref<10016x128xf32, #tpu.memory_space<vmem_shared>> -> memref<10016x128xf32, #tpu.memory_space<vmem_shared>>
        tpu.wait_indirect_dma semaphore(%arg18 : memref<!tpu.dma_semaphore, #tpu.memory_space<semaphore_mem>>) src(%arg14 : memref<128x128xf32, #tpu.memory_space<vmem>>) dst(%dma_wait3A_51 : memref<10016x128xf32, #tpu.memory_space<vmem_shared>>)
      }
      %scan3A_17 = arith.constant 4 : i32
      %barrier3A_18 = arith.constant 0 : index
      tpu.barrier barrier_id(%barrier3A_18)
      %scan3A_19 = arith.constant 0 : i32
      %scan3A_20 = arith.constant 0 : i32
      %scan3A_21 = arith.constant 6 : i32
      %scan3A_22 = arith.addi %scan3A_20, %scan3A_21 : i32
      %scan3A_23 = arith.constant 1 : i32
      scf.for %scan3A_30 = %scan3A_20 to %scan3A_22 step %scan3A_23  : i32 {
        %mul3A_31 = arith.constant 104 : i32
        %mul3A_32 = arith.muli %scan3A_30, %mul3A_31 : i32
        %add3A = arith.addi %mul3A_0, %mul3A_32 : i32
        "tpu.region"() ({
          %run_scoped3A = tpu.sem_alloc : memref<!tpu.dma_semaphore, #tpu.memory_space<semaphore_mem>>
          %dma_start3A = arith.constant 0 : i32
          %dma_start3A_39 = arith.constant 0 : i32
          %dma_start3A_40 = tpu.memref_slice %arg13[%dma_start3A, %dma_start3A_39] : memref<128x128xf32, #tpu.memory_space<vmem>> -> memref<104x128xf32, #tpu.memory_space<vmem>>
          %dma_start3A_41 = arith.constant 0 : i32
          %dma_start3A_42 = tpu.memref_slice %arg10[%add3A, %dma_start3A_41] : memref<10016x128xf32, #tpu.memory_space<vmem_shared>> -> memref<104x128xf32, #tpu.memory_space<vmem_shared>>
          %dma_start3A_43 = arith.constant 0 : i32
          %dma_start3A_44 = arith.constant 0 : i32
          %dma_start3A_45 = tpu.memref_slice %arg13[%dma_start3A_43, %dma_start3A_44] : memref<128x128xf32, #tpu.memory_space<vmem>> -> memref<104x128xf32, #tpu.memory_space<vmem>>
          %dma_start3A_46 = arith.constant 0 : i32
          %dma_start3A_47 = tpu.memref_slice %arg10[%add3A, %dma_start3A_46] : memref<10016x128xf32, #tpu.memory_space<vmem_shared>> -> memref<104x128xf32, #tpu.memory_space<vmem_shared>>
          tpu.enqueue_dma source(%dma_start3A_47 : memref<104x128xf32, #tpu.memory_space<vmem_shared>>) target(%dma_start3A_45 : memref<104x128xf32, #tpu.memory_space<vmem>>) target_semaphore(%run_scoped3A : memref<!tpu.dma_semaphore, #tpu.memory_space<semaphore_mem>>)
          %dma_wait3A = arith.constant 0 : i32
          %dma_wait3A_48 = arith.constant 0 : i32
          %dma_wait3A_49 = tpu.memref_slice %arg13[%dma_wait3A, %dma_wait3A_48] : memref<128x128xf32, #tpu.memory_space<vmem>> -> memref<104x128xf32, #tpu.memory_space<vmem>>
          %dma_wait3A_50 = arith.constant 0 : i32
          %dma_wait3A_51 = tpu.memref_slice %arg10[%add3A, %dma_wait3A_50] : memref<10016x128xf32, #tpu.memory_space<vmem_shared>> -> memref<104x128xf32, #tpu.memory_space<vmem_shared>>
          %dma_wait3A_52 = arith.constant 0 : i32
          %dma_wait3A_53 = arith.constant 0 : i32
          %dma_wait3A_54 = tpu.memref_slice %arg13[%dma_wait3A_52, %dma_wait3A_53] : memref<128x128xf32, #tpu.memory_space<vmem>> -> memref<104x128xf32, #tpu.memory_space<vmem>>
          %dma_wait3A_55 = arith.constant 0 : i32
          %dma_wait3A_56 = tpu.memref_slice %arg10[%add3A, %dma_wait3A_55] : memref<10016x128xf32, #tpu.memory_space<vmem_shared>> -> memref<104x128xf32, #tpu.memory_space<vmem_shared>>
          tpu.wait_dma2 semaphore(%run_scoped3A : memref<!tpu.dma_semaphore, #tpu.memory_space<semaphore_mem>>) src(%dma_wait3A_56 : memref<104x128xf32, #tpu.memory_space<vmem_shared>>) dst(%dma_wait3A_54 : memref<104x128xf32, #tpu.memory_space<vmem>>)
          tpu.yield
        }) : () -> ()
        %scan3A_33 = arith.constant 0 : i32
        %scan3A_34 = arith.constant 0 : i32
        %scan3A_35 = arith.constant 104 : i32
        %scan3A_36 = arith.addi %scan3A_34, %scan3A_35 : i32
        %scan3A_37 = arith.constant 1 : i32
        scf.for %scan3A_39 = %scan3A_34 to %scan3A_36 step %scan3A_37  : i32 {
          %get3A = arith.index_cast %scan3A_39 : i32 to index
          %get3A_40 = arith.constant 0 : index
          %get3A_41 = tpu.vector_load %arg13[%get3A, %get3A_40] {strides = array<i32>} : memref<128x128xf32, #tpu.memory_space<vmem>>, vector<1x16xf32>,
          %get3A_42 = vector.shape_cast %get3A_41 : vector<1x16xf32> to vector<16xf32>
          %max3A = arith.constant 0.000000e+00 : f32
          %max3A_43 = vector.broadcast %max3A : f32 to vector<16xf32>
          %max3A_44 = arith.maximumf %get3A_42, %max3A_43 : vector<16xf32>
          %swap3A = arith.index_cast %scan3A_39 : i32 to index
          %swap3A_45 = arith.constant 0 : index
          %swap3A_46 = tpu.vector_load %arg13[%swap3A, %swap3A_45] {strides = array<i32>} : memref<128x128xf32, #tpu.memory_space<vmem>>, vector<1x16xf32>,
          %swap3A_47 = vector.shape_cast %swap3A_46 : vector<1x16xf32> to vector<16xf32>
          %swap3A_48 = vector.shape_cast %max3A_44 : vector<16xf32> to vector<1x16xf32>
          tpu.vector_store %arg13[%swap3A, %swap3A_45], %swap3A_48 {strides = array<i32>} : memref<128x128xf32, #tpu.memory_space<vmem>>, vector<1x16xf32>,
          %get3A_49 = arith.index_cast %scan3A_39 : i32 to index
          %get3A_50 = arith.constant 16 : index
          %get3A_51 = tpu.vector_load %arg13[%get3A_49, %get3A_50] {strides = array<i32>} : memref<128x128xf32, #tpu.memory_space<vmem>>, vector<1x16xf32>,
          %get3A_52 = vector.shape_cast %get3A_51 : vector<1x16xf32> to vector<16xf32>
          %max3A_53 = arith.constant 0.000000e+00 : f32
          %max3A_54 = vector.broadcast %max3A_53 : f32 to vector<16xf32>
          %max3A_55 = arith.maximumf %get3A_52, %max3A_54 : vector<16xf32>
          %swap3A_56 = arith.index_cast %scan3A_39 : i32 to index
          %swap3A_57 = arith.constant 16 : index
          %swap3A_58 = tpu.vector_load %arg13[%swap3A_56, %swap3A_57] {strides = array<i32>} : memref<128x128xf32, #tpu.memory_space<vmem>>, vector<1x16xf32>,
          %swap3A_59 = vector.shape_cast %swap3A_58 : vector<1x16xf32> to vector<16xf32>
          %swap3A_60 = vector.shape_cast %max3A_55 : vector<16xf32> to vector<1x16xf32>
          tpu.vector_store %arg13[%swap3A_56, %swap3A_57], %swap3A_60 {strides = array<i32>} : memref<128x128xf32, #tpu.memory_space<vmem>>, vector<1x16xf32>,
          %get3A_61 = arith.index_cast %scan3A_39 : i32 to index
          %get3A_62 = arith.constant 32 : index
          %get3A_63 = tpu.vector_load %arg13[%get3A_61, %get3A_62] {strides = array<i32>} : memref<128x128xf32, #tpu.memory_space<vmem>>, vector<1x16xf32>,
          %get3A_64 = vector.shape_cast %get3A_63 : vector<1x16xf32> to vector<16xf32>
          %max3A_65 = arith.constant 0.000000e+00 : f32
          %max3A_66 = vector.broadcast %max3A_65 : f32 to vector<16xf32>
          %max3A_67 = arith.maximumf %get3A_64, %max3A_66 : vector<16xf32>
          %swap3A_68 = arith.index_cast %scan3A_39 : i32 to index
          %swap3A_69 = arith.constant 32 : index
          %swap3A_70 = tpu.vector_load %arg13[%swap3A_68, %swap3A_69] {strides = array<i32>} : memref<128x128xf32, #tpu.memory_space<vmem>>, vector<1x16xf32>,
          %swap3A_71 = vector.shape_cast %swap3A_70 : vector<1x16xf32> to vector<16xf32>
          %swap3A_72 = vector.shape_cast %max3A_67 : vector<16xf32> to vector<1x16xf32>
          tpu.vector_store %arg13[%swap3A_68, %swap3A_69], %swap3A_72 {strides = array<i32>} : memref<128x128xf32, #tpu.memory_space<vmem>>, vector<1x16xf32>,
          %get3A_73 = arith.index_cast %scan3A_39 : i32 to index
          %get3A_74 = arith.constant 48 : index
          %get3A_75 = tpu.vector_load %arg13[%get3A_73, %get3A_74] {strides = array<i32>} : memref<128x128xf32, #tpu.memory_space<vmem>>, vector<1x16xf32>,
          %get3A_76 = vector.shape_cast %get3A_75 : vector<1x16xf32> to vector<16xf32>
          %max3A_77 = arith.constant 0.000000e+00 : f32
          %max3A_78 = vector.broadcast %max3A_77 : f32 to vector<16xf32>
          %max3A_79 = arith.maximumf %get3A_76, %max3A_78 : vector<16xf32>
          %swap3A_80 = arith.index_cast %scan3A_39 : i32 to index
          %swap3A_81 = arith.constant 48 : index
          %swap3A_82 = tpu.vector_load %arg13[%swap3A_80, %swap3A_81] {strides = array<i32>} : memref<128x128xf32, #tpu.memory_space<vmem>>, vector<1x16xf32>,
          %swap3A_83 = vector.shape_cast %swap3A_82 : vector<1x16xf32> to vector<16xf32>
          %swap3A_84 = vector.shape_cast %max3A_79 : vector<16xf32> to vector<1x16xf32>
          tpu.vector_store %arg13[%swap3A_80, %swap3A_81], %swap3A_84 {strides = array<i32>} : memref<128x128xf32, #tpu.memory_space<vmem>>, vector<1x16xf32>,
          %get3A_85 = arith.index_cast %scan3A_39 : i32 to index
          %get3A_86 = arith.constant 64 : index
          %get3A_87 = tpu.vector_load %arg13[%get3A_85, %get3A_86] {strides = array<i32>} : memref<128x128xf32, #tpu.memory_space<vmem>>, vector<1x16xf32>,
          %get3A_88 = vector.shape_cast %get3A_87 : vector<1x16xf32> to vector<16xf32>
          %max3A_89 = arith.constant 0.000000e+00 : f32
          %max3A_90 = vector.broadcast %max3A_89 : f32 to vector<16xf32>
          %max3A_91 = arith.maximumf %get3A_88, %max3A_90 : vector<16xf32>
          %swap3A_92 = arith.index_cast %scan3A_39 : i32 to index
          %swap3A_93 = arith.constant 64 : index
          %swap3A_94 = tpu.vector_load %arg13[%swap3A_92, %swap3A_93] {strides = array<i32>} : memref<128x128xf32, #tpu.memory_space<vmem>>, vector<1x16xf32>,
          %swap3A_95 = vector.shape_cast %swap3A_94 : vector<1x16xf32> to vector<16xf32>
          %swap3A_96 = vector.shape_cast %max3A_91 : vector<16xf32> to vector<1x16xf32>
          tpu.vector_store %arg13[%swap3A_92, %swap3A_93], %swap3A_96 {strides = array<i32>} : memref<128x128xf32, #tpu.memory_space<vmem>>, vector<1x16xf32>,
          %get3A_97 = arith.index_cast %scan3A_39 : i32 to index
          %get3A_98 = arith.constant 80 : index
          %get3A_99 = tpu.vector_load %arg13[%get3A_97, %get3A_98] {strides = array<i32>} : memref<128x128xf32, #tpu.memory_space<vmem>>, vector<1x16xf32>,
          %get3A_100 = vector.shape_cast %get3A_99 : vector<1x16xf32> to vector<16xf32>
          %max3A_101 = arith.constant 0.000000e+00 : f32
          %max3A_102 = vector.broadcast %max3A_101 : f32 to vector<16xf32>
          %max3A_103 = arith.maximumf %get3A_100, %max3A_102 : vector<16xf32>
          %swap3A_104 = arith.index_cast %scan3A_39 : i32 to index
          %swap3A_105 = arith.constant 80 : index
          %swap3A_106 = tpu.vector_load %arg13[%swap3A_104, %swap3A_105] {strides = array<i32>} : memref<128x128xf32, #tpu.memory_space<vmem>>, vector<1x16xf32>,
          %swap3A_107 = vector.shape_cast %swap3A_106 : vector<1x16xf32> to vector<16xf32>
          %swap3A_108 = vector.shape_cast %max3A_103 : vector<16xf32> to vector<1x16xf32>
          tpu.vector_store %arg13[%swap3A_104, %swap3A_105], %swap3A_108 {strides = array<i32>} : memref<128x128xf32, #tpu.memory_space<vmem>>, vector<1x16xf32>,
          %get3A_109 = arith.index_cast %scan3A_39 : i32 to index
          %get3A_110 = arith.constant 96 : index
          %get3A_111 = tpu.vector_load %arg13[%get3A_109, %get3A_110] {strides = array<i32>} : memref<128x128xf32, #tpu.memory_space<vmem>>, vector<1x16xf32>,
          %get3A_112 = vector.shape_cast %get3A_111 : vector<1x16xf32> to vector<16xf32>
          %max3A_113 = arith.constant 0.000000e+00 : f32
          %max3A_114 = vector.broadcast %max3A_113 : f32 to vector<16xf32>
          %max3A_115 = arith.maximumf %get3A_112, %max3A_114 : vector<16xf32>
          %swap3A_116 = arith.index_cast %scan3A_39 : i32 to index
          %swap3A_117 = arith.constant 96 : index
          %swap3A_118 = tpu.vector_load %arg13[%swap3A_116, %swap3A_117] {strides = array<i32>} : memref<128x128xf32, #tpu.memory_space<vmem>>, vector<1x16xf32>,
          %swap3A_119 = vector.shape_cast %swap3A_118 : vector<1x16xf32> to vector<16xf32>
          %swap3A_120 = vector.shape_cast %max3A_115 : vector<16xf32> to vector<1x16xf32>
          tpu.vector_store %arg13[%swap3A_116, %swap3A_117], %swap3A_120 {strides = array<i32>} : memref<128x128xf32, #tpu.memory_space<vmem>>, vector<1x16xf32>,
          %get3A_121 = arith.index_cast %scan3A_39 : i32 to index
          %get3A_122 = arith.constant 112 : index
          %get3A_123 = tpu.vector_load %arg13[%get3A_121, %get3A_122] {strides = array<i32>} : memref<128x128xf32, #tpu.memory_space<vmem>>, vector<1x16xf32>,
          %get3A_124 = vector.shape_cast %get3A_123 : vector<1x16xf32> to vector<16xf32>
          %max3A_125 = arith.constant 0.000000e+00 : f32
          %max3A_126 = vector.broadcast %max3A_125 : f32 to vector<16xf32>
          %max3A_127 = arith.maximumf %get3A_124, %max3A_126 : vector<16xf32>
          %swap3A_128 = arith.index_cast %scan3A_39 : i32 to index
          %swap3A_129 = arith.constant 112 : index
          %swap3A_130 = tpu.vector_load %arg13[%swap3A_128, %swap3A_129] {strides = array<i32>} : memref<128x128xf32, #tpu.memory_space<vmem>>, vector<1x16xf32>,
          %swap3A_131 = vector.shape_cast %swap3A_130 : vector<1x16xf32> to vector<16xf32>
          %swap3A_132 = vector.shape_cast %max3A_127 : vector<16xf32> to vector<1x16xf32>
          tpu.vector_store %arg13[%swap3A_128, %swap3A_129], %swap3A_132 {strides = array<i32>} : memref<128x128xf32, #tpu.memory_space<vmem>>, vector<1x16xf32>,
        }
        %scan3A_38 = arith.constant 104 : i32
        "tpu.region"() ({
          %run_scoped3A = tpu.sem_alloc : memref<!tpu.dma_semaphore, #tpu.memory_space<semaphore_mem>>
          %dma_start3A = arith.constant 0 : i32
          %dma_start3A_39 = arith.constant 0 : i32
          %dma_start3A_40 = tpu.memref_slice %arg13[%dma_start3A, %dma_start3A_39] : memref<128x128xf32, #tpu.memory_space<vmem>> -> memref<104x128xf32, #tpu.memory_space<vmem>>
          %dma_start3A_41 = arith.constant 0 : i32
          %dma_start3A_42 = tpu.memref_slice %arg8[%add3A, %dma_start3A_41] : memref<10000x128xf32, #tpu.memory_space<hbm>> -> memref<104x128xf32, #tpu.memory_space<hbm>>
          %dma_start3A_43 = arith.constant 0 : i32
          %dma_start3A_44 = tpu.memref_slice %arg8[%add3A, %dma_start3A_43] : memref<10000x128xf32, #tpu.memory_space<hbm>> -> memref<104x128xf32, #tpu.memory_space<hbm>>
          %dma_start3A_45 = arith.constant 0 : i32
          %dma_start3A_46 = arith.constant 0 : i32
          %dma_start3A_47 = tpu.memref_slice %arg13[%dma_start3A_45, %dma_start3A_46] : memref<128x128xf32, #tpu.memory_space<vmem>> -> memref<104x128xf32, #tpu.memory_space<vmem>>
          tpu.enqueue_dma source(%dma_start3A_47 : memref<104x128xf32, #tpu.memory_space<vmem>>) target(%dma_start3A_44 : memref<104x128xf32, #tpu.memory_space<hbm>>) target_semaphore(%run_scoped3A : memref<!tpu.dma_semaphore, #tpu.memory_space<semaphore_mem>>)
          %dma_wait3A = arith.constant 0 : i32
          %dma_wait3A_48 = arith.constant 0 : i32
          %dma_wait3A_49 = tpu.memref_slice %arg13[%dma_wait3A, %dma_wait3A_48] : memref<128x128xf32, #tpu.memory_space<vmem>> -> memref<104x128xf32, #tpu.memory_space<vmem>>
          %dma_wait3A_50 = arith.constant 0 : i32
          %dma_wait3A_51 = tpu.memref_slice %arg8[%add3A, %dma_wait3A_50] : memref<10000x128xf32, #tpu.memory_space<hbm>> -> memref<104x128xf32, #tpu.memory_space<hbm>>
          %dma_wait3A_52 = arith.constant 0 : i32
          %dma_wait3A_53 = tpu.memref_slice %arg8[%add3A, %dma_wait3A_52] : memref<10000x128xf32, #tpu.memory_space<hbm>> -> memref<104x128xf32, #tpu.memory_space<hbm>>
          %dma_wait3A_54 = arith.constant 0 : i32
          %dma_wait3A_55 = arith.constant 0 : i32
          %dma_wait3A_56 = tpu.memref_slice %arg13[%dma_wait3A_54, %dma_wait3A_55] : memref<128x128xf32, #tpu.memory_space<vmem>> -> memref<104x128xf32, #tpu.memory_space<vmem>>
          tpu.wait_dma2 semaphore(%run_scoped3A : memref<!tpu.dma_semaphore, #tpu.memory_space<semaphore_mem>>) src(%dma_wait3A_56 : memref<104x128xf32, #tpu.memory_space<vmem>>) dst(%dma_wait3A_53 : memref<104x128xf32, #tpu.memory_space<hbm>>)
          tpu.yield
        }) : () -> ()
      }
      %scan3A_24 = arith.constant 6 : i32
      %eq3A_25 = arith.constant 15 : i32
      %eq3A_26 = arith.cmpi eq, %arg1, %eq3A_25 : i32
      %convert_element_type3A_27 = arith.extui %eq3A_26 : i1 to i32
      %cond3A_28 = arith.constant 0 : i32
      %cond3A_29 = arith.cmpi ne, %convert_element_type3A_27, %cond3A_28 : i32
      scf.if %cond3A_29 {
        "tpu.region"() ({
          %run_scoped3A = tpu.sem_alloc : memref<!tpu.dma_semaphore, #tpu.memory_space<semaphore_mem>>
          %dma_start3A = arith.constant 0 : i32
          %dma_start3A_36 = arith.constant 0 : i32
          %dma_start3A_37 = tpu.memref_slice %arg13[%dma_start3A, %dma_start3A_36] : memref<128x128xf32, #tpu.memory_space<vmem>> -> memref<16x128xf32, #tpu.memory_space<vmem>>
          %dma_start3A_38 = arith.constant 9984 : i32
          %dma_start3A_39 = arith.constant 0 : i32
          %dma_start3A_40 = tpu.memref_slice %arg10[%dma_start3A_38, %dma_start3A_39] : memref<10016x128xf32, #tpu.memory_space<vmem_shared>> -> memref<16x128xf32, #tpu.memory_space<vmem_shared>>
          %dma_start3A_41 = arith.constant 0 : i32
          %dma_start3A_42 = arith.constant 0 : i32
          %dma_start3A_43 = tpu.memref_slice %arg13[%dma_start3A_41, %dma_start3A_42] : memref<128x128xf32, #tpu.memory_space<vmem>> -> memref<16x128xf32, #tpu.memory_space<vmem>>
          %dma_start3A_44 = arith.constant 9984 : i32
          %dma_start3A_45 = arith.constant 0 : i32
          %dma_start3A_46 = tpu.memref_slice %arg10[%dma_start3A_44, %dma_start3A_45] : memref<10016x128xf32, #tpu.memory_space<vmem_shared>> -> memref<16x128xf32, #tpu.memory_space<vmem_shared>>
          tpu.enqueue_dma source(%dma_start3A_46 : memref<16x128xf32, #tpu.memory_space<vmem_shared>>) target(%dma_start3A_43 : memref<16x128xf32, #tpu.memory_space<vmem>>) target_semaphore(%run_scoped3A : memref<!tpu.dma_semaphore, #tpu.memory_space<semaphore_mem>>)
          %dma_wait3A = arith.constant 0 : i32
          %dma_wait3A_47 = arith.constant 0 : i32
          %dma_wait3A_48 = tpu.memref_slice %arg13[%dma_wait3A, %dma_wait3A_47] : memref<128x128xf32, #tpu.memory_space<vmem>> -> memref<16x128xf32, #tpu.memory_space<vmem>>
          %dma_wait3A_49 = arith.constant 9984 : i32
          %dma_wait3A_50 = arith.constant 0 : i32
          %dma_wait3A_51 = tpu.memref_slice %arg10[%dma_wait3A_49, %dma_wait3A_50] : memref<10016x128xf32, #tpu.memory_space<vmem_shared>> -> memref<16x128xf32, #tpu.memory_space<vmem_shared>>
          %dma_wait3A_52 = arith.constant 0 : i32
          %dma_wait3A_53 = arith.constant 0 : i32
          %dma_wait3A_54 = tpu.memref_slice %arg13[%dma_wait3A_52, %dma_wait3A_53] : memref<128x128xf32, #tpu.memory_space<vmem>> -> memref<16x128xf32, #tpu.memory_space<vmem>>
          %dma_wait3A_55 = arith.constant 9984 : i32
          %dma_wait3A_56 = arith.constant 0 : i32
          %dma_wait3A_57 = tpu.memref_slice %arg10[%dma_wait3A_55, %dma_wait3A_56] : memref<10016x128xf32, #tpu.memory_space<vmem_shared>> -> memref<16x128xf32, #tpu.memory_space<vmem_shared>>
          tpu.wait_dma2 semaphore(%run_scoped3A : memref<!tpu.dma_semaphore, #tpu.memory_space<semaphore_mem>>) src(%dma_wait3A_57 : memref<16x128xf32, #tpu.memory_space<vmem_shared>>) dst(%dma_wait3A_54 : memref<16x128xf32, #tpu.memory_space<vmem>>)
          tpu.yield
        }) : () -> ()
        %scan3A_30 = arith.constant 0 : i32
        %scan3A_31 = arith.constant 0 : i32
        %scan3A_32 = arith.constant 16 : i32
        %scan3A_33 = arith.addi %scan3A_31, %scan3A_32 : i32
        %scan3A_34 = arith.constant 1 : i32
        scf.for %scan3A_36 = %scan3A_31 to %scan3A_33 step %scan3A_34  : i32 {
          %get3A = arith.index_cast %scan3A_36 : i32 to index
          %get3A_37 = arith.constant 0 : index
          %get3A_38 = tpu.vector_load %arg13[%get3A, %get3A_37] {strides = array<i32>} : memref<128x128xf32, #tpu.memory_space<vmem>>, vector<1x16xf32>,
          %get3A_39 = vector.shape_cast %get3A_38 : vector<1x16xf32> to vector<16xf32>
          %max3A = arith.constant 0.000000e+00 : f32
          %max3A_40 = vector.broadcast %max3A : f32 to vector<16xf32>
          %max3A_41 = arith.maximumf %get3A_39, %max3A_40 : vector<16xf32>
          %swap3A = arith.index_cast %scan3A_36 : i32 to index
          %swap3A_42 = arith.constant 0 : index
          %swap3A_43 = tpu.vector_load %arg13[%swap3A, %swap3A_42] {strides = array<i32>} : memref<128x128xf32, #tpu.memory_space<vmem>>, vector<1x16xf32>,
          %swap3A_44 = vector.shape_cast %swap3A_43 : vector<1x16xf32> to vector<16xf32>
          %swap3A_45 = vector.shape_cast %max3A_41 : vector<16xf32> to vector<1x16xf32>
          tpu.vector_store %arg13[%swap3A, %swap3A_42], %swap3A_45 {strides = array<i32>} : memref<128x128xf32, #tpu.memory_space<vmem>>, vector<1x16xf32>,
          %get3A_46 = arith.index_cast %scan3A_36 : i32 to index
          %get3A_47 = arith.constant 16 : index
          %get3A_48 = tpu.vector_load %arg13[%get3A_46, %get3A_47] {strides = array<i32>} : memref<128x128xf32, #tpu.memory_space<vmem>>, vector<1x16xf32>,
          %get3A_49 = vector.shape_cast %get3A_48 : vector<1x16xf32> to vector<16xf32>
          %max3A_50 = arith.constant 0.000000e+00 : f32
          %max3A_51 = vector.broadcast %max3A_50 : f32 to vector<16xf32>
          %max3A_52 = arith.maximumf %get3A_49, %max3A_51 : vector<16xf32>
          %swap3A_53 = arith.index_cast %scan3A_36 : i32 to index
          %swap3A_54 = arith.constant 16 : index
          %swap3A_55 = tpu.vector_load %arg13[%swap3A_53, %swap3A_54] {strides = array<i32>} : memref<128x128xf32, #tpu.memory_space<vmem>>, vector<1x16xf32>,
          %swap3A_56 = vector.shape_cast %swap3A_55 : vector<1x16xf32> to vector<16xf32>
          %swap3A_57 = vector.shape_cast %max3A_52 : vector<16xf32> to vector<1x16xf32>
          tpu.vector_store %arg13[%swap3A_53, %swap3A_54], %swap3A_57 {strides = array<i32>} : memref<128x128xf32, #tpu.memory_space<vmem>>, vector<1x16xf32>,
          %get3A_58 = arith.index_cast %scan3A_36 : i32 to index
          %get3A_59 = arith.constant 32 : index
          %get3A_60 = tpu.vector_load %arg13[%get3A_58, %get3A_59] {strides = array<i32>} : memref<128x128xf32, #tpu.memory_space<vmem>>, vector<1x16xf32>,
          %get3A_61 = vector.shape_cast %get3A_60 : vector<1x16xf32> to vector<16xf32>
          %max3A_62 = arith.constant 0.000000e+00 : f32
          %max3A_63 = vector.broadcast %max3A_62 : f32 to vector<16xf32>
          %max3A_64 = arith.maximumf %get3A_61, %max3A_63 : vector<16xf32>
          %swap3A_65 = arith.index_cast %scan3A_36 : i32 to index
          %swap3A_66 = arith.constant 32 : index
          %swap3A_67 = tpu.vector_load %arg13[%swap3A_65, %swap3A_66] {strides = array<i32>} : memref<128x128xf32, #tpu.memory_space<vmem>>, vector<1x16xf32>,
          %swap3A_68 = vector.shape_cast %swap3A_67 : vector<1x16xf32> to vector<16xf32>
          %swap3A_69 = vector.shape_cast %max3A_64 : vector<16xf32> to vector<1x16xf32>
          tpu.vector_store %arg13[%swap3A_65, %swap3A_66], %swap3A_69 {strides = array<i32>} : memref<128x128xf32, #tpu.memory_space<vmem>>, vector<1x16xf32>,
          %get3A_70 = arith.index_cast %scan3A_36 : i32 to index
          %get3A_71 = arith.constant 48 : index
          %get3A_72 = tpu.vector_load %arg13[%get3A_70, %get3A_71] {strides = array<i32>} : memref<128x128xf32, #tpu.memory_space<vmem>>, vector<1x16xf32>,
          %get3A_73 = vector.shape_cast %get3A_72 : vector<1x16xf32> to vector<16xf32>
          %max3A_74 = arith.constant 0.000000e+00 : f32
          %max3A_75 = vector.broadcast %max3A_74 : f32 to vector<16xf32>
          %max3A_76 = arith.maximumf %get3A_73, %max3A_75 : vector<16xf32>
          %swap3A_77 = arith.index_cast %scan3A_36 : i32 to index
          %swap3A_78 = arith.constant 48 : index
          %swap3A_79 = tpu.vector_load %arg13[%swap3A_77, %swap3A_78] {strides = array<i32>} : memref<128x128xf32, #tpu.memory_space<vmem>>, vector<1x16xf32>,
          %swap3A_80 = vector.shape_cast %swap3A_79 : vector<1x16xf32> to vector<16xf32>
          %swap3A_81 = vector.shape_cast %max3A_76 : vector<16xf32> to vector<1x16xf32>
          tpu.vector_store %arg13[%swap3A_77, %swap3A_78], %swap3A_81 {strides = array<i32>} : memref<128x128xf32, #tpu.memory_space<vmem>>, vector<1x16xf32>,
          %get3A_82 = arith.index_cast %scan3A_36 : i32 to index
          %get3A_83 = arith.constant 64 : index
          %get3A_84 = tpu.vector_load %arg13[%get3A_82, %get3A_83] {strides = array<i32>} : memref<128x128xf32, #tpu.memory_space<vmem>>, vector<1x16xf32>,
          %get3A_85 = vector.shape_cast %get3A_84 : vector<1x16xf32> to vector<16xf32>
          %max3A_86 = arith.constant 0.000000e+00 : f32
          %max3A_87 = vector.broadcast %max3A_86 : f32 to vector<16xf32>
          %max3A_88 = arith.maximumf %get3A_85, %max3A_87 : vector<16xf32>
          %swap3A_89 = arith.index_cast %scan3A_36 : i32 to index
          %swap3A_90 = arith.constant 64 : index
          %swap3A_91 = tpu.vector_load %arg13[%swap3A_89, %swap3A_90] {strides = array<i32>} : memref<128x128xf32, #tpu.memory_space<vmem>>, vector<1x16xf32>,
          %swap3A_92 = vector.shape_cast %swap3A_91 : vector<1x16xf32> to vector<16xf32>
          %swap3A_93 = vector.shape_cast %max3A_88 : vector<16xf32> to vector<1x16xf32>
          tpu.vector_store %arg13[%swap3A_89, %swap3A_90], %swap3A_93 {strides = array<i32>} : memref<128x128xf32, #tpu.memory_space<vmem>>, vector<1x16xf32>,
          %get3A_94 = arith.index_cast %scan3A_36 : i32 to index
          %get3A_95 = arith.constant 80 : index
          %get3A_96 = tpu.vector_load %arg13[%get3A_94, %get3A_95] {strides = array<i32>} : memref<128x128xf32, #tpu.memory_space<vmem>>, vector<1x16xf32>,
          %get3A_97 = vector.shape_cast %get3A_96 : vector<1x16xf32> to vector<16xf32>
          %max3A_98 = arith.constant 0.000000e+00 : f32
          %max3A_99 = vector.broadcast %max3A_98 : f32 to vector<16xf32>
          %max3A_100 = arith.maximumf %get3A_97, %max3A_99 : vector<16xf32>
          %swap3A_101 = arith.index_cast %scan3A_36 : i32 to index
          %swap3A_102 = arith.constant 80 : index
          %swap3A_103 = tpu.vector_load %arg13[%swap3A_101, %swap3A_102] {strides = array<i32>} : memref<128x128xf32, #tpu.memory_space<vmem>>, vector<1x16xf32>,
          %swap3A_104 = vector.shape_cast %swap3A_103 : vector<1x16xf32> to vector<16xf32>
          %swap3A_105 = vector.shape_cast %max3A_100 : vector<16xf32> to vector<1x16xf32>
          tpu.vector_store %arg13[%swap3A_101, %swap3A_102], %swap3A_105 {strides = array<i32>} : memref<128x128xf32, #tpu.memory_space<vmem>>, vector<1x16xf32>,
          %get3A_106 = arith.index_cast %scan3A_36 : i32 to index
          %get3A_107 = arith.constant 96 : index
          %get3A_108 = tpu.vector_load %arg13[%get3A_106, %get3A_107] {strides = array<i32>} : memref<128x128xf32, #tpu.memory_space<vmem>>, vector<1x16xf32>,
          %get3A_109 = vector.shape_cast %get3A_108 : vector<1x16xf32> to vector<16xf32>
          %max3A_110 = arith.constant 0.000000e+00 : f32
          %max3A_111 = vector.broadcast %max3A_110 : f32 to vector<16xf32>
          %max3A_112 = arith.maximumf %get3A_109, %max3A_111 : vector<16xf32>
          %swap3A_113 = arith.index_cast %scan3A_36 : i32 to index
          %swap3A_114 = arith.constant 96 : index
          %swap3A_115 = tpu.vector_load %arg13[%swap3A_113, %swap3A_114] {strides = array<i32>} : memref<128x128xf32, #tpu.memory_space<vmem>>, vector<1x16xf32>,
          %swap3A_116 = vector.shape_cast %swap3A_115 : vector<1x16xf32> to vector<16xf32>
          %swap3A_117 = vector.shape_cast %max3A_112 : vector<16xf32> to vector<1x16xf32>
          tpu.vector_store %arg13[%swap3A_113, %swap3A_114], %swap3A_117 {strides = array<i32>} : memref<128x128xf32, #tpu.memory_space<vmem>>, vector<1x16xf32>,
          %get3A_118 = arith.index_cast %scan3A_36 : i32 to index
          %get3A_119 = arith.constant 112 : index
          %get3A_120 = tpu.vector_load %arg13[%get3A_118, %get3A_119] {strides = array<i32>} : memref<128x128xf32, #tpu.memory_space<vmem>>, vector<1x16xf32>,
          %get3A_121 = vector.shape_cast %get3A_120 : vector<1x16xf32> to vector<16xf32>
          %max3A_122 = arith.constant 0.000000e+00 : f32
          %max3A_123 = vector.broadcast %max3A_122 : f32 to vector<16xf32>
          %max3A_124 = arith.maximumf %get3A_121, %max3A_123 : vector<16xf32>
          %swap3A_125 = arith.index_cast %scan3A_36 : i32 to index
          %swap3A_126 = arith.constant 112 : index
          %swap3A_127 = tpu.vector_load %arg13[%swap3A_125, %swap3A_126] {strides = array<i32>} : memref<128x128xf32, #tpu.memory_space<vmem>>, vector<1x16xf32>,
          %swap3A_128 = vector.shape_cast %swap3A_127 : vector<1x16xf32> to vector<16xf32>
          %swap3A_129 = vector.shape_cast %max3A_124 : vector<16xf32> to vector<1x16xf32>
          tpu.vector_store %arg13[%swap3A_125, %swap3A_126], %swap3A_129 {strides = array<i32>} : memref<128x128xf32, #tpu.memory_space<vmem>>, vector<1x16xf32>,
        }
        %scan3A_35 = arith.constant 16 : i32
        "tpu.region"() ({
          %run_scoped3A = tpu.sem_alloc : memref<!tpu.dma_semaphore, #tpu.memory_space<semaphore_mem>>
          %dma_start3A = arith.constant 0 : i32
          %dma_start3A_36 = arith.constant 0 : i32
          %dma_start3A_37 = tpu.memref_slice %arg13[%dma_start3A, %dma_start3A_36] : memref<128x128xf32, #tpu.memory_space<vmem>> -> memref<16x128xf32, #tpu.memory_space<vmem>>
          %dma_start3A_38 = arith.constant 9984 : i32
          %dma_start3A_39 = arith.constant 0 : i32
          %dma_start3A_40 = tpu.memref_slice %arg8[%dma_start3A_38, %dma_start3A_39] : memref<10000x128xf32, #tpu.memory_space<hbm>> -> memref<16x128xf32, #tpu.memory_space<hbm>>
          %dma_start3A_41 = arith.constant 9984 : i32
          %dma_start3A_42 = arith.constant 0 : i32
          %dma_start3A_43 = tpu.memref_slice %arg8[%dma_start3A_41, %dma_start3A_42] : memref<10000x128xf32, #tpu.memory_space<hbm>> -> memref<16x128xf32, #tpu.memory_space<hbm>>
          %dma_start3A_44 = arith.constant 0 : i32
          %dma_start3A_45 = arith.constant 0 : i32
          %dma_start3A_46 = tpu.memref_slice %arg13[%dma_start3A_44, %dma_start3A_45] : memref<128x128xf32, #tpu.memory_space<vmem>> -> memref<16x128xf32, #tpu.memory_space<vmem>>
          tpu.enqueue_dma source(%dma_start3A_46 : memref<16x128xf32, #tpu.memory_space<vmem>>) target(%dma_start3A_43 : memref<16x128xf32, #tpu.memory_space<hbm>>) target_semaphore(%run_scoped3A : memref<!tpu.dma_semaphore, #tpu.memory_space<semaphore_mem>>)
          %dma_wait3A = arith.constant 0 : i32
          %dma_wait3A_47 = arith.constant 0 : i32
          %dma_wait3A_48 = tpu.memref_slice %arg13[%dma_wait3A, %dma_wait3A_47] : memref<128x128xf32, #tpu.memory_space<vmem>> -> memref<16x128xf32, #tpu.memory_space<vmem>>
          %dma_wait3A_49 = arith.constant 9984 : i32
          %dma_wait3A_50 = arith.constant 0 : i32
          %dma_wait3A_51 = tpu.memref_slice %arg8[%dma_wait3A_49, %dma_wait3A_50] : memref<10000x128xf32, #tpu.memory_space<hbm>> -> memref<16x128xf32, #tpu.memory_space<hbm>>
          %dma_wait3A_52 = arith.constant 9984 : i32
          %dma_wait3A_53 = arith.constant 0 : i32
          %dma_wait3A_54 = tpu.memref_slice %arg8[%dma_wait3A_52, %dma_wait3A_53] : memref<10000x128xf32, #tpu.memory_space<hbm>> -> memref<16x128xf32, #tpu.memory_space<hbm>>
          %dma_wait3A_55 = arith.constant 0 : i32
          %dma_wait3A_56 = arith.constant 0 : i32
          %dma_wait3A_57 = tpu.memref_slice %arg13[%dma_wait3A_55, %dma_wait3A_56] : memref<128x128xf32, #tpu.memory_space<vmem>> -> memref<16x128xf32, #tpu.memory_space<vmem>>
          tpu.wait_dma2 semaphore(%run_scoped3A : memref<!tpu.dma_semaphore, #tpu.memory_space<semaphore_mem>>) src(%dma_wait3A_57 : memref<16x128xf32, #tpu.memory_space<vmem>>) dst(%dma_wait3A_54 : memref<16x128xf32, #tpu.memory_space<hbm>>)
          tpu.yield
        }) : () -> ()
      } else {
      }
    } else {
    }
    %eq3A_3 = arith.constant 1 : i32
    %eq3A_4 = arith.cmpi eq, %arg0, %eq3A_3 : i32
    %convert_element_type3A_5 = arith.extui %eq3A_4 : i1 to i32
    %cond3A_6 = arith.constant 0 : i32
    %cond3A_7 = arith.cmpi ne, %convert_element_type3A_5, %cond3A_6 : i32
    scf.if %cond3A_7 {
      "tpu.region"() ({
        %run_scoped3A = tpu.sem_alloc : memref<!tpu.dma_semaphore, #tpu.memory_space<semaphore_mem>>
        %dma_start3A = arith.constant 0 : i32
        %dma_start3A_30 = tpu.memref_slice %arg10[%mul3A_0, %dma_start3A] : memref<10016x128xf32, #tpu.memory_space<vmem_shared>> -> memref<624x128xf32, #tpu.memory_space<vmem_shared>>
        %dma_start3A_31 = arith.constant 0 : i32
        %dma_start3A_32 = tpu.memref_slice %arg7[%mul3A_0, %dma_start3A_31] : memref<10240x128xf32, #tpu.memory_space<hbm>> -> memref<624x128xf32, #tpu.memory_space<hbm>>
        tpu.enqueue_dma source(%dma_start3A_32 : memref<624x128xf32, #tpu.memory_space<hbm>>) target(%dma_start3A_30 : memref<624x128xf32, #tpu.memory_space<vmem_shared>>) target_semaphore(%run_scoped3A : memref<!tpu.dma_semaphore, #tpu.memory_space<semaphore_mem>>)
        %dma_wait3A = arith.constant 0 : i32
        %dma_wait3A_33 = tpu.memref_slice %arg10[%mul3A_0, %dma_wait3A] : memref<10016x128xf32, #tpu.memory_space<vmem_shared>> -> memref<624x128xf32, #tpu.memory_space<vmem_shared>>
        %dma_wait3A_34 = arith.constant 0 : i32
        %dma_wait3A_35 = tpu.memref_slice %arg7[%mul3A_0, %dma_wait3A_34] : memref<10240x128xf32, #tpu.memory_space<hbm>> -> memref<624x128xf32, #tpu.memory_space<hbm>>
        tpu.wait_dma2 semaphore(%run_scoped3A : memref<!tpu.dma_semaphore, #tpu.memory_space<semaphore_mem>>) src(%dma_wait3A_35 : memref<624x128xf32, #tpu.memory_space<hbm>>) dst(%dma_wait3A_33 : memref<624x128xf32, #tpu.memory_space<vmem_shared>>)
        tpu.yield
      }) : () -> ()
      %eq3A_8 = arith.constant 15 : i32
      %eq3A_9 = arith.cmpi eq, %arg1, %eq3A_8 : i32
      %convert_element_type3A_10 = arith.extui %eq3A_9 : i1 to i32
      %cond3A_11 = arith.constant 0 : i32
      %cond3A_12 = arith.cmpi ne, %convert_element_type3A_10, %cond3A_11 : i32
      scf.if %cond3A_12 {
        "tpu.region"() ({
          %run_scoped3A = tpu.sem_alloc : memref<!tpu.dma_semaphore, #tpu.memory_space<semaphore_mem>>
          %dma_start3A = arith.constant 9984 : i32
          %dma_start3A_30 = arith.constant 0 : i32
          %dma_start3A_31 = tpu.memref_slice %arg10[%dma_start3A, %dma_start3A_30] : memref<10016x128xf32, #tpu.memory_space<vmem_shared>> -> memref<16x128xf32, #tpu.memory_space<vmem_shared>>
          %dma_start3A_32 = arith.constant 9984 : i32
          %dma_start3A_33 = arith.constant 0 : i32
          %dma_start3A_34 = tpu.memref_slice %arg7[%dma_start3A_32, %dma_start3A_33] : memref<10240x128xf32, #tpu.memory_space<hbm>> -> memref<16x128xf32, #tpu.memory_space<hbm>>
          tpu.enqueue_dma source(%dma_start3A_34 : memref<16x128xf32, #tpu.memory_space<hbm>>) target(%dma_start3A_31 : memref<16x128xf32, #tpu.memory_space<vmem_shared>>) target_semaphore(%run_scoped3A : memref<!tpu.dma_semaphore, #tpu.memory_space<semaphore_mem>>)
          %dma_wait3A = arith.constant 9984 : i32
          %dma_wait3A_35 = arith.constant 0 : i32
          %dma_wait3A_36 = tpu.memref_slice %arg10[%dma_wait3A, %dma_wait3A_35] : memref<10016x128xf32, #tpu.memory_space<vmem_shared>> -> memref<16x128xf32, #tpu.memory_space<vmem_shared>>
          %dma_wait3A_37 = arith.constant 9984 : i32
          %dma_wait3A_38 = arith.constant 0 : i32
          %dma_wait3A_39 = tpu.memref_slice %arg7[%dma_wait3A_37, %dma_wait3A_38] : memref<10240x128xf32, #tpu.memory_space<hbm>> -> memref<16x128xf32, #tpu.memory_space<hbm>>
          tpu.wait_dma2 semaphore(%run_scoped3A : memref<!tpu.dma_semaphore, #tpu.memory_space<semaphore_mem>>) src(%dma_wait3A_39 : memref<16x128xf32, #tpu.memory_space<hbm>>) dst(%dma_wait3A_36 : memref<16x128xf32, #tpu.memory_space<vmem_shared>>)
          tpu.yield
        }) : () -> ()
      } else {
      }
      %barrier3A = arith.constant 0 : index
      tpu.barrier barrier_id(%barrier3A)
      %scan3A = arith.constant 0 : i32
      %scan3A_13 = arith.constant 0 : i32
      %scan3A_14 = arith.constant 4 : i32
      %scan3A_15 = arith.addi %scan3A_13, %scan3A_14 : i32
      %scan3A_16 = arith.constant 1 : i32
      scf.for %scan3A_30 = %scan3A_13 to %scan3A_15 step %scan3A_16  : i32 {
        %mul3A_31 = arith.constant 40 : i32
        %mul3A_32 = arith.muli %scan3A_30, %mul3A_31 : i32
        "tpu.region"() ({
          %run_scoped3A = tpu.sem_alloc : memref<!tpu.dma_semaphore, #tpu.memory_space<semaphore_mem>>
          %dma_start3A_52 = arith.constant 0 : i32
          %dma_start3A_53 = arith.constant 0 : i32
          %dma_start3A_54 = tpu.memref_slice %arg4[%arg1, %dma_start3A_52, %dma_start3A_53] : memref<16x160x128xi32, #tpu.memory_space<hbm>> -> memref<1x160x128xi32, #tpu.memory_space<hbm>>
          %dma_start3A_55 = tpu.memref_squeeze %dma_start3A_54 : memref<1x160x128xi32, #tpu.memory_space<hbm>> -> memref<160x128xi32, #tpu.memory_space<hbm>>
          %dma_start3A_56 = arith.constant 0 : i32
          %dma_start3A_57 = tpu.memref_slice %dma_start3A_55[%mul3A_32, %dma_start3A_56] : memref<160x128xi32, #tpu.memory_space<hbm>> -> memref<40x128xi32, #tpu.memory_space<hbm>>
          %dma_start3A_58 = arith.constant 0 : i32
          %dma_start3A_59 = arith.constant 0 : i32
          %dma_start3A_60 = tpu.memref_slice %arg4[%arg1, %dma_start3A_58, %dma_start3A_59] : memref<16x160x128xi32, #tpu.memory_space<hbm>> -> memref<1x160x128xi32, #tpu.memory_space<hbm>>
          %dma_start3A_61 = tpu.memref_squeeze %dma_start3A_60 : memref<1x160x128xi32, #tpu.memory_space<hbm>> -> memref<160x128xi32, #tpu.memory_space<hbm>>
          %dma_start3A_62 = arith.constant 0 : i32
          %dma_start3A_63 = tpu.memref_slice %dma_start3A_61[%mul3A_32, %dma_start3A_62] : memref<160x128xi32, #tpu.memory_space<hbm>> -> memref<40x128xi32, #tpu.memory_space<hbm>>
          tpu.enqueue_dma source(%dma_start3A_63 : memref<40x128xi32, #tpu.memory_space<hbm>>) target(%arg11 : memref<40x128xi32, #tpu.memory_space<vmem>>) target_semaphore(%run_scoped3A : memref<!tpu.dma_semaphore, #tpu.memory_space<semaphore_mem>>)
          %dma_wait3A_64 = arith.constant 0 : i32
          %dma_wait3A_65 = arith.constant 0 : i32
          %dma_wait3A_66 = tpu.memref_slice %arg4[%arg1, %dma_wait3A_64, %dma_wait3A_65] : memref<16x160x128xi32, #tpu.memory_space<hbm>> -> memref<1x160x128xi32, #tpu.memory_space<hbm>>
          %dma_wait3A_67 = tpu.memref_squeeze %dma_wait3A_66 : memref<1x160x128xi32, #tpu.memory_space<hbm>> -> memref<160x128xi32, #tpu.memory_space<hbm>>
          %dma_wait3A_68 = arith.constant 0 : i32
          %dma_wait3A_69 = tpu.memref_slice %dma_wait3A_67[%mul3A_32, %dma_wait3A_68] : memref<160x128xi32, #tpu.memory_space<hbm>> -> memref<40x128xi32, #tpu.memory_space<hbm>>
          %dma_wait3A_70 = arith.constant 0 : i32
          %dma_wait3A_71 = arith.constant 0 : i32
          %dma_wait3A_72 = tpu.memref_slice %arg4[%arg1, %dma_wait3A_70, %dma_wait3A_71] : memref<16x160x128xi32, #tpu.memory_space<hbm>> -> memref<1x160x128xi32, #tpu.memory_space<hbm>>
          %dma_wait3A_73 = tpu.memref_squeeze %dma_wait3A_72 : memref<1x160x128xi32, #tpu.memory_space<hbm>> -> memref<160x128xi32, #tpu.memory_space<hbm>>
          %dma_wait3A_74 = arith.constant 0 : i32
          %dma_wait3A_75 = tpu.memref_slice %dma_wait3A_73[%mul3A_32, %dma_wait3A_74] : memref<160x128xi32, #tpu.memory_space<hbm>> -> memref<40x128xi32, #tpu.memory_space<hbm>>
          tpu.wait_dma2 semaphore(%run_scoped3A : memref<!tpu.dma_semaphore, #tpu.memory_space<semaphore_mem>>) src(%dma_wait3A_75 : memref<40x128xi32, #tpu.memory_space<hbm>>) dst(%arg11 : memref<40x128xi32, #tpu.memory_space<vmem>>)
          tpu.yield
        }) : () -> ()
        %mul3A_33 = arith.constant 40 : i32
        %mul3A_34 = arith.muli %scan3A_30, %mul3A_33 : i32
        "tpu.region"() ({
          %run_scoped3A = tpu.sem_alloc : memref<!tpu.dma_semaphore, #tpu.memory_space<semaphore_mem>>
          %dma_start3A_52 = arith.constant 0 : i32
          %dma_start3A_53 = arith.constant 0 : i32
          %dma_start3A_54 = tpu.memref_slice %arg5[%arg1, %dma_start3A_52, %dma_start3A_53] : memref<16x160x128xi32, #tpu.memory_space<hbm>> -> memref<1x160x128xi32, #tpu.memory_space<hbm>>
          %dma_start3A_55 = tpu.memref_squeeze %dma_start3A_54 : memref<1x160x128xi32, #tpu.memory_space<hbm>> -> memref<160x128xi32, #tpu.memory_space<hbm>>
          %dma_start3A_56 = arith.constant 0 : i32
          %dma_start3A_57 = tpu.memref_slice %dma_start3A_55[%mul3A_34, %dma_start3A_56] : memref<160x128xi32, #tpu.memory_space<hbm>> -> memref<40x128xi32, #tpu.memory_space<hbm>>
          %dma_start3A_58 = arith.constant 0 : i32
          %dma_start3A_59 = arith.constant 0 : i32
          %dma_start3A_60 = tpu.memref_slice %arg5[%arg1, %dma_start3A_58, %dma_start3A_59] : memref<16x160x128xi32, #tpu.memory_space<hbm>> -> memref<1x160x128xi32, #tpu.memory_space<hbm>>
          %dma_start3A_61 = tpu.memref_squeeze %dma_start3A_60 : memref<1x160x128xi32, #tpu.memory_space<hbm>> -> memref<160x128xi32, #tpu.memory_space<hbm>>
          %dma_start3A_62 = arith.constant 0 : i32
          %dma_start3A_63 = tpu.memref_slice %dma_start3A_61[%mul3A_34, %dma_start3A_62] : memref<160x128xi32, #tpu.memory_space<hbm>> -> memref<40x128xi32, #tpu.memory_space<hbm>>
          tpu.enqueue_dma source(%dma_start3A_63 : memref<40x128xi32, #tpu.memory_space<hbm>>) target(%arg12 : memref<40x128xi32, #tpu.memory_space<vmem>>) target_semaphore(%run_scoped3A : memref<!tpu.dma_semaphore, #tpu.memory_space<semaphore_mem>>)
          %dma_wait3A_64 = arith.constant 0 : i32
          %dma_wait3A_65 = arith.constant 0 : i32
          %dma_wait3A_66 = tpu.memref_slice %arg5[%arg1, %dma_wait3A_64, %dma_wait3A_65] : memref<16x160x128xi32, #tpu.memory_space<hbm>> -> memref<1x160x128xi32, #tpu.memory_space<hbm>>
          %dma_wait3A_67 = tpu.memref_squeeze %dma_wait3A_66 : memref<1x160x128xi32, #tpu.memory_space<hbm>> -> memref<160x128xi32, #tpu.memory_space<hbm>>
          %dma_wait3A_68 = arith.constant 0 : i32
          %dma_wait3A_69 = tpu.memref_slice %dma_wait3A_67[%mul3A_34, %dma_wait3A_68] : memref<160x128xi32, #tpu.memory_space<hbm>> -> memref<40x128xi32, #tpu.memory_space<hbm>>
          %dma_wait3A_70 = arith.constant 0 : i32
          %dma_wait3A_71 = arith.constant 0 : i32
          %dma_wait3A_72 = tpu.memref_slice %arg5[%arg1, %dma_wait3A_70, %dma_wait3A_71] : memref<16x160x128xi32, #tpu.memory_space<hbm>> -> memref<1x160x128xi32, #tpu.memory_space<hbm>>
          %dma_wait3A_73 = tpu.memref_squeeze %dma_wait3A_72 : memref<1x160x128xi32, #tpu.memory_space<hbm>> -> memref<160x128xi32, #tpu.memory_space<hbm>>
          %dma_wait3A_74 = arith.constant 0 : i32
          %dma_wait3A_75 = tpu.memref_slice %dma_wait3A_73[%mul3A_34, %dma_wait3A_74] : memref<160x128xi32, #tpu.memory_space<hbm>> -> memref<40x128xi32, #tpu.memory_space<hbm>>
          tpu.wait_dma2 semaphore(%run_scoped3A : memref<!tpu.dma_semaphore, #tpu.memory_space<semaphore_mem>>) src(%dma_wait3A_75 : memref<40x128xi32, #tpu.memory_space<hbm>>) dst(%arg12 : memref<40x128xi32, #tpu.memory_space<vmem>>)
          tpu.yield
        }) : () -> ()
        %dma_start3A = arith.constant 0 : i32
        %dma_start3A_35 = arith.constant 0 : i32
        %dma_start3A_36 = tpu.memref_slice %arg11[%dma_start3A, %dma_start3A_35] : memref<40x128xi32, #tpu.memory_space<vmem>> -> memref<1x128xi32, #tpu.memory_space<vmem>>
        %dma_start3A_37 = tpu.memref_squeeze %dma_start3A_36 : memref<1x128xi32, #tpu.memory_space<vmem>> -> memref<128xi32, #tpu.memory_space<vmem>>
        %dma_start3A_38 = arith.constant 0 : i32
        %dma_start3A_39 = arith.constant 0 : i32
        %dma_start3A_40 = tpu.memref_slice %arg3[%dma_start3A_38, %dma_start3A_39] : memref<10240x128xf32, #tpu.memory_space<hbm>> -> memref<10240x128xf32, #tpu.memory_space<hbm>>
        tpu.enqueue_indirect_dma source(%dma_start3A_40 : memref<10240x128xf32, #tpu.memory_space<hbm>>) target(%arg13 : memref<128x128xf32, #tpu.memory_space<vmem>>) offsets(%dma_start3A_37 : memref<128xi32, #tpu.memory_space<vmem>>) semaphore(%arg15 : memref<!tpu.dma_semaphore, #tpu.memory_space<semaphore_mem>>)
        %scan3A_41 = arith.constant 0 : i32
        %scan3A_42 = arith.constant 20 : i32
        %scan3A_43 = arith.addi %scan3A_41, %scan3A_42 : i32
        %scan3A_44 = arith.constant 1 : i32
        scf.for %scan3A_52 = %scan3A_41 to %scan3A_43 step %scan3A_44  : i32 {
          %mul3A_53 = arith.constant 2 : i32
          %mul3A_54 = arith.muli %mul3A_53, %scan3A_52 : i32
          %dma_wait3A_55 = arith.constant 0 : i32
          %dma_wait3A_56 = arith.constant 0 : i32
          %dma_wait3A_57 = tpu.memref_slice %arg11[%dma_wait3A_55, %dma_wait3A_56] : memref<40x128xi32, #tpu.memory_space<vmem>> -> memref<1x128xi32, #tpu.memory_space<vmem>>
          %dma_wait3A_58 = tpu.memref_squeeze %dma_wait3A_57 : memref<1x128xi32, #tpu.memory_space<vmem>> -> memref<128xi32, #tpu.memory_space<vmem>>
          %dma_wait3A_59 = arith.constant 0 : i32
          %dma_wait3A_60 = arith.constant 0 : i32
          %dma_wait3A_61 = tpu.memref_slice %arg3[%dma_wait3A_59, %dma_wait3A_60] : memref<10240x128xf32, #tpu.memory_space<hbm>> -> memref<10240x128xf32, #tpu.memory_space<hbm>>
          tpu.wait_indirect_dma semaphore(%arg15 : memref<!tpu.dma_semaphore, #tpu.memory_space<semaphore_mem>>) src(%dma_wait3A_61 : memref<10240x128xf32, #tpu.memory_space<hbm>>) dst(%arg13 : memref<128x128xf32, #tpu.memory_space<vmem>>)
          %dma_start3A_62 = arith.constant 0 : i32
          %dma_start3A_63 = tpu.memref_slice %arg12[%mul3A_54, %dma_start3A_62] : memref<40x128xi32, #tpu.memory_space<vmem>> -> memref<1x128xi32, #tpu.memory_space<vmem>>
          %dma_start3A_64 = tpu.memref_squeeze %dma_start3A_63 : memref<1x128xi32, #tpu.memory_space<vmem>> -> memref<128xi32, #tpu.memory_space<vmem>>
          %dma_start3A_65 = arith.constant 0 : i32
          %dma_start3A_66 = arith.constant 0 : i32
          %dma_start3A_67 = tpu.memref_slice %arg10[%dma_start3A_65, %dma_start3A_66] : memref<10016x128xf32, #tpu.memory_space<vmem_shared>> -> memref<10016x128xf32, #tpu.memory_space<vmem_shared>>
          tpu.enqueue_indirect_dma source(%arg13 : memref<128x128xf32, #tpu.memory_space<vmem>>) target(%dma_start3A_67 : memref<10016x128xf32, #tpu.memory_space<vmem_shared>>) offsets(%dma_start3A_64 : memref<128xi32, #tpu.memory_space<vmem>>) semaphore(%arg17 : memref<!tpu.dma_semaphore, #tpu.memory_space<semaphore_mem>>) {add = true}
          %gt3A = arith.constant 0 : i32
          %gt3A_68 = arith.cmpi sgt, %scan3A_52, %gt3A : i32
          %convert_element_type3A_69 = arith.extui %gt3A_68 : i1 to i32
          %cond3A_70 = arith.constant 0 : i32
          %cond3A_71 = arith.cmpi ne, %convert_element_type3A_69, %cond3A_70 : i32
          scf.if %cond3A_71 {
            %dma_wait3A_105 = arith.constant 0 : i32
            %dma_wait3A_106 = arith.constant 0 : i32
            %dma_wait3A_107 = tpu.memref_slice %arg12[%dma_wait3A_105, %dma_wait3A_106] : memref<40x128xi32, #tpu.memory_space<vmem>> -> memref<1x128xi32, #tpu.memory_space<vmem>>
            %dma_wait3A_108 = tpu.memref_squeeze %dma_wait3A_107 : memref<1x128xi32, #tpu.memory_space<vmem>> -> memref<128xi32, #tpu.memory_space<vmem>>
            %dma_wait3A_109 = arith.constant 0 : i32
            %dma_wait3A_110 = arith.constant 0 : i32
            %dma_wait3A_111 = tpu.memref_slice %arg10[%dma_wait3A_109, %dma_wait3A_110] : memref<10016x128xf32, #tpu.memory_space<vmem_shared>> -> memref<10016x128xf32, #tpu.memory_space<vmem_shared>>
            tpu.wait_indirect_dma semaphore(%arg18 : memref<!tpu.dma_semaphore, #tpu.memory_space<semaphore_mem>>) src(%arg14 : memref<128x128xf32, #tpu.memory_space<vmem>>) dst(%dma_wait3A_111 : memref<10016x128xf32, #tpu.memory_space<vmem_shared>>)
          } else {
          }
          %add3A = arith.constant 1 : i32
          %add3A_72 = arith.addi %mul3A_54, %add3A : i32
          %dma_start3A_73 = arith.constant 0 : i32
          %dma_start3A_74 = tpu.memref_slice %arg11[%add3A_72, %dma_start3A_73] : memref<40x128xi32, #tpu.memory_space<vmem>> -> memref<1x128xi32, #tpu.memory_space<vmem>>
          %dma_start3A_75 = tpu.memref_squeeze %dma_start3A_74 : memref<1x128xi32, #tpu.memory_space<vmem>> -> memref<128xi32, #tpu.memory_space<vmem>>
          %dma_start3A_76 = arith.constant 0 : i32
          %dma_start3A_77 = arith.constant 0 : i32
          %dma_start3A_78 = tpu.memref_slice %arg3[%dma_start3A_76, %dma_start3A_77] : memref<10240x128xf32, #tpu.memory_space<hbm>> -> memref<10240x128xf32, #tpu.memory_space<hbm>>
          tpu.enqueue_indirect_dma source(%dma_start3A_78 : memref<10240x128xf32, #tpu.memory_space<hbm>>) target(%arg14 : memref<128x128xf32, #tpu.memory_space<vmem>>) offsets(%dma_start3A_75 : memref<128xi32, #tpu.memory_space<vmem>>) semaphore(%arg16 : memref<!tpu.dma_semaphore, #tpu.memory_space<semaphore_mem>>)
          %dma_wait3A_79 = arith.constant 0 : i32
          %dma_wait3A_80 = arith.constant 0 : i32
          %dma_wait3A_81 = tpu.memref_slice %arg11[%dma_wait3A_79, %dma_wait3A_80] : memref<40x128xi32, #tpu.memory_space<vmem>> -> memref<1x128xi32, #tpu.memory_space<vmem>>
          %dma_wait3A_82 = tpu.memref_squeeze %dma_wait3A_81 : memref<1x128xi32, #tpu.memory_space<vmem>> -> memref<128xi32, #tpu.memory_space<vmem>>
          %dma_wait3A_83 = arith.constant 0 : i32
          %dma_wait3A_84 = arith.constant 0 : i32
          %dma_wait3A_85 = tpu.memref_slice %arg3[%dma_wait3A_83, %dma_wait3A_84] : memref<10240x128xf32, #tpu.memory_space<hbm>> -> memref<10240x128xf32, #tpu.memory_space<hbm>>
          tpu.wait_indirect_dma semaphore(%arg16 : memref<!tpu.dma_semaphore, #tpu.memory_space<semaphore_mem>>) src(%dma_wait3A_85 : memref<10240x128xf32, #tpu.memory_space<hbm>>) dst(%arg14 : memref<128x128xf32, #tpu.memory_space<vmem>>)
          %add3A_86 = arith.constant 1 : i32
          %add3A_87 = arith.addi %mul3A_54, %add3A_86 : i32
          %dma_start3A_88 = arith.constant 0 : i32
          %dma_start3A_89 = tpu.memref_slice %arg12[%add3A_87, %dma_start3A_88] : memref<40x128xi32, #tpu.memory_space<vmem>> -> memref<1x128xi32, #tpu.memory_space<vmem>>
          %dma_start3A_90 = tpu.memref_squeeze %dma_start3A_89 : memref<1x128xi32, #tpu.memory_space<vmem>> -> memref<128xi32, #tpu.memory_space<vmem>>
          %dma_start3A_91 = arith.constant 0 : i32
          %dma_start3A_92 = arith.constant 0 : i32
          %dma_start3A_93 = tpu.memref_slice %arg10[%dma_start3A_91, %dma_start3A_92] : memref<10016x128xf32, #tpu.memory_space<vmem_shared>> -> memref<10016x128xf32, #tpu.memory_space<vmem_shared>>
          tpu.enqueue_indirect_dma source(%arg14 : memref<128x128xf32, #tpu.memory_space<vmem>>) target(%dma_start3A_93 : memref<10016x128xf32, #tpu.memory_space<vmem_shared>>) offsets(%dma_start3A_90 : memref<128xi32, #tpu.memory_space<vmem>>) semaphore(%arg18 : memref<!tpu.dma_semaphore, #tpu.memory_space<semaphore_mem>>) {add = true}
          %dma_wait3A_94 = arith.constant 0 : i32
          %dma_wait3A_95 = arith.constant 0 : i32
          %dma_wait3A_96 = tpu.memref_slice %arg12[%dma_wait3A_94, %dma_wait3A_95] : memref<40x128xi32, #tpu.memory_space<vmem>> -> memref<1x128xi32, #tpu.memory_space<vmem>>
          %dma_wait3A_97 = tpu.memref_squeeze %dma_wait3A_96 : memref<1x128xi32, #tpu.memory_space<vmem>> -> memref<128xi32, #tpu.memory_space<vmem>>
          %dma_wait3A_98 = arith.constant 0 : i32
          %dma_wait3A_99 = arith.constant 0 : i32
          %dma_wait3A_100 = tpu.memref_slice %arg10[%dma_wait3A_98, %dma_wait3A_99] : memref<10016x128xf32, #tpu.memory_space<vmem_shared>> -> memref<10016x128xf32, #tpu.memory_space<vmem_shared>>
          tpu.wait_indirect_dma semaphore(%arg17 : memref<!tpu.dma_semaphore, #tpu.memory_space<semaphore_mem>>) src(%arg13 : memref<128x128xf32, #tpu.memory_space<vmem>>) dst(%dma_wait3A_100 : memref<10016x128xf32, #tpu.memory_space<vmem_shared>>)
          %lt3A = arith.constant 19 : i32
          %lt3A_101 = arith.cmpi slt, %scan3A_52, %lt3A : i32
          %convert_element_type3A_102 = arith.extui %lt3A_101 : i1 to i32
          %cond3A_103 = arith.constant 0 : i32
          %cond3A_104 = arith.cmpi ne, %convert_element_type3A_102, %cond3A_103 : i32
          scf.if %cond3A_104 {
            %add3A_105 = arith.constant 2 : i32
            %add3A_106 = arith.addi %mul3A_54, %add3A_105 : i32
            %dma_start3A_107 = arith.constant 0 : i32
            %dma_start3A_108 = tpu.memref_slice %arg11[%add3A_106, %dma_start3A_107] : memref<40x128xi32, #tpu.memory_space<vmem>> -> memref<1x128xi32, #tpu.memory_space<vmem>>
            %dma_start3A_109 = tpu.memref_squeeze %dma_start3A_108 : memref<1x128xi32, #tpu.memory_space<vmem>> -> memref<128xi32, #tpu.memory_space<vmem>>
            %dma_start3A_110 = arith.constant 0 : i32
            %dma_start3A_111 = arith.constant 0 : i32
            %dma_start3A_112 = tpu.memref_slice %arg3[%dma_start3A_110, %dma_start3A_111] : memref<10240x128xf32, #tpu.memory_space<hbm>> -> memref<10240x128xf32, #tpu.memory_space<hbm>>
            tpu.enqueue_indirect_dma source(%dma_start3A_112 : memref<10240x128xf32, #tpu.memory_space<hbm>>) target(%arg13 : memref<128x128xf32, #tpu.memory_space<vmem>>) offsets(%dma_start3A_109 : memref<128xi32, #tpu.memory_space<vmem>>) semaphore(%arg15 : memref<!tpu.dma_semaphore, #tpu.memory_space<semaphore_mem>>)
          } else {
          }
        }
        %scan3A_45 = arith.constant 20 : i32
        %dma_wait3A = arith.constant 0 : i32
        %dma_wait3A_46 = arith.constant 0 : i32
        %dma_wait3A_47 = tpu.memref_slice %arg12[%dma_wait3A, %dma_wait3A_46] : memref<40x128xi32, #tpu.memory_space<vmem>> -> memref<1x128xi32, #tpu.memory_space<vmem>>
        %dma_wait3A_48 = tpu.memref_squeeze %dma_wait3A_47 : memref<1x128xi32, #tpu.memory_space<vmem>> -> memref<128xi32, #tpu.memory_space<vmem>>
        %dma_wait3A_49 = arith.constant 0 : i32
        %dma_wait3A_50 = arith.constant 0 : i32
        %dma_wait3A_51 = tpu.memref_slice %arg10[%dma_wait3A_49, %dma_wait3A_50] : memref<10016x128xf32, #tpu.memory_space<vmem_shared>> -> memref<10016x128xf32, #tpu.memory_space<vmem_shared>>
        tpu.wait_indirect_dma semaphore(%arg18 : memref<!tpu.dma_semaphore, #tpu.memory_space<semaphore_mem>>) src(%arg14 : memref<128x128xf32, #tpu.memory_space<vmem>>) dst(%dma_wait3A_51 : memref<10016x128xf32, #tpu.memory_space<vmem_shared>>)
      }
      %scan3A_17 = arith.constant 4 : i32
      %barrier3A_18 = arith.constant 0 : index
      tpu.barrier barrier_id(%barrier3A_18)
      %scan3A_19 = arith.constant 0 : i32
      %scan3A_20 = arith.constant 0 : i32
      %scan3A_21 = arith.constant 6 : i32
      %scan3A_22 = arith.addi %scan3A_20, %scan3A_21 : i32
      %scan3A_23 = arith.constant 1 : i32
      scf.for %scan3A_30 = %scan3A_20 to %scan3A_22 step %scan3A_23  : i32 {
        %mul3A_31 = arith.constant 104 : i32
        %mul3A_32 = arith.muli %scan3A_30, %mul3A_31 : i32
        %add3A = arith.addi %mul3A_0, %mul3A_32 : i32
        "tpu.region"() ({
          %run_scoped3A = tpu.sem_alloc : memref<!tpu.dma_semaphore, #tpu.memory_space<semaphore_mem>>
          %dma_start3A = arith.constant 0 : i32
          %dma_start3A_39 = arith.constant 0 : i32
          %dma_start3A_40 = tpu.memref_slice %arg13[%dma_start3A, %dma_start3A_39] : memref<128x128xf32, #tpu.memory_space<vmem>> -> memref<104x128xf32, #tpu.memory_space<vmem>>
          %dma_start3A_41 = arith.constant 0 : i32
          %dma_start3A_42 = tpu.memref_slice %arg10[%add3A, %dma_start3A_41] : memref<10016x128xf32, #tpu.memory_space<vmem_shared>> -> memref<104x128xf32, #tpu.memory_space<vmem_shared>>
          %dma_start3A_43 = arith.constant 0 : i32
          %dma_start3A_44 = arith.constant 0 : i32
          %dma_start3A_45 = tpu.memref_slice %arg13[%dma_start3A_43, %dma_start3A_44] : memref<128x128xf32, #tpu.memory_space<vmem>> -> memref<104x128xf32, #tpu.memory_space<vmem>>
          %dma_start3A_46 = arith.constant 0 : i32
          %dma_start3A_47 = tpu.memref_slice %arg10[%add3A, %dma_start3A_46] : memref<10016x128xf32, #tpu.memory_space<vmem_shared>> -> memref<104x128xf32, #tpu.memory_space<vmem_shared>>
          tpu.enqueue_dma source(%dma_start3A_47 : memref<104x128xf32, #tpu.memory_space<vmem_shared>>) target(%dma_start3A_45 : memref<104x128xf32, #tpu.memory_space<vmem>>) target_semaphore(%run_scoped3A : memref<!tpu.dma_semaphore, #tpu.memory_space<semaphore_mem>>)
          %dma_wait3A = arith.constant 0 : i32
          %dma_wait3A_48 = arith.constant 0 : i32
          %dma_wait3A_49 = tpu.memref_slice %arg13[%dma_wait3A, %dma_wait3A_48] : memref<128x128xf32, #tpu.memory_space<vmem>> -> memref<104x128xf32, #tpu.memory_space<vmem>>
          %dma_wait3A_50 = arith.constant 0 : i32
          %dma_wait3A_51 = tpu.memref_slice %arg10[%add3A, %dma_wait3A_50] : memref<10016x128xf32, #tpu.memory_space<vmem_shared>> -> memref<104x128xf32, #tpu.memory_space<vmem_shared>>
          %dma_wait3A_52 = arith.constant 0 : i32
          %dma_wait3A_53 = arith.constant 0 : i32
          %dma_wait3A_54 = tpu.memref_slice %arg13[%dma_wait3A_52, %dma_wait3A_53] : memref<128x128xf32, #tpu.memory_space<vmem>> -> memref<104x128xf32, #tpu.memory_space<vmem>>
          %dma_wait3A_55 = arith.constant 0 : i32
          %dma_wait3A_56 = tpu.memref_slice %arg10[%add3A, %dma_wait3A_55] : memref<10016x128xf32, #tpu.memory_space<vmem_shared>> -> memref<104x128xf32, #tpu.memory_space<vmem_shared>>
          tpu.wait_dma2 semaphore(%run_scoped3A : memref<!tpu.dma_semaphore, #tpu.memory_space<semaphore_mem>>) src(%dma_wait3A_56 : memref<104x128xf32, #tpu.memory_space<vmem_shared>>) dst(%dma_wait3A_54 : memref<104x128xf32, #tpu.memory_space<vmem>>)
          tpu.yield
        }) : () -> ()
        %scan3A_33 = arith.constant 0 : i32
        %scan3A_34 = arith.constant 0 : i32
        %scan3A_35 = arith.constant 104 : i32
        %scan3A_36 = arith.addi %scan3A_34, %scan3A_35 : i32
        %scan3A_37 = arith.constant 1 : i32
        scf.for %scan3A_39 = %scan3A_34 to %scan3A_36 step %scan3A_37  : i32 {
          %get3A = arith.index_cast %scan3A_39 : i32 to index
          %get3A_40 = arith.constant 0 : index
          %get3A_41 = tpu.vector_load %arg13[%get3A, %get3A_40] {strides = array<i32>} : memref<128x128xf32, #tpu.memory_space<vmem>>, vector<1x16xf32>,
          %get3A_42 = vector.shape_cast %get3A_41 : vector<1x16xf32> to vector<16xf32>
          %max3A = arith.constant 0.000000e+00 : f32
          %max3A_43 = vector.broadcast %max3A : f32 to vector<16xf32>
          %max3A_44 = arith.maximumf %get3A_42, %max3A_43 : vector<16xf32>
          %swap3A = arith.index_cast %scan3A_39 : i32 to index
          %swap3A_45 = arith.constant 0 : index
          %swap3A_46 = tpu.vector_load %arg13[%swap3A, %swap3A_45] {strides = array<i32>} : memref<128x128xf32, #tpu.memory_space<vmem>>, vector<1x16xf32>,
          %swap3A_47 = vector.shape_cast %swap3A_46 : vector<1x16xf32> to vector<16xf32>
          %swap3A_48 = vector.shape_cast %max3A_44 : vector<16xf32> to vector<1x16xf32>
          tpu.vector_store %arg13[%swap3A, %swap3A_45], %swap3A_48 {strides = array<i32>} : memref<128x128xf32, #tpu.memory_space<vmem>>, vector<1x16xf32>,
          %get3A_49 = arith.index_cast %scan3A_39 : i32 to index
          %get3A_50 = arith.constant 16 : index
          %get3A_51 = tpu.vector_load %arg13[%get3A_49, %get3A_50] {strides = array<i32>} : memref<128x128xf32, #tpu.memory_space<vmem>>, vector<1x16xf32>,
          %get3A_52 = vector.shape_cast %get3A_51 : vector<1x16xf32> to vector<16xf32>
          %max3A_53 = arith.constant 0.000000e+00 : f32
          %max3A_54 = vector.broadcast %max3A_53 : f32 to vector<16xf32>
          %max3A_55 = arith.maximumf %get3A_52, %max3A_54 : vector<16xf32>
          %swap3A_56 = arith.index_cast %scan3A_39 : i32 to index
          %swap3A_57 = arith.constant 16 : index
          %swap3A_58 = tpu.vector_load %arg13[%swap3A_56, %swap3A_57] {strides = array<i32>} : memref<128x128xf32, #tpu.memory_space<vmem>>, vector<1x16xf32>,
          %swap3A_59 = vector.shape_cast %swap3A_58 : vector<1x16xf32> to vector<16xf32>
          %swap3A_60 = vector.shape_cast %max3A_55 : vector<16xf32> to vector<1x16xf32>
          tpu.vector_store %arg13[%swap3A_56, %swap3A_57], %swap3A_60 {strides = array<i32>} : memref<128x128xf32, #tpu.memory_space<vmem>>, vector<1x16xf32>,
          %get3A_61 = arith.index_cast %scan3A_39 : i32 to index
          %get3A_62 = arith.constant 32 : index
          %get3A_63 = tpu.vector_load %arg13[%get3A_61, %get3A_62] {strides = array<i32>} : memref<128x128xf32, #tpu.memory_space<vmem>>, vector<1x16xf32>,
          %get3A_64 = vector.shape_cast %get3A_63 : vector<1x16xf32> to vector<16xf32>
          %max3A_65 = arith.constant 0.000000e+00 : f32
          %max3A_66 = vector.broadcast %max3A_65 : f32 to vector<16xf32>
          %max3A_67 = arith.maximumf %get3A_64, %max3A_66 : vector<16xf32>
          %swap3A_68 = arith.index_cast %scan3A_39 : i32 to index
          %swap3A_69 = arith.constant 32 : index
          %swap3A_70 = tpu.vector_load %arg13[%swap3A_68, %swap3A_69] {strides = array<i32>} : memref<128x128xf32, #tpu.memory_space<vmem>>, vector<1x16xf32>,
          %swap3A_71 = vector.shape_cast %swap3A_70 : vector<1x16xf32> to vector<16xf32>
          %swap3A_72 = vector.shape_cast %max3A_67 : vector<16xf32> to vector<1x16xf32>
          tpu.vector_store %arg13[%swap3A_68, %swap3A_69], %swap3A_72 {strides = array<i32>} : memref<128x128xf32, #tpu.memory_space<vmem>>, vector<1x16xf32>,
          %get3A_73 = arith.index_cast %scan3A_39 : i32 to index
          %get3A_74 = arith.constant 48 : index
          %get3A_75 = tpu.vector_load %arg13[%get3A_73, %get3A_74] {strides = array<i32>} : memref<128x128xf32, #tpu.memory_space<vmem>>, vector<1x16xf32>,
          %get3A_76 = vector.shape_cast %get3A_75 : vector<1x16xf32> to vector<16xf32>
          %max3A_77 = arith.constant 0.000000e+00 : f32
          %max3A_78 = vector.broadcast %max3A_77 : f32 to vector<16xf32>
          %max3A_79 = arith.maximumf %get3A_76, %max3A_78 : vector<16xf32>
          %swap3A_80 = arith.index_cast %scan3A_39 : i32 to index
          %swap3A_81 = arith.constant 48 : index
          %swap3A_82 = tpu.vector_load %arg13[%swap3A_80, %swap3A_81] {strides = array<i32>} : memref<128x128xf32, #tpu.memory_space<vmem>>, vector<1x16xf32>,
          %swap3A_83 = vector.shape_cast %swap3A_82 : vector<1x16xf32> to vector<16xf32>
          %swap3A_84 = vector.shape_cast %max3A_79 : vector<16xf32> to vector<1x16xf32>
          tpu.vector_store %arg13[%swap3A_80, %swap3A_81], %swap3A_84 {strides = array<i32>} : memref<128x128xf32, #tpu.memory_space<vmem>>, vector<1x16xf32>,
          %get3A_85 = arith.index_cast %scan3A_39 : i32 to index
          %get3A_86 = arith.constant 64 : index
          %get3A_87 = tpu.vector_load %arg13[%get3A_85, %get3A_86] {strides = array<i32>} : memref<128x128xf32, #tpu.memory_space<vmem>>, vector<1x16xf32>,
          %get3A_88 = vector.shape_cast %get3A_87 : vector<1x16xf32> to vector<16xf32>
          %max3A_89 = arith.constant 0.000000e+00 : f32
          %max3A_90 = vector.broadcast %max3A_89 : f32 to vector<16xf32>
          %max3A_91 = arith.maximumf %get3A_88, %max3A_90 : vector<16xf32>
          %swap3A_92 = arith.index_cast %scan3A_39 : i32 to index
          %swap3A_93 = arith.constant 64 : index
          %swap3A_94 = tpu.vector_load %arg13[%swap3A_92, %swap3A_93] {strides = array<i32>} : memref<128x128xf32, #tpu.memory_space<vmem>>, vector<1x16xf32>,
          %swap3A_95 = vector.shape_cast %swap3A_94 : vector<1x16xf32> to vector<16xf32>
          %swap3A_96 = vector.shape_cast %max3A_91 : vector<16xf32> to vector<1x16xf32>
          tpu.vector_store %arg13[%swap3A_92, %swap3A_93], %swap3A_96 {strides = array<i32>} : memref<128x128xf32, #tpu.memory_space<vmem>>, vector<1x16xf32>,
          %get3A_97 = arith.index_cast %scan3A_39 : i32 to index
          %get3A_98 = arith.constant 80 : index
          %get3A_99 = tpu.vector_load %arg13[%get3A_97, %get3A_98] {strides = array<i32>} : memref<128x128xf32, #tpu.memory_space<vmem>>, vector<1x16xf32>,
          %get3A_100 = vector.shape_cast %get3A_99 : vector<1x16xf32> to vector<16xf32>
          %max3A_101 = arith.constant 0.000000e+00 : f32
          %max3A_102 = vector.broadcast %max3A_101 : f32 to vector<16xf32>
          %max3A_103 = arith.maximumf %get3A_100, %max3A_102 : vector<16xf32>
          %swap3A_104 = arith.index_cast %scan3A_39 : i32 to index
          %swap3A_105 = arith.constant 80 : index
          %swap3A_106 = tpu.vector_load %arg13[%swap3A_104, %swap3A_105] {strides = array<i32>} : memref<128x128xf32, #tpu.memory_space<vmem>>, vector<1x16xf32>,
          %swap3A_107 = vector.shape_cast %swap3A_106 : vector<1x16xf32> to vector<16xf32>
          %swap3A_108 = vector.shape_cast %max3A_103 : vector<16xf32> to vector<1x16xf32>
          tpu.vector_store %arg13[%swap3A_104, %swap3A_105], %swap3A_108 {strides = array<i32>} : memref<128x128xf32, #tpu.memory_space<vmem>>, vector<1x16xf32>,
          %get3A_109 = arith.index_cast %scan3A_39 : i32 to index
          %get3A_110 = arith.constant 96 : index
          %get3A_111 = tpu.vector_load %arg13[%get3A_109, %get3A_110] {strides = array<i32>} : memref<128x128xf32, #tpu.memory_space<vmem>>, vector<1x16xf32>,
          %get3A_112 = vector.shape_cast %get3A_111 : vector<1x16xf32> to vector<16xf32>
          %max3A_113 = arith.constant 0.000000e+00 : f32
          %max3A_114 = vector.broadcast %max3A_113 : f32 to vector<16xf32>
          %max3A_115 = arith.maximumf %get3A_112, %max3A_114 : vector<16xf32>
          %swap3A_116 = arith.index_cast %scan3A_39 : i32 to index
          %swap3A_117 = arith.constant 96 : index
          %swap3A_118 = tpu.vector_load %arg13[%swap3A_116, %swap3A_117] {strides = array<i32>} : memref<128x128xf32, #tpu.memory_space<vmem>>, vector<1x16xf32>,
          %swap3A_119 = vector.shape_cast %swap3A_118 : vector<1x16xf32> to vector<16xf32>
          %swap3A_120 = vector.shape_cast %max3A_115 : vector<16xf32> to vector<1x16xf32>
          tpu.vector_store %arg13[%swap3A_116, %swap3A_117], %swap3A_120 {strides = array<i32>} : memref<128x128xf32, #tpu.memory_space<vmem>>, vector<1x16xf32>,
          %get3A_121 = arith.index_cast %scan3A_39 : i32 to index
          %get3A_122 = arith.constant 112 : index
          %get3A_123 = tpu.vector_load %arg13[%get3A_121, %get3A_122] {strides = array<i32>} : memref<128x128xf32, #tpu.memory_space<vmem>>, vector<1x16xf32>,
          %get3A_124 = vector.shape_cast %get3A_123 : vector<1x16xf32> to vector<16xf32>
          %max3A_125 = arith.constant 0.000000e+00 : f32
          %max3A_126 = vector.broadcast %max3A_125 : f32 to vector<16xf32>
          %max3A_127 = arith.maximumf %get3A_124, %max3A_126 : vector<16xf32>
          %swap3A_128 = arith.index_cast %scan3A_39 : i32 to index
          %swap3A_129 = arith.constant 112 : index
          %swap3A_130 = tpu.vector_load %arg13[%swap3A_128, %swap3A_129] {strides = array<i32>} : memref<128x128xf32, #tpu.memory_space<vmem>>, vector<1x16xf32>,
          %swap3A_131 = vector.shape_cast %swap3A_130 : vector<1x16xf32> to vector<16xf32>
          %swap3A_132 = vector.shape_cast %max3A_127 : vector<16xf32> to vector<1x16xf32>
          tpu.vector_store %arg13[%swap3A_128, %swap3A_129], %swap3A_132 {strides = array<i32>} : memref<128x128xf32, #tpu.memory_space<vmem>>, vector<1x16xf32>,
        }
        %scan3A_38 = arith.constant 104 : i32
        "tpu.region"() ({
          %run_scoped3A = tpu.sem_alloc : memref<!tpu.dma_semaphore, #tpu.memory_space<semaphore_mem>>
          %dma_start3A = arith.constant 0 : i32
          %dma_start3A_39 = arith.constant 0 : i32
          %dma_start3A_40 = tpu.memref_slice %arg13[%dma_start3A, %dma_start3A_39] : memref<128x128xf32, #tpu.memory_space<vmem>> -> memref<104x128xf32, #tpu.memory_space<vmem>>
          %dma_start3A_41 = arith.constant 0 : i32
          %dma_start3A_42 = tpu.memref_slice %arg9[%add3A, %dma_start3A_41] : memref<10000x128xf32, #tpu.memory_space<hbm>> -> memref<104x128xf32, #tpu.memory_space<hbm>>
          %dma_start3A_43 = arith.constant 0 : i32
          %dma_start3A_44 = tpu.memref_slice %arg9[%add3A, %dma_start3A_43] : memref<10000x128xf32, #tpu.memory_space<hbm>> -> memref<104x128xf32, #tpu.memory_space<hbm>>
          %dma_start3A_45 = arith.constant 0 : i32
          %dma_start3A_46 = arith.constant 0 : i32
          %dma_start3A_47 = tpu.memref_slice %arg13[%dma_start3A_45, %dma_start3A_46] : memref<128x128xf32, #tpu.memory_space<vmem>> -> memref<104x128xf32, #tpu.memory_space<vmem>>
          tpu.enqueue_dma source(%dma_start3A_47 : memref<104x128xf32, #tpu.memory_space<vmem>>) target(%dma_start3A_44 : memref<104x128xf32, #tpu.memory_space<hbm>>) target_semaphore(%run_scoped3A : memref<!tpu.dma_semaphore, #tpu.memory_space<semaphore_mem>>)
          %dma_wait3A = arith.constant 0 : i32
          %dma_wait3A_48 = arith.constant 0 : i32
          %dma_wait3A_49 = tpu.memref_slice %arg13[%dma_wait3A, %dma_wait3A_48] : memref<128x128xf32, #tpu.memory_space<vmem>> -> memref<104x128xf32, #tpu.memory_space<vmem>>
          %dma_wait3A_50 = arith.constant 0 : i32
          %dma_wait3A_51 = tpu.memref_slice %arg9[%add3A, %dma_wait3A_50] : memref<10000x128xf32, #tpu.memory_space<hbm>> -> memref<104x128xf32, #tpu.memory_space<hbm>>
          %dma_wait3A_52 = arith.constant 0 : i32
          %dma_wait3A_53 = tpu.memref_slice %arg9[%add3A, %dma_wait3A_52] : memref<10000x128xf32, #tpu.memory_space<hbm>> -> memref<104x128xf32, #tpu.memory_space<hbm>>
          %dma_wait3A_54 = arith.constant 0 : i32
          %dma_wait3A_55 = arith.constant 0 : i32
          %dma_wait3A_56 = tpu.memref_slice %arg13[%dma_wait3A_54, %dma_wait3A_55] : memref<128x128xf32, #tpu.memory_space<vmem>> -> memref<104x128xf32, #tpu.memory_space<vmem>>
          tpu.wait_dma2 semaphore(%run_scoped3A : memref<!tpu.dma_semaphore, #tpu.memory_space<semaphore_mem>>) src(%dma_wait3A_56 : memref<104x128xf32, #tpu.memory_space<vmem>>) dst(%dma_wait3A_53 : memref<104x128xf32, #tpu.memory_space<hbm>>)
          tpu.yield
        }) : () -> ()
      }
      %scan3A_24 = arith.constant 6 : i32
      %eq3A_25 = arith.constant 15 : i32
      %eq3A_26 = arith.cmpi eq, %arg1, %eq3A_25 : i32
      %convert_element_type3A_27 = arith.extui %eq3A_26 : i1 to i32
      %cond3A_28 = arith.constant 0 : i32
      %cond3A_29 = arith.cmpi ne, %convert_element_type3A_27, %cond3A_28 : i32
      scf.if %cond3A_29 {
        "tpu.region"() ({
          %run_scoped3A = tpu.sem_alloc : memref<!tpu.dma_semaphore, #tpu.memory_space<semaphore_mem>>
          %dma_start3A = arith.constant 0 : i32
          %dma_start3A_36 = arith.constant 0 : i32
          %dma_start3A_37 = tpu.memref_slice %arg13[%dma_start3A, %dma_start3A_36] : memref<128x128xf32, #tpu.memory_space<vmem>> -> memref<16x128xf32, #tpu.memory_space<vmem>>
          %dma_start3A_38 = arith.constant 9984 : i32
          %dma_start3A_39 = arith.constant 0 : i32
          %dma_start3A_40 = tpu.memref_slice %arg10[%dma_start3A_38, %dma_start3A_39] : memref<10016x128xf32, #tpu.memory_space<vmem_shared>> -> memref<16x128xf32, #tpu.memory_space<vmem_shared>>
          %dma_start3A_41 = arith.constant 0 : i32
          %dma_start3A_42 = arith.constant 0 : i32
          %dma_start3A_43 = tpu.memref_slice %arg13[%dma_start3A_41, %dma_start3A_42] : memref<128x128xf32, #tpu.memory_space<vmem>> -> memref<16x128xf32, #tpu.memory_space<vmem>>
          %dma_start3A_44 = arith.constant 9984 : i32
          %dma_start3A_45 = arith.constant 0 : i32
          %dma_start3A_46 = tpu.memref_slice %arg10[%dma_start3A_44, %dma_start3A_45] : memref<10016x128xf32, #tpu.memory_space<vmem_shared>> -> memref<16x128xf32, #tpu.memory_space<vmem_shared>>
          tpu.enqueue_dma source(%dma_start3A_46 : memref<16x128xf32, #tpu.memory_space<vmem_shared>>) target(%dma_start3A_43 : memref<16x128xf32, #tpu.memory_space<vmem>>) target_semaphore(%run_scoped3A : memref<!tpu.dma_semaphore, #tpu.memory_space<semaphore_mem>>)
          %dma_wait3A = arith.constant 0 : i32
          %dma_wait3A_47 = arith.constant 0 : i32
          %dma_wait3A_48 = tpu.memref_slice %arg13[%dma_wait3A, %dma_wait3A_47] : memref<128x128xf32, #tpu.memory_space<vmem>> -> memref<16x128xf32, #tpu.memory_space<vmem>>
          %dma_wait3A_49 = arith.constant 9984 : i32
          %dma_wait3A_50 = arith.constant 0 : i32
          %dma_wait3A_51 = tpu.memref_slice %arg10[%dma_wait3A_49, %dma_wait3A_50] : memref<10016x128xf32, #tpu.memory_space<vmem_shared>> -> memref<16x128xf32, #tpu.memory_space<vmem_shared>>
          %dma_wait3A_52 = arith.constant 0 : i32
          %dma_wait3A_53 = arith.constant 0 : i32
          %dma_wait3A_54 = tpu.memref_slice %arg13[%dma_wait3A_52, %dma_wait3A_53] : memref<128x128xf32, #tpu.memory_space<vmem>> -> memref<16x128xf32, #tpu.memory_space<vmem>>
          %dma_wait3A_55 = arith.constant 9984 : i32
          %dma_wait3A_56 = arith.constant 0 : i32
          %dma_wait3A_57 = tpu.memref_slice %arg10[%dma_wait3A_55, %dma_wait3A_56] : memref<10016x128xf32, #tpu.memory_space<vmem_shared>> -> memref<16x128xf32, #tpu.memory_space<vmem_shared>>
          tpu.wait_dma2 semaphore(%run_scoped3A : memref<!tpu.dma_semaphore, #tpu.memory_space<semaphore_mem>>) src(%dma_wait3A_57 : memref<16x128xf32, #tpu.memory_space<vmem_shared>>) dst(%dma_wait3A_54 : memref<16x128xf32, #tpu.memory_space<vmem>>)
          tpu.yield
        }) : () -> ()
        %scan3A_30 = arith.constant 0 : i32
        %scan3A_31 = arith.constant 0 : i32
        %scan3A_32 = arith.constant 16 : i32
        %scan3A_33 = arith.addi %scan3A_31, %scan3A_32 : i32
        %scan3A_34 = arith.constant 1 : i32
        scf.for %scan3A_36 = %scan3A_31 to %scan3A_33 step %scan3A_34  : i32 {
          %get3A = arith.index_cast %scan3A_36 : i32 to index
          %get3A_37 = arith.constant 0 : index
          %get3A_38 = tpu.vector_load %arg13[%get3A, %get3A_37] {strides = array<i32>} : memref<128x128xf32, #tpu.memory_space<vmem>>, vector<1x16xf32>,
          %get3A_39 = vector.shape_cast %get3A_38 : vector<1x16xf32> to vector<16xf32>
          %max3A = arith.constant 0.000000e+00 : f32
          %max3A_40 = vector.broadcast %max3A : f32 to vector<16xf32>
          %max3A_41 = arith.maximumf %get3A_39, %max3A_40 : vector<16xf32>
          %swap3A = arith.index_cast %scan3A_36 : i32 to index
          %swap3A_42 = arith.constant 0 : index
          %swap3A_43 = tpu.vector_load %arg13[%swap3A, %swap3A_42] {strides = array<i32>} : memref<128x128xf32, #tpu.memory_space<vmem>>, vector<1x16xf32>,
          %swap3A_44 = vector.shape_cast %swap3A_43 : vector<1x16xf32> to vector<16xf32>
          %swap3A_45 = vector.shape_cast %max3A_41 : vector<16xf32> to vector<1x16xf32>
          tpu.vector_store %arg13[%swap3A, %swap3A_42], %swap3A_45 {strides = array<i32>} : memref<128x128xf32, #tpu.memory_space<vmem>>, vector<1x16xf32>,
          %get3A_46 = arith.index_cast %scan3A_36 : i32 to index
          %get3A_47 = arith.constant 16 : index
          %get3A_48 = tpu.vector_load %arg13[%get3A_46, %get3A_47] {strides = array<i32>} : memref<128x128xf32, #tpu.memory_space<vmem>>, vector<1x16xf32>,
          %get3A_49 = vector.shape_cast %get3A_48 : vector<1x16xf32> to vector<16xf32>
          %max3A_50 = arith.constant 0.000000e+00 : f32
          %max3A_51 = vector.broadcast %max3A_50 : f32 to vector<16xf32>
          %max3A_52 = arith.maximumf %get3A_49, %max3A_51 : vector<16xf32>
          %swap3A_53 = arith.index_cast %scan3A_36 : i32 to index
          %swap3A_54 = arith.constant 16 : index
          %swap3A_55 = tpu.vector_load %arg13[%swap3A_53, %swap3A_54] {strides = array<i32>} : memref<128x128xf32, #tpu.memory_space<vmem>>, vector<1x16xf32>,
          %swap3A_56 = vector.shape_cast %swap3A_55 : vector<1x16xf32> to vector<16xf32>
          %swap3A_57 = vector.shape_cast %max3A_52 : vector<16xf32> to vector<1x16xf32>
          tpu.vector_store %arg13[%swap3A_53, %swap3A_54], %swap3A_57 {strides = array<i32>} : memref<128x128xf32, #tpu.memory_space<vmem>>, vector<1x16xf32>,
          %get3A_58 = arith.index_cast %scan3A_36 : i32 to index
          %get3A_59 = arith.constant 32 : index
          %get3A_60 = tpu.vector_load %arg13[%get3A_58, %get3A_59] {strides = array<i32>} : memref<128x128xf32, #tpu.memory_space<vmem>>, vector<1x16xf32>,
          %get3A_61 = vector.shape_cast %get3A_60 : vector<1x16xf32> to vector<16xf32>
          %max3A_62 = arith.constant 0.000000e+00 : f32
          %max3A_63 = vector.broadcast %max3A_62 : f32 to vector<16xf32>
          %max3A_64 = arith.maximumf %get3A_61, %max3A_63 : vector<16xf32>
          %swap3A_65 = arith.index_cast %scan3A_36 : i32 to index
          %swap3A_66 = arith.constant 32 : index
          %swap3A_67 = tpu.vector_load %arg13[%swap3A_65, %swap3A_66] {strides = array<i32>} : memref<128x128xf32, #tpu.memory_space<vmem>>, vector<1x16xf32>,
          %swap3A_68 = vector.shape_cast %swap3A_67 : vector<1x16xf32> to vector<16xf32>
          %swap3A_69 = vector.shape_cast %max3A_64 : vector<16xf32> to vector<1x16xf32>
          tpu.vector_store %arg13[%swap3A_65, %swap3A_66], %swap3A_69 {strides = array<i32>} : memref<128x128xf32, #tpu.memory_space<vmem>>, vector<1x16xf32>,
          %get3A_70 = arith.index_cast %scan3A_36 : i32 to index
          %get3A_71 = arith.constant 48 : index
          %get3A_72 = tpu.vector_load %arg13[%get3A_70, %get3A_71] {strides = array<i32>} : memref<128x128xf32, #tpu.memory_space<vmem>>, vector<1x16xf32>,
          %get3A_73 = vector.shape_cast %get3A_72 : vector<1x16xf32> to vector<16xf32>
          %max3A_74 = arith.constant 0.000000e+00 : f32
          %max3A_75 = vector.broadcast %max3A_74 : f32 to vector<16xf32>
          %max3A_76 = arith.maximumf %get3A_73, %max3A_75 : vector<16xf32>
          %swap3A_77 = arith.index_cast %scan3A_36 : i32 to index
          %swap3A_78 = arith.constant 48 : index
          %swap3A_79 = tpu.vector_load %arg13[%swap3A_77, %swap3A_78] {strides = array<i32>} : memref<128x128xf32, #tpu.memory_space<vmem>>, vector<1x16xf32>,
          %swap3A_80 = vector.shape_cast %swap3A_79 : vector<1x16xf32> to vector<16xf32>
          %swap3A_81 = vector.shape_cast %max3A_76 : vector<16xf32> to vector<1x16xf32>
          tpu.vector_store %arg13[%swap3A_77, %swap3A_78], %swap3A_81 {strides = array<i32>} : memref<128x128xf32, #tpu.memory_space<vmem>>, vector<1x16xf32>,
          %get3A_82 = arith.index_cast %scan3A_36 : i32 to index
          %get3A_83 = arith.constant 64 : index
          %get3A_84 = tpu.vector_load %arg13[%get3A_82, %get3A_83] {strides = array<i32>} : memref<128x128xf32, #tpu.memory_space<vmem>>, vector<1x16xf32>,
          %get3A_85 = vector.shape_cast %get3A_84 : vector<1x16xf32> to vector<16xf32>
          %max3A_86 = arith.constant 0.000000e+00 : f32
          %max3A_87 = vector.broadcast %max3A_86 : f32 to vector<16xf32>
          %max3A_88 = arith.maximumf %get3A_85, %max3A_87 : vector<16xf32>
          %swap3A_89 = arith.index_cast %scan3A_36 : i32 to index
          %swap3A_90 = arith.constant 64 : index
          %swap3A_91 = tpu.vector_load %arg13[%swap3A_89, %swap3A_90] {strides = array<i32>} : memref<128x128xf32, #tpu.memory_space<vmem>>, vector<1x16xf32>,
          %swap3A_92 = vector.shape_cast %swap3A_91 : vector<1x16xf32> to vector<16xf32>
          %swap3A_93 = vector.shape_cast %max3A_88 : vector<16xf32> to vector<1x16xf32>
          tpu.vector_store %arg13[%swap3A_89, %swap3A_90], %swap3A_93 {strides = array<i32>} : memref<128x128xf32, #tpu.memory_space<vmem>>, vector<1x16xf32>,
          %get3A_94 = arith.index_cast %scan3A_36 : i32 to index
          %get3A_95 = arith.constant 80 : index
          %get3A_96 = tpu.vector_load %arg13[%get3A_94, %get3A_95] {strides = array<i32>} : memref<128x128xf32, #tpu.memory_space<vmem>>, vector<1x16xf32>,
          %get3A_97 = vector.shape_cast %get3A_96 : vector<1x16xf32> to vector<16xf32>
          %max3A_98 = arith.constant 0.000000e+00 : f32
          %max3A_99 = vector.broadcast %max3A_98 : f32 to vector<16xf32>
          %max3A_100 = arith.maximumf %get3A_97, %max3A_99 : vector<16xf32>
          %swap3A_101 = arith.index_cast %scan3A_36 : i32 to index
          %swap3A_102 = arith.constant 80 : index
          %swap3A_103 = tpu.vector_load %arg13[%swap3A_101, %swap3A_102] {strides = array<i32>} : memref<128x128xf32, #tpu.memory_space<vmem>>, vector<1x16xf32>,
          %swap3A_104 = vector.shape_cast %swap3A_103 : vector<1x16xf32> to vector<16xf32>
          %swap3A_105 = vector.shape_cast %max3A_100 : vector<16xf32> to vector<1x16xf32>
          tpu.vector_store %arg13[%swap3A_101, %swap3A_102], %swap3A_105 {strides = array<i32>} : memref<128x128xf32, #tpu.memory_space<vmem>>, vector<1x16xf32>,
          %get3A_106 = arith.index_cast %scan3A_36 : i32 to index
          %get3A_107 = arith.constant 96 : index
          %get3A_108 = tpu.vector_load %arg13[%get3A_106, %get3A_107] {strides = array<i32>} : memref<128x128xf32, #tpu.memory_space<vmem>>, vector<1x16xf32>,
          %get3A_109 = vector.shape_cast %get3A_108 : vector<1x16xf32> to vector<16xf32>
          %max3A_110 = arith.constant 0.000000e+00 : f32
          %max3A_111 = vector.broadcast %max3A_110 : f32 to vector<16xf32>
          %max3A_112 = arith.maximumf %get3A_109, %max3A_111 : vector<16xf32>
          %swap3A_113 = arith.index_cast %scan3A_36 : i32 to index
          %swap3A_114 = arith.constant 96 : index
          %swap3A_115 = tpu.vector_load %arg13[%swap3A_113, %swap3A_114] {strides = array<i32>} : memref<128x128xf32, #tpu.memory_space<vmem>>, vector<1x16xf32>,
          %swap3A_116 = vector.shape_cast %swap3A_115 : vector<1x16xf32> to vector<16xf32>
          %swap3A_117 = vector.shape_cast %max3A_112 : vector<16xf32> to vector<1x16xf32>
          tpu.vector_store %arg13[%swap3A_113, %swap3A_114], %swap3A_117 {strides = array<i32>} : memref<128x128xf32, #tpu.memory_space<vmem>>, vector<1x16xf32>,
          %get3A_118 = arith.index_cast %scan3A_36 : i32 to index
          %get3A_119 = arith.constant 112 : index
          %get3A_120 = tpu.vector_load %arg13[%get3A_118, %get3A_119] {strides = array<i32>} : memref<128x128xf32, #tpu.memory_space<vmem>>, vector<1x16xf32>,
          %get3A_121 = vector.shape_cast %get3A_120 : vector<1x16xf32> to vector<16xf32>
          %max3A_122 = arith.constant 0.000000e+00 : f32
          %max3A_123 = vector.broadcast %max3A_122 : f32 to vector<16xf32>
          %max3A_124 = arith.maximumf %get3A_121, %max3A_123 : vector<16xf32>
          %swap3A_125 = arith.index_cast %scan3A_36 : i32 to index
          %swap3A_126 = arith.constant 112 : index
          %swap3A_127 = tpu.vector_load %arg13[%swap3A_125, %swap3A_126] {strides = array<i32>} : memref<128x128xf32, #tpu.memory_space<vmem>>, vector<1x16xf32>,
          %swap3A_128 = vector.shape_cast %swap3A_127 : vector<1x16xf32> to vector<16xf32>
          %swap3A_129 = vector.shape_cast %max3A_124 : vector<16xf32> to vector<1x16xf32>
          tpu.vector_store %arg13[%swap3A_125, %swap3A_126], %swap3A_129 {strides = array<i32>} : memref<128x128xf32, #tpu.memory_space<vmem>>, vector<1x16xf32>,
        }
        %scan3A_35 = arith.constant 16 : i32
        "tpu.region"() ({
          %run_scoped3A = tpu.sem_alloc : memref<!tpu.dma_semaphore, #tpu.memory_space<semaphore_mem>>
          %dma_start3A = arith.constant 0 : i32
          %dma_start3A_36 = arith.constant 0 : i32
          %dma_start3A_37 = tpu.memref_slice %arg13[%dma_start3A, %dma_start3A_36] : memref<128x128xf32, #tpu.memory_space<vmem>> -> memref<16x128xf32, #tpu.memory_space<vmem>>
          %dma_start3A_38 = arith.constant 9984 : i32
          %dma_start3A_39 = arith.constant 0 : i32
          %dma_start3A_40 = tpu.memref_slice %arg9[%dma_start3A_38, %dma_start3A_39] : memref<10000x128xf32, #tpu.memory_space<hbm>> -> memref<16x128xf32, #tpu.memory_space<hbm>>
          %dma_start3A_41 = arith.constant 9984 : i32
          %dma_start3A_42 = arith.constant 0 : i32
          %dma_start3A_43 = tpu.memref_slice %arg9[%dma_start3A_41, %dma_start3A_42] : memref<10000x128xf32, #tpu.memory_space<hbm>> -> memref<16x128xf32, #tpu.memory_space<hbm>>
          %dma_start3A_44 = arith.constant 0 : i32
          %dma_start3A_45 = arith.constant 0 : i32
          %dma_start3A_46 = tpu.memref_slice %arg13[%dma_start3A_44, %dma_start3A_45] : memref<128x128xf32, #tpu.memory_space<vmem>> -> memref<16x128xf32, #tpu.memory_space<vmem>>
          tpu.enqueue_dma source(%dma_start3A_46 : memref<16x128xf32, #tpu.memory_space<vmem>>) target(%dma_start3A_43 : memref<16x128xf32, #tpu.memory_space<hbm>>) target_semaphore(%run_scoped3A : memref<!tpu.dma_semaphore, #tpu.memory_space<semaphore_mem>>)
          %dma_wait3A = arith.constant 0 : i32
          %dma_wait3A_47 = arith.constant 0 : i32
          %dma_wait3A_48 = tpu.memref_slice %arg13[%dma_wait3A, %dma_wait3A_47] : memref<128x128xf32, #tpu.memory_space<vmem>> -> memref<16x128xf32, #tpu.memory_space<vmem>>
          %dma_wait3A_49 = arith.constant 9984 : i32
          %dma_wait3A_50 = arith.constant 0 : i32
          %dma_wait3A_51 = tpu.memref_slice %arg9[%dma_wait3A_49, %dma_wait3A_50] : memref<10000x128xf32, #tpu.memory_space<hbm>> -> memref<16x128xf32, #tpu.memory_space<hbm>>
          %dma_wait3A_52 = arith.constant 9984 : i32
          %dma_wait3A_53 = arith.constant 0 : i32
          %dma_wait3A_54 = tpu.memref_slice %arg9[%dma_wait3A_52, %dma_wait3A_53] : memref<10000x128xf32, #tpu.memory_space<hbm>> -> memref<16x128xf32, #tpu.memory_space<hbm>>
          %dma_wait3A_55 = arith.constant 0 : i32
          %dma_wait3A_56 = arith.constant 0 : i32
          %dma_wait3A_57 = tpu.memref_slice %arg13[%dma_wait3A_55, %dma_wait3A_56] : memref<128x128xf32, #tpu.memory_space<vmem>> -> memref<16x128xf32, #tpu.memory_space<vmem>>
          tpu.wait_dma2 semaphore(%run_scoped3A : memref<!tpu.dma_semaphore, #tpu.memory_space<semaphore_mem>>) src(%dma_wait3A_57 : memref<16x128xf32, #tpu.memory_space<vmem>>) dst(%dma_wait3A_54 : memref<16x128xf32, #tpu.memory_space<hbm>>)
          tpu.yield
        }) : () -> ()
      } else {
      }
    } else {
    }
    return
  }
}

#map = affine_map<(d0, d1) -> (0, 0)>
#map1 = affine_map<(d0, d1) -> (0, 0, 0)>
module attributes {stable_mosaic.version = 14 : i64} {
  func.func @_sc_agg(%arg0: i32, %arg1: i32, %arg2: memref<10240x128xf32, #tpu.memory_space<hbm>>, %arg3: memref<10240x128xf32, #tpu.memory_space<hbm>>, %arg4: memref<16x160x128xi32, #tpu.memory_space<hbm>>, %arg5: memref<16x160x128xi32, #tpu.memory_space<hbm>>, %arg6: memref<10240x128xf32, #tpu.memory_space<hbm>>, %arg7: memref<10240x128xf32, #tpu.memory_space<hbm>>, %arg8: memref<10000x128xf32, #tpu.memory_space<hbm>>, %arg9: memref<10000x128xf32, #tpu.memory_space<hbm>>, %arg10: memref<10016x128xf32, #tpu.memory_space<vmem_shared>>, %arg11: memref<40x128xi32, #tpu.memory_space<vmem>>, %arg12: memref<40x128xi32, #tpu.memory_space<vmem>>, %arg13: memref<128x128xf32, #tpu.memory_space<vmem>>, %arg14: memref<128x128xf32, #tpu.memory_space<vmem>>, %arg15: memref<!tpu.dma_semaphore, #tpu.memory_space<semaphore_mem>>, %arg16: memref<!tpu.dma_semaphore, #tpu.memory_space<semaphore_mem>>, %arg17: memref<!tpu.dma_semaphore, #tpu.memory_space<semaphore_mem>>, %arg18: memref<!tpu.dma_semaphore, #tpu.memory_space<semaphore_mem>>) attributes {dimension_semantics = [#tpu.dimension_semantics<core_parallel>, #tpu.dimension_semantics<subcore_parallel>], iteration_bounds = array<i64: 2, 16>, scalar_prefetch = 0 : i64, scratch_operands = 9 : i64, tpu.core_type = #tpu.core_type<sc_vector_subcore>, window_params = [{transform_indices = #map}, {transform_indices = #map}, {transform_indices = #map1}, {transform_indices = #map1}, {transform_indices = #map}, {transform_indices = #map}, {transform_indices = #map}, {transform_indices = #map}]} {
    %mul3A = arith.constant 624 : i32
    %mul3A_0 = arith.muli %arg1, %mul3A : i32
    %eq3A = arith.constant 0 : i32
    %eq3A_1 = arith.cmpi eq, %arg0, %eq3A : i32
    %convert_element_type3A = arith.extui %eq3A_1 : i1 to i32
    %cond3A = arith.constant 0 : i32
    %cond3A_2 = arith.cmpi ne, %convert_element_type3A, %cond3A : i32
    scf.if %cond3A_2 {
      "tpu.region"() ({
        %run_scoped3A = tpu.sem_alloc : memref<!tpu.dma_semaphore, #tpu.memory_space<semaphore_mem>>
        %dma_start3A = arith.constant 0 : i32
        %dma_start3A_30 = tpu.memref_slice %arg10[%mul3A_0, %dma_start3A] : memref<10016x128xf32, #tpu.memory_space<vmem_shared>> -> memref<624x128xf32, #tpu.memory_space<vmem_shared>>
        %dma_start3A_31 = arith.constant 0 : i32
        %dma_start3A_32 = tpu.memref_slice %arg6[%mul3A_0, %dma_start3A_31] : memref<10240x128xf32, #tpu.memory_space<hbm>> -> memref<624x128xf32, #tpu.memory_space<hbm>>
        tpu.enqueue_dma source(%dma_start3A_32 : memref<624x128xf32, #tpu.memory_space<hbm>>) target(%dma_start3A_30 : memref<624x128xf32, #tpu.memory_space<vmem_shared>>) target_semaphore(%run_scoped3A : memref<!tpu.dma_semaphore, #tpu.memory_space<semaphore_mem>>)
        %dma_wait3A = arith.constant 0 : i32
        %dma_wait3A_33 = tpu.memref_slice %arg10[%mul3A_0, %dma_wait3A] : memref<10016x128xf32, #tpu.memory_space<vmem_shared>> -> memref<624x128xf32, #tpu.memory_space<vmem_shared>>
        %dma_wait3A_34 = arith.constant 0 : i32
        %dma_wait3A_35 = tpu.memref_slice %arg6[%mul3A_0, %dma_wait3A_34] : memref<10240x128xf32, #tpu.memory_space<hbm>> -> memref<624x128xf32, #tpu.memory_space<hbm>>
        tpu.wait_dma2 semaphore(%run_scoped3A : memref<!tpu.dma_semaphore, #tpu.memory_space<semaphore_mem>>) src(%dma_wait3A_35 : memref<624x128xf32, #tpu.memory_space<hbm>>) dst(%dma_wait3A_33 : memref<624x128xf32, #tpu.memory_space<vmem_shared>>)
        tpu.yield
      }) : () -> ()
      %eq3A_8 = arith.constant 15 : i32
      %eq3A_9 = arith.cmpi eq, %arg1, %eq3A_8 : i32
      %convert_element_type3A_10 = arith.extui %eq3A_9 : i1 to i32
      %cond3A_11 = arith.constant 0 : i32
      %cond3A_12 = arith.cmpi ne, %convert_element_type3A_10, %cond3A_11 : i32
      scf.if %cond3A_12 {
        "tpu.region"() ({
          %run_scoped3A = tpu.sem_alloc : memref<!tpu.dma_semaphore, #tpu.memory_space<semaphore_mem>>
          %dma_start3A = arith.constant 9984 : i32
          %dma_start3A_30 = arith.constant 0 : i32
          %dma_start3A_31 = tpu.memref_slice %arg10[%dma_start3A, %dma_start3A_30] : memref<10016x128xf32, #tpu.memory_space<vmem_shared>> -> memref<16x128xf32, #tpu.memory_space<vmem_shared>>
          %dma_start3A_32 = arith.constant 9984 : i32
          %dma_start3A_33 = arith.constant 0 : i32
          %dma_start3A_34 = tpu.memref_slice %arg6[%dma_start3A_32, %dma_start3A_33] : memref<10240x128xf32, #tpu.memory_space<hbm>> -> memref<16x128xf32, #tpu.memory_space<hbm>>
          tpu.enqueue_dma source(%dma_start3A_34 : memref<16x128xf32, #tpu.memory_space<hbm>>) target(%dma_start3A_31 : memref<16x128xf32, #tpu.memory_space<vmem_shared>>) target_semaphore(%run_scoped3A : memref<!tpu.dma_semaphore, #tpu.memory_space<semaphore_mem>>)
          %dma_wait3A = arith.constant 9984 : i32
          %dma_wait3A_35 = arith.constant 0 : i32
          %dma_wait3A_36 = tpu.memref_slice %arg10[%dma_wait3A, %dma_wait3A_35] : memref<10016x128xf32, #tpu.memory_space<vmem_shared>> -> memref<16x128xf32, #tpu.memory_space<vmem_shared>>
          %dma_wait3A_37 = arith.constant 9984 : i32
          %dma_wait3A_38 = arith.constant 0 : i32
          %dma_wait3A_39 = tpu.memref_slice %arg6[%dma_wait3A_37, %dma_wait3A_38] : memref<10240x128xf32, #tpu.memory_space<hbm>> -> memref<16x128xf32, #tpu.memory_space<hbm>>
          tpu.wait_dma2 semaphore(%run_scoped3A : memref<!tpu.dma_semaphore, #tpu.memory_space<semaphore_mem>>) src(%dma_wait3A_39 : memref<16x128xf32, #tpu.memory_space<hbm>>) dst(%dma_wait3A_36 : memref<16x128xf32, #tpu.memory_space<vmem_shared>>)
          tpu.yield
        }) : () -> ()
      } else {
      }
      %barrier3A = arith.constant 0 : index
      tpu.barrier barrier_id(%barrier3A)
      %scan3A = arith.constant 0 : i32
      %scan3A_13 = arith.constant 0 : i32
      %scan3A_14 = arith.constant 4 : i32
      %scan3A_15 = arith.addi %scan3A_13, %scan3A_14 : i32
      %scan3A_16 = arith.constant 1 : i32
      scf.for %scan3A_30 = %scan3A_13 to %scan3A_15 step %scan3A_16  : i32 {
        %mul3A_31 = arith.constant 40 : i32
        %mul3A_32 = arith.muli %scan3A_30, %mul3A_31 : i32
        "tpu.region"() ({
          %run_scoped3A = tpu.sem_alloc : memref<!tpu.dma_semaphore, #tpu.memory_space<semaphore_mem>>
          %dma_start3A_52 = arith.constant 0 : i32
          %dma_start3A_53 = arith.constant 0 : i32
          %dma_start3A_54 = tpu.memref_slice %arg5[%arg1, %dma_start3A_52, %dma_start3A_53] : memref<16x160x128xi32, #tpu.memory_space<hbm>> -> memref<1x160x128xi32, #tpu.memory_space<hbm>>
          %dma_start3A_55 = tpu.memref_squeeze %dma_start3A_54 : memref<1x160x128xi32, #tpu.memory_space<hbm>> -> memref<160x128xi32, #tpu.memory_space<hbm>>
          %dma_start3A_56 = arith.constant 0 : i32
          %dma_start3A_57 = tpu.memref_slice %dma_start3A_55[%mul3A_32, %dma_start3A_56] : memref<160x128xi32, #tpu.memory_space<hbm>> -> memref<40x128xi32, #tpu.memory_space<hbm>>
          %dma_start3A_58 = arith.constant 0 : i32
          %dma_start3A_59 = arith.constant 0 : i32
          %dma_start3A_60 = tpu.memref_slice %arg5[%arg1, %dma_start3A_58, %dma_start3A_59] : memref<16x160x128xi32, #tpu.memory_space<hbm>> -> memref<1x160x128xi32, #tpu.memory_space<hbm>>
          %dma_start3A_61 = tpu.memref_squeeze %dma_start3A_60 : memref<1x160x128xi32, #tpu.memory_space<hbm>> -> memref<160x128xi32, #tpu.memory_space<hbm>>
          %dma_start3A_62 = arith.constant 0 : i32
          %dma_start3A_63 = tpu.memref_slice %dma_start3A_61[%mul3A_32, %dma_start3A_62] : memref<160x128xi32, #tpu.memory_space<hbm>> -> memref<40x128xi32, #tpu.memory_space<hbm>>
          tpu.enqueue_dma source(%dma_start3A_63 : memref<40x128xi32, #tpu.memory_space<hbm>>) target(%arg11 : memref<40x128xi32, #tpu.memory_space<vmem>>) target_semaphore(%run_scoped3A : memref<!tpu.dma_semaphore, #tpu.memory_space<semaphore_mem>>)
          %dma_wait3A_64 = arith.constant 0 : i32
          %dma_wait3A_65 = arith.constant 0 : i32
          %dma_wait3A_66 = tpu.memref_slice %arg5[%arg1, %dma_wait3A_64, %dma_wait3A_65] : memref<16x160x128xi32, #tpu.memory_space<hbm>> -> memref<1x160x128xi32, #tpu.memory_space<hbm>>
          %dma_wait3A_67 = tpu.memref_squeeze %dma_wait3A_66 : memref<1x160x128xi32, #tpu.memory_space<hbm>> -> memref<160x128xi32, #tpu.memory_space<hbm>>
          %dma_wait3A_68 = arith.constant 0 : i32
          %dma_wait3A_69 = tpu.memref_slice %dma_wait3A_67[%mul3A_32, %dma_wait3A_68] : memref<160x128xi32, #tpu.memory_space<hbm>> -> memref<40x128xi32, #tpu.memory_space<hbm>>
          %dma_wait3A_70 = arith.constant 0 : i32
          %dma_wait3A_71 = arith.constant 0 : i32
          %dma_wait3A_72 = tpu.memref_slice %arg5[%arg1, %dma_wait3A_70, %dma_wait3A_71] : memref<16x160x128xi32, #tpu.memory_space<hbm>> -> memref<1x160x128xi32, #tpu.memory_space<hbm>>
          %dma_wait3A_73 = tpu.memref_squeeze %dma_wait3A_72 : memref<1x160x128xi32, #tpu.memory_space<hbm>> -> memref<160x128xi32, #tpu.memory_space<hbm>>
          %dma_wait3A_74 = arith.constant 0 : i32
          %dma_wait3A_75 = tpu.memref_slice %dma_wait3A_73[%mul3A_32, %dma_wait3A_74] : memref<160x128xi32, #tpu.memory_space<hbm>> -> memref<40x128xi32, #tpu.memory_space<hbm>>
          tpu.wait_dma2 semaphore(%run_scoped3A : memref<!tpu.dma_semaphore, #tpu.memory_space<semaphore_mem>>) src(%dma_wait3A_75 : memref<40x128xi32, #tpu.memory_space<hbm>>) dst(%arg11 : memref<40x128xi32, #tpu.memory_space<vmem>>)
          tpu.yield
        }) : () -> ()
        %mul3A_33 = arith.constant 40 : i32
        %mul3A_34 = arith.muli %scan3A_30, %mul3A_33 : i32
        "tpu.region"() ({
          %run_scoped3A = tpu.sem_alloc : memref<!tpu.dma_semaphore, #tpu.memory_space<semaphore_mem>>
          %dma_start3A_52 = arith.constant 0 : i32
          %dma_start3A_53 = arith.constant 0 : i32
          %dma_start3A_54 = tpu.memref_slice %arg4[%arg1, %dma_start3A_52, %dma_start3A_53] : memref<16x160x128xi32, #tpu.memory_space<hbm>> -> memref<1x160x128xi32, #tpu.memory_space<hbm>>
          %dma_start3A_55 = tpu.memref_squeeze %dma_start3A_54 : memref<1x160x128xi32, #tpu.memory_space<hbm>> -> memref<160x128xi32, #tpu.memory_space<hbm>>
          %dma_start3A_56 = arith.constant 0 : i32
          %dma_start3A_57 = tpu.memref_slice %dma_start3A_55[%mul3A_34, %dma_start3A_56] : memref<160x128xi32, #tpu.memory_space<hbm>> -> memref<40x128xi32, #tpu.memory_space<hbm>>
          %dma_start3A_58 = arith.constant 0 : i32
          %dma_start3A_59 = arith.constant 0 : i32
          %dma_start3A_60 = tpu.memref_slice %arg4[%arg1, %dma_start3A_58, %dma_start3A_59] : memref<16x160x128xi32, #tpu.memory_space<hbm>> -> memref<1x160x128xi32, #tpu.memory_space<hbm>>
          %dma_start3A_61 = tpu.memref_squeeze %dma_start3A_60 : memref<1x160x128xi32, #tpu.memory_space<hbm>> -> memref<160x128xi32, #tpu.memory_space<hbm>>
          %dma_start3A_62 = arith.constant 0 : i32
          %dma_start3A_63 = tpu.memref_slice %dma_start3A_61[%mul3A_34, %dma_start3A_62] : memref<160x128xi32, #tpu.memory_space<hbm>> -> memref<40x128xi32, #tpu.memory_space<hbm>>
          tpu.enqueue_dma source(%dma_start3A_63 : memref<40x128xi32, #tpu.memory_space<hbm>>) target(%arg12 : memref<40x128xi32, #tpu.memory_space<vmem>>) target_semaphore(%run_scoped3A : memref<!tpu.dma_semaphore, #tpu.memory_space<semaphore_mem>>)
          %dma_wait3A_64 = arith.constant 0 : i32
          %dma_wait3A_65 = arith.constant 0 : i32
          %dma_wait3A_66 = tpu.memref_slice %arg4[%arg1, %dma_wait3A_64, %dma_wait3A_65] : memref<16x160x128xi32, #tpu.memory_space<hbm>> -> memref<1x160x128xi32, #tpu.memory_space<hbm>>
          %dma_wait3A_67 = tpu.memref_squeeze %dma_wait3A_66 : memref<1x160x128xi32, #tpu.memory_space<hbm>> -> memref<160x128xi32, #tpu.memory_space<hbm>>
          %dma_wait3A_68 = arith.constant 0 : i32
          %dma_wait3A_69 = tpu.memref_slice %dma_wait3A_67[%mul3A_34, %dma_wait3A_68] : memref<160x128xi32, #tpu.memory_space<hbm>> -> memref<40x128xi32, #tpu.memory_space<hbm>>
          %dma_wait3A_70 = arith.constant 0 : i32
          %dma_wait3A_71 = arith.constant 0 : i32
          %dma_wait3A_72 = tpu.memref_slice %arg4[%arg1, %dma_wait3A_70, %dma_wait3A_71] : memref<16x160x128xi32, #tpu.memory_space<hbm>> -> memref<1x160x128xi32, #tpu.memory_space<hbm>>
          %dma_wait3A_73 = tpu.memref_squeeze %dma_wait3A_72 : memref<1x160x128xi32, #tpu.memory_space<hbm>> -> memref<160x128xi32, #tpu.memory_space<hbm>>
          %dma_wait3A_74 = arith.constant 0 : i32
          %dma_wait3A_75 = tpu.memref_slice %dma_wait3A_73[%mul3A_34, %dma_wait3A_74] : memref<160x128xi32, #tpu.memory_space<hbm>> -> memref<40x128xi32, #tpu.memory_space<hbm>>
          tpu.wait_dma2 semaphore(%run_scoped3A : memref<!tpu.dma_semaphore, #tpu.memory_space<semaphore_mem>>) src(%dma_wait3A_75 : memref<40x128xi32, #tpu.memory_space<hbm>>) dst(%arg12 : memref<40x128xi32, #tpu.memory_space<vmem>>)
          tpu.yield
        }) : () -> ()
        %dma_start3A = arith.constant 0 : i32
        %dma_start3A_35 = arith.constant 0 : i32
        %dma_start3A_36 = tpu.memref_slice %arg11[%dma_start3A, %dma_start3A_35] : memref<40x128xi32, #tpu.memory_space<vmem>> -> memref<1x128xi32, #tpu.memory_space<vmem>>
        %dma_start3A_37 = tpu.memref_squeeze %dma_start3A_36 : memref<1x128xi32, #tpu.memory_space<vmem>> -> memref<128xi32, #tpu.memory_space<vmem>>
        %dma_start3A_38 = arith.constant 0 : i32
        %dma_start3A_39 = arith.constant 0 : i32
        %dma_start3A_40 = tpu.memref_slice %arg2[%dma_start3A_38, %dma_start3A_39] : memref<10240x128xf32, #tpu.memory_space<hbm>> -> memref<10240x128xf32, #tpu.memory_space<hbm>>
        tpu.enqueue_indirect_dma source(%dma_start3A_40 : memref<10240x128xf32, #tpu.memory_space<hbm>>) target(%arg13 : memref<128x128xf32, #tpu.memory_space<vmem>>) offsets(%dma_start3A_37 : memref<128xi32, #tpu.memory_space<vmem>>) semaphore(%arg15 : memref<!tpu.dma_semaphore, #tpu.memory_space<semaphore_mem>>)
        %scan3A_41 = arith.constant 0 : i32
        %scan3A_42 = arith.constant 20 : i32
        %scan3A_43 = arith.addi %scan3A_41, %scan3A_42 : i32
        %scan3A_44 = arith.constant 1 : i32
        scf.for %scan3A_52 = %scan3A_41 to %scan3A_43 step %scan3A_44  : i32 {
          %mul3A_53 = arith.constant 2 : i32
          %mul3A_54 = arith.muli %mul3A_53, %scan3A_52 : i32
          %dma_wait3A_55 = arith.constant 0 : i32
          %dma_wait3A_56 = arith.constant 0 : i32
          %dma_wait3A_57 = tpu.memref_slice %arg11[%dma_wait3A_55, %dma_wait3A_56] : memref<40x128xi32, #tpu.memory_space<vmem>> -> memref<1x128xi32, #tpu.memory_space<vmem>>
          %dma_wait3A_58 = tpu.memref_squeeze %dma_wait3A_57 : memref<1x128xi32, #tpu.memory_space<vmem>> -> memref<128xi32, #tpu.memory_space<vmem>>
          %dma_wait3A_59 = arith.constant 0 : i32
          %dma_wait3A_60 = arith.constant 0 : i32
          %dma_wait3A_61 = tpu.memref_slice %arg2[%dma_wait3A_59, %dma_wait3A_60] : memref<10240x128xf32, #tpu.memory_space<hbm>> -> memref<10240x128xf32, #tpu.memory_space<hbm>>
          tpu.wait_indirect_dma semaphore(%arg15 : memref<!tpu.dma_semaphore, #tpu.memory_space<semaphore_mem>>) src(%dma_wait3A_61 : memref<10240x128xf32, #tpu.memory_space<hbm>>) dst(%arg13 : memref<128x128xf32, #tpu.memory_space<vmem>>)
          %dma_start3A_62 = arith.constant 0 : i32
          %dma_start3A_63 = tpu.memref_slice %arg12[%mul3A_54, %dma_start3A_62] : memref<40x128xi32, #tpu.memory_space<vmem>> -> memref<1x128xi32, #tpu.memory_space<vmem>>
          %dma_start3A_64 = tpu.memref_squeeze %dma_start3A_63 : memref<1x128xi32, #tpu.memory_space<vmem>> -> memref<128xi32, #tpu.memory_space<vmem>>
          %dma_start3A_65 = arith.constant 0 : i32
          %dma_start3A_66 = arith.constant 0 : i32
          %dma_start3A_67 = tpu.memref_slice %arg10[%dma_start3A_65, %dma_start3A_66] : memref<10016x128xf32, #tpu.memory_space<vmem_shared>> -> memref<10016x128xf32, #tpu.memory_space<vmem_shared>>
          tpu.enqueue_indirect_dma source(%arg13 : memref<128x128xf32, #tpu.memory_space<vmem>>) target(%dma_start3A_67 : memref<10016x128xf32, #tpu.memory_space<vmem_shared>>) offsets(%dma_start3A_64 : memref<128xi32, #tpu.memory_space<vmem>>) semaphore(%arg17 : memref<!tpu.dma_semaphore, #tpu.memory_space<semaphore_mem>>) {add = true}
          %gt3A = arith.constant 0 : i32
          %gt3A_68 = arith.cmpi sgt, %scan3A_52, %gt3A : i32
          %convert_element_type3A_69 = arith.extui %gt3A_68 : i1 to i32
          %cond3A_70 = arith.constant 0 : i32
          %cond3A_71 = arith.cmpi ne, %convert_element_type3A_69, %cond3A_70 : i32
          scf.if %cond3A_71 {
            %dma_wait3A_105 = arith.constant 0 : i32
            %dma_wait3A_106 = arith.constant 0 : i32
            %dma_wait3A_107 = tpu.memref_slice %arg12[%dma_wait3A_105, %dma_wait3A_106] : memref<40x128xi32, #tpu.memory_space<vmem>> -> memref<1x128xi32, #tpu.memory_space<vmem>>
            %dma_wait3A_108 = tpu.memref_squeeze %dma_wait3A_107 : memref<1x128xi32, #tpu.memory_space<vmem>> -> memref<128xi32, #tpu.memory_space<vmem>>
            %dma_wait3A_109 = arith.constant 0 : i32
            %dma_wait3A_110 = arith.constant 0 : i32
            %dma_wait3A_111 = tpu.memref_slice %arg10[%dma_wait3A_109, %dma_wait3A_110] : memref<10016x128xf32, #tpu.memory_space<vmem_shared>> -> memref<10016x128xf32, #tpu.memory_space<vmem_shared>>
            tpu.wait_indirect_dma semaphore(%arg18 : memref<!tpu.dma_semaphore, #tpu.memory_space<semaphore_mem>>) src(%arg14 : memref<128x128xf32, #tpu.memory_space<vmem>>) dst(%dma_wait3A_111 : memref<10016x128xf32, #tpu.memory_space<vmem_shared>>)
          } else {
          }
          %add3A = arith.constant 1 : i32
          %add3A_72 = arith.addi %mul3A_54, %add3A : i32
          %dma_start3A_73 = arith.constant 0 : i32
          %dma_start3A_74 = tpu.memref_slice %arg11[%add3A_72, %dma_start3A_73] : memref<40x128xi32, #tpu.memory_space<vmem>> -> memref<1x128xi32, #tpu.memory_space<vmem>>
          %dma_start3A_75 = tpu.memref_squeeze %dma_start3A_74 : memref<1x128xi32, #tpu.memory_space<vmem>> -> memref<128xi32, #tpu.memory_space<vmem>>
          %dma_start3A_76 = arith.constant 0 : i32
          %dma_start3A_77 = arith.constant 0 : i32
          %dma_start3A_78 = tpu.memref_slice %arg2[%dma_start3A_76, %dma_start3A_77] : memref<10240x128xf32, #tpu.memory_space<hbm>> -> memref<10240x128xf32, #tpu.memory_space<hbm>>
          tpu.enqueue_indirect_dma source(%dma_start3A_78 : memref<10240x128xf32, #tpu.memory_space<hbm>>) target(%arg14 : memref<128x128xf32, #tpu.memory_space<vmem>>) offsets(%dma_start3A_75 : memref<128xi32, #tpu.memory_space<vmem>>) semaphore(%arg16 : memref<!tpu.dma_semaphore, #tpu.memory_space<semaphore_mem>>)
          %dma_wait3A_79 = arith.constant 0 : i32
          %dma_wait3A_80 = arith.constant 0 : i32
          %dma_wait3A_81 = tpu.memref_slice %arg11[%dma_wait3A_79, %dma_wait3A_80] : memref<40x128xi32, #tpu.memory_space<vmem>> -> memref<1x128xi32, #tpu.memory_space<vmem>>
          %dma_wait3A_82 = tpu.memref_squeeze %dma_wait3A_81 : memref<1x128xi32, #tpu.memory_space<vmem>> -> memref<128xi32, #tpu.memory_space<vmem>>
          %dma_wait3A_83 = arith.constant 0 : i32
          %dma_wait3A_84 = arith.constant 0 : i32
          %dma_wait3A_85 = tpu.memref_slice %arg2[%dma_wait3A_83, %dma_wait3A_84] : memref<10240x128xf32, #tpu.memory_space<hbm>> -> memref<10240x128xf32, #tpu.memory_space<hbm>>
          tpu.wait_indirect_dma semaphore(%arg16 : memref<!tpu.dma_semaphore, #tpu.memory_space<semaphore_mem>>) src(%dma_wait3A_85 : memref<10240x128xf32, #tpu.memory_space<hbm>>) dst(%arg14 : memref<128x128xf32, #tpu.memory_space<vmem>>)
          %add3A_86 = arith.constant 1 : i32
          %add3A_87 = arith.addi %mul3A_54, %add3A_86 : i32
          %dma_start3A_88 = arith.constant 0 : i32
          %dma_start3A_89 = tpu.memref_slice %arg12[%add3A_87, %dma_start3A_88] : memref<40x128xi32, #tpu.memory_space<vmem>> -> memref<1x128xi32, #tpu.memory_space<vmem>>
          %dma_start3A_90 = tpu.memref_squeeze %dma_start3A_89 : memref<1x128xi32, #tpu.memory_space<vmem>> -> memref<128xi32, #tpu.memory_space<vmem>>
          %dma_start3A_91 = arith.constant 0 : i32
          %dma_start3A_92 = arith.constant 0 : i32
          %dma_start3A_93 = tpu.memref_slice %arg10[%dma_start3A_91, %dma_start3A_92] : memref<10016x128xf32, #tpu.memory_space<vmem_shared>> -> memref<10016x128xf32, #tpu.memory_space<vmem_shared>>
          tpu.enqueue_indirect_dma source(%arg14 : memref<128x128xf32, #tpu.memory_space<vmem>>) target(%dma_start3A_93 : memref<10016x128xf32, #tpu.memory_space<vmem_shared>>) offsets(%dma_start3A_90 : memref<128xi32, #tpu.memory_space<vmem>>) semaphore(%arg18 : memref<!tpu.dma_semaphore, #tpu.memory_space<semaphore_mem>>) {add = true}
          %dma_wait3A_94 = arith.constant 0 : i32
          %dma_wait3A_95 = arith.constant 0 : i32
          %dma_wait3A_96 = tpu.memref_slice %arg12[%dma_wait3A_94, %dma_wait3A_95] : memref<40x128xi32, #tpu.memory_space<vmem>> -> memref<1x128xi32, #tpu.memory_space<vmem>>
          %dma_wait3A_97 = tpu.memref_squeeze %dma_wait3A_96 : memref<1x128xi32, #tpu.memory_space<vmem>> -> memref<128xi32, #tpu.memory_space<vmem>>
          %dma_wait3A_98 = arith.constant 0 : i32
          %dma_wait3A_99 = arith.constant 0 : i32
          %dma_wait3A_100 = tpu.memref_slice %arg10[%dma_wait3A_98, %dma_wait3A_99] : memref<10016x128xf32, #tpu.memory_space<vmem_shared>> -> memref<10016x128xf32, #tpu.memory_space<vmem_shared>>
          tpu.wait_indirect_dma semaphore(%arg17 : memref<!tpu.dma_semaphore, #tpu.memory_space<semaphore_mem>>) src(%arg13 : memref<128x128xf32, #tpu.memory_space<vmem>>) dst(%dma_wait3A_100 : memref<10016x128xf32, #tpu.memory_space<vmem_shared>>)
          %lt3A = arith.constant 19 : i32
          %lt3A_101 = arith.cmpi slt, %scan3A_52, %lt3A : i32
          %convert_element_type3A_102 = arith.extui %lt3A_101 : i1 to i32
          %cond3A_103 = arith.constant 0 : i32
          %cond3A_104 = arith.cmpi ne, %convert_element_type3A_102, %cond3A_103 : i32
          scf.if %cond3A_104 {
            %add3A_105 = arith.constant 2 : i32
            %add3A_106 = arith.addi %mul3A_54, %add3A_105 : i32
            %dma_start3A_107 = arith.constant 0 : i32
            %dma_start3A_108 = tpu.memref_slice %arg11[%add3A_106, %dma_start3A_107] : memref<40x128xi32, #tpu.memory_space<vmem>> -> memref<1x128xi32, #tpu.memory_space<vmem>>
            %dma_start3A_109 = tpu.memref_squeeze %dma_start3A_108 : memref<1x128xi32, #tpu.memory_space<vmem>> -> memref<128xi32, #tpu.memory_space<vmem>>
            %dma_start3A_110 = arith.constant 0 : i32
            %dma_start3A_111 = arith.constant 0 : i32
            %dma_start3A_112 = tpu.memref_slice %arg2[%dma_start3A_110, %dma_start3A_111] : memref<10240x128xf32, #tpu.memory_space<hbm>> -> memref<10240x128xf32, #tpu.memory_space<hbm>>
            tpu.enqueue_indirect_dma source(%dma_start3A_112 : memref<10240x128xf32, #tpu.memory_space<hbm>>) target(%arg13 : memref<128x128xf32, #tpu.memory_space<vmem>>) offsets(%dma_start3A_109 : memref<128xi32, #tpu.memory_space<vmem>>) semaphore(%arg15 : memref<!tpu.dma_semaphore, #tpu.memory_space<semaphore_mem>>)
          } else {
          }
        }
        %scan3A_45 = arith.constant 20 : i32
        %dma_wait3A = arith.constant 0 : i32
        %dma_wait3A_46 = arith.constant 0 : i32
        %dma_wait3A_47 = tpu.memref_slice %arg12[%dma_wait3A, %dma_wait3A_46] : memref<40x128xi32, #tpu.memory_space<vmem>> -> memref<1x128xi32, #tpu.memory_space<vmem>>
        %dma_wait3A_48 = tpu.memref_squeeze %dma_wait3A_47 : memref<1x128xi32, #tpu.memory_space<vmem>> -> memref<128xi32, #tpu.memory_space<vmem>>
        %dma_wait3A_49 = arith.constant 0 : i32
        %dma_wait3A_50 = arith.constant 0 : i32
        %dma_wait3A_51 = tpu.memref_slice %arg10[%dma_wait3A_49, %dma_wait3A_50] : memref<10016x128xf32, #tpu.memory_space<vmem_shared>> -> memref<10016x128xf32, #tpu.memory_space<vmem_shared>>
        tpu.wait_indirect_dma semaphore(%arg18 : memref<!tpu.dma_semaphore, #tpu.memory_space<semaphore_mem>>) src(%arg14 : memref<128x128xf32, #tpu.memory_space<vmem>>) dst(%dma_wait3A_51 : memref<10016x128xf32, #tpu.memory_space<vmem_shared>>)
      }
      %scan3A_17 = arith.constant 4 : i32
      %barrier3A_18 = arith.constant 0 : index
      tpu.barrier barrier_id(%barrier3A_18)
      %scan3A_19 = arith.constant 0 : i32
      %scan3A_20 = arith.constant 0 : i32
      %scan3A_21 = arith.constant 6 : i32
      %scan3A_22 = arith.addi %scan3A_20, %scan3A_21 : i32
      %scan3A_23 = arith.constant 1 : i32
      scf.for %scan3A_30 = %scan3A_20 to %scan3A_22 step %scan3A_23  : i32 {
        %mul3A_31 = arith.constant 104 : i32
        %mul3A_32 = arith.muli %scan3A_30, %mul3A_31 : i32
        %add3A = arith.addi %mul3A_0, %mul3A_32 : i32
        "tpu.region"() ({
          %run_scoped3A = tpu.sem_alloc : memref<!tpu.dma_semaphore, #tpu.memory_space<semaphore_mem>>
          %dma_start3A = arith.constant 0 : i32
          %dma_start3A_39 = arith.constant 0 : i32
          %dma_start3A_40 = tpu.memref_slice %arg13[%dma_start3A, %dma_start3A_39] : memref<128x128xf32, #tpu.memory_space<vmem>> -> memref<104x128xf32, #tpu.memory_space<vmem>>
          %dma_start3A_41 = arith.constant 0 : i32
          %dma_start3A_42 = tpu.memref_slice %arg10[%add3A, %dma_start3A_41] : memref<10016x128xf32, #tpu.memory_space<vmem_shared>> -> memref<104x128xf32, #tpu.memory_space<vmem_shared>>
          %dma_start3A_43 = arith.constant 0 : i32
          %dma_start3A_44 = arith.constant 0 : i32
          %dma_start3A_45 = tpu.memref_slice %arg13[%dma_start3A_43, %dma_start3A_44] : memref<128x128xf32, #tpu.memory_space<vmem>> -> memref<104x128xf32, #tpu.memory_space<vmem>>
          %dma_start3A_46 = arith.constant 0 : i32
          %dma_start3A_47 = tpu.memref_slice %arg10[%add3A, %dma_start3A_46] : memref<10016x128xf32, #tpu.memory_space<vmem_shared>> -> memref<104x128xf32, #tpu.memory_space<vmem_shared>>
          tpu.enqueue_dma source(%dma_start3A_47 : memref<104x128xf32, #tpu.memory_space<vmem_shared>>) target(%dma_start3A_45 : memref<104x128xf32, #tpu.memory_space<vmem>>) target_semaphore(%run_scoped3A : memref<!tpu.dma_semaphore, #tpu.memory_space<semaphore_mem>>)
          %dma_wait3A = arith.constant 0 : i32
          %dma_wait3A_48 = arith.constant 0 : i32
          %dma_wait3A_49 = tpu.memref_slice %arg13[%dma_wait3A, %dma_wait3A_48] : memref<128x128xf32, #tpu.memory_space<vmem>> -> memref<104x128xf32, #tpu.memory_space<vmem>>
          %dma_wait3A_50 = arith.constant 0 : i32
          %dma_wait3A_51 = tpu.memref_slice %arg10[%add3A, %dma_wait3A_50] : memref<10016x128xf32, #tpu.memory_space<vmem_shared>> -> memref<104x128xf32, #tpu.memory_space<vmem_shared>>
          %dma_wait3A_52 = arith.constant 0 : i32
          %dma_wait3A_53 = arith.constant 0 : i32
          %dma_wait3A_54 = tpu.memref_slice %arg13[%dma_wait3A_52, %dma_wait3A_53] : memref<128x128xf32, #tpu.memory_space<vmem>> -> memref<104x128xf32, #tpu.memory_space<vmem>>
          %dma_wait3A_55 = arith.constant 0 : i32
          %dma_wait3A_56 = tpu.memref_slice %arg10[%add3A, %dma_wait3A_55] : memref<10016x128xf32, #tpu.memory_space<vmem_shared>> -> memref<104x128xf32, #tpu.memory_space<vmem_shared>>
          tpu.wait_dma2 semaphore(%run_scoped3A : memref<!tpu.dma_semaphore, #tpu.memory_space<semaphore_mem>>) src(%dma_wait3A_56 : memref<104x128xf32, #tpu.memory_space<vmem_shared>>) dst(%dma_wait3A_54 : memref<104x128xf32, #tpu.memory_space<vmem>>)
          tpu.yield
        }) : () -> ()
        %scan3A_33 = arith.constant 0 : i32
        %scan3A_34 = arith.constant 0 : i32
        %scan3A_35 = arith.constant 104 : i32
        %scan3A_36 = arith.addi %scan3A_34, %scan3A_35 : i32
        %scan3A_37 = arith.constant 1 : i32
        scf.for %scan3A_39 = %scan3A_34 to %scan3A_36 step %scan3A_37  : i32 {
          %get3A = arith.index_cast %scan3A_39 : i32 to index
          %get3A_40 = arith.constant 0 : index
          %get3A_41 = tpu.vector_load %arg13[%get3A, %get3A_40] {strides = array<i32>} : memref<128x128xf32, #tpu.memory_space<vmem>>, vector<1x16xf32>,
          %get3A_42 = vector.shape_cast %get3A_41 : vector<1x16xf32> to vector<16xf32>
          %max3A = arith.constant 0.000000e+00 : f32
          %max3A_43 = vector.broadcast %max3A : f32 to vector<16xf32>
          %max3A_44 = arith.maximumf %get3A_42, %max3A_43 : vector<16xf32>
          %swap3A = arith.index_cast %scan3A_39 : i32 to index
          %swap3A_45 = arith.constant 0 : index
          %swap3A_46 = tpu.vector_load %arg13[%swap3A, %swap3A_45] {strides = array<i32>} : memref<128x128xf32, #tpu.memory_space<vmem>>, vector<1x16xf32>,
          %swap3A_47 = vector.shape_cast %swap3A_46 : vector<1x16xf32> to vector<16xf32>
          %swap3A_48 = vector.shape_cast %max3A_44 : vector<16xf32> to vector<1x16xf32>
          tpu.vector_store %arg13[%swap3A, %swap3A_45], %swap3A_48 {strides = array<i32>} : memref<128x128xf32, #tpu.memory_space<vmem>>, vector<1x16xf32>,
          %get3A_49 = arith.index_cast %scan3A_39 : i32 to index
          %get3A_50 = arith.constant 16 : index
          %get3A_51 = tpu.vector_load %arg13[%get3A_49, %get3A_50] {strides = array<i32>} : memref<128x128xf32, #tpu.memory_space<vmem>>, vector<1x16xf32>,
          %get3A_52 = vector.shape_cast %get3A_51 : vector<1x16xf32> to vector<16xf32>
          %max3A_53 = arith.constant 0.000000e+00 : f32
          %max3A_54 = vector.broadcast %max3A_53 : f32 to vector<16xf32>
          %max3A_55 = arith.maximumf %get3A_52, %max3A_54 : vector<16xf32>
          %swap3A_56 = arith.index_cast %scan3A_39 : i32 to index
          %swap3A_57 = arith.constant 16 : index
          %swap3A_58 = tpu.vector_load %arg13[%swap3A_56, %swap3A_57] {strides = array<i32>} : memref<128x128xf32, #tpu.memory_space<vmem>>, vector<1x16xf32>,
          %swap3A_59 = vector.shape_cast %swap3A_58 : vector<1x16xf32> to vector<16xf32>
          %swap3A_60 = vector.shape_cast %max3A_55 : vector<16xf32> to vector<1x16xf32>
          tpu.vector_store %arg13[%swap3A_56, %swap3A_57], %swap3A_60 {strides = array<i32>} : memref<128x128xf32, #tpu.memory_space<vmem>>, vector<1x16xf32>,
          %get3A_61 = arith.index_cast %scan3A_39 : i32 to index
          %get3A_62 = arith.constant 32 : index
          %get3A_63 = tpu.vector_load %arg13[%get3A_61, %get3A_62] {strides = array<i32>} : memref<128x128xf32, #tpu.memory_space<vmem>>, vector<1x16xf32>,
          %get3A_64 = vector.shape_cast %get3A_63 : vector<1x16xf32> to vector<16xf32>
          %max3A_65 = arith.constant 0.000000e+00 : f32
          %max3A_66 = vector.broadcast %max3A_65 : f32 to vector<16xf32>
          %max3A_67 = arith.maximumf %get3A_64, %max3A_66 : vector<16xf32>
          %swap3A_68 = arith.index_cast %scan3A_39 : i32 to index
          %swap3A_69 = arith.constant 32 : index
          %swap3A_70 = tpu.vector_load %arg13[%swap3A_68, %swap3A_69] {strides = array<i32>} : memref<128x128xf32, #tpu.memory_space<vmem>>, vector<1x16xf32>,
          %swap3A_71 = vector.shape_cast %swap3A_70 : vector<1x16xf32> to vector<16xf32>
          %swap3A_72 = vector.shape_cast %max3A_67 : vector<16xf32> to vector<1x16xf32>
          tpu.vector_store %arg13[%swap3A_68, %swap3A_69], %swap3A_72 {strides = array<i32>} : memref<128x128xf32, #tpu.memory_space<vmem>>, vector<1x16xf32>,
          %get3A_73 = arith.index_cast %scan3A_39 : i32 to index
          %get3A_74 = arith.constant 48 : index
          %get3A_75 = tpu.vector_load %arg13[%get3A_73, %get3A_74] {strides = array<i32>} : memref<128x128xf32, #tpu.memory_space<vmem>>, vector<1x16xf32>,
          %get3A_76 = vector.shape_cast %get3A_75 : vector<1x16xf32> to vector<16xf32>
          %max3A_77 = arith.constant 0.000000e+00 : f32
          %max3A_78 = vector.broadcast %max3A_77 : f32 to vector<16xf32>
          %max3A_79 = arith.maximumf %get3A_76, %max3A_78 : vector<16xf32>
          %swap3A_80 = arith.index_cast %scan3A_39 : i32 to index
          %swap3A_81 = arith.constant 48 : index
          %swap3A_82 = tpu.vector_load %arg13[%swap3A_80, %swap3A_81] {strides = array<i32>} : memref<128x128xf32, #tpu.memory_space<vmem>>, vector<1x16xf32>,
          %swap3A_83 = vector.shape_cast %swap3A_82 : vector<1x16xf32> to vector<16xf32>
          %swap3A_84 = vector.shape_cast %max3A_79 : vector<16xf32> to vector<1x16xf32>
          tpu.vector_store %arg13[%swap3A_80, %swap3A_81], %swap3A_84 {strides = array<i32>} : memref<128x128xf32, #tpu.memory_space<vmem>>, vector<1x16xf32>,
          %get3A_85 = arith.index_cast %scan3A_39 : i32 to index
          %get3A_86 = arith.constant 64 : index
          %get3A_87 = tpu.vector_load %arg13[%get3A_85, %get3A_86] {strides = array<i32>} : memref<128x128xf32, #tpu.memory_space<vmem>>, vector<1x16xf32>,
          %get3A_88 = vector.shape_cast %get3A_87 : vector<1x16xf32> to vector<16xf32>
          %max3A_89 = arith.constant 0.000000e+00 : f32
          %max3A_90 = vector.broadcast %max3A_89 : f32 to vector<16xf32>
          %max3A_91 = arith.maximumf %get3A_88, %max3A_90 : vector<16xf32>
          %swap3A_92 = arith.index_cast %scan3A_39 : i32 to index
          %swap3A_93 = arith.constant 64 : index
          %swap3A_94 = tpu.vector_load %arg13[%swap3A_92, %swap3A_93] {strides = array<i32>} : memref<128x128xf32, #tpu.memory_space<vmem>>, vector<1x16xf32>,
          %swap3A_95 = vector.shape_cast %swap3A_94 : vector<1x16xf32> to vector<16xf32>
          %swap3A_96 = vector.shape_cast %max3A_91 : vector<16xf32> to vector<1x16xf32>
          tpu.vector_store %arg13[%swap3A_92, %swap3A_93], %swap3A_96 {strides = array<i32>} : memref<128x128xf32, #tpu.memory_space<vmem>>, vector<1x16xf32>,
          %get3A_97 = arith.index_cast %scan3A_39 : i32 to index
          %get3A_98 = arith.constant 80 : index
          %get3A_99 = tpu.vector_load %arg13[%get3A_97, %get3A_98] {strides = array<i32>} : memref<128x128xf32, #tpu.memory_space<vmem>>, vector<1x16xf32>,
          %get3A_100 = vector.shape_cast %get3A_99 : vector<1x16xf32> to vector<16xf32>
          %max3A_101 = arith.constant 0.000000e+00 : f32
          %max3A_102 = vector.broadcast %max3A_101 : f32 to vector<16xf32>
          %max3A_103 = arith.maximumf %get3A_100, %max3A_102 : vector<16xf32>
          %swap3A_104 = arith.index_cast %scan3A_39 : i32 to index
          %swap3A_105 = arith.constant 80 : index
          %swap3A_106 = tpu.vector_load %arg13[%swap3A_104, %swap3A_105] {strides = array<i32>} : memref<128x128xf32, #tpu.memory_space<vmem>>, vector<1x16xf32>,
          %swap3A_107 = vector.shape_cast %swap3A_106 : vector<1x16xf32> to vector<16xf32>
          %swap3A_108 = vector.shape_cast %max3A_103 : vector<16xf32> to vector<1x16xf32>
          tpu.vector_store %arg13[%swap3A_104, %swap3A_105], %swap3A_108 {strides = array<i32>} : memref<128x128xf32, #tpu.memory_space<vmem>>, vector<1x16xf32>,
          %get3A_109 = arith.index_cast %scan3A_39 : i32 to index
          %get3A_110 = arith.constant 96 : index
          %get3A_111 = tpu.vector_load %arg13[%get3A_109, %get3A_110] {strides = array<i32>} : memref<128x128xf32, #tpu.memory_space<vmem>>, vector<1x16xf32>,
          %get3A_112 = vector.shape_cast %get3A_111 : vector<1x16xf32> to vector<16xf32>
          %max3A_113 = arith.constant 0.000000e+00 : f32
          %max3A_114 = vector.broadcast %max3A_113 : f32 to vector<16xf32>
          %max3A_115 = arith.maximumf %get3A_112, %max3A_114 : vector<16xf32>
          %swap3A_116 = arith.index_cast %scan3A_39 : i32 to index
          %swap3A_117 = arith.constant 96 : index
          %swap3A_118 = tpu.vector_load %arg13[%swap3A_116, %swap3A_117] {strides = array<i32>} : memref<128x128xf32, #tpu.memory_space<vmem>>, vector<1x16xf32>,
          %swap3A_119 = vector.shape_cast %swap3A_118 : vector<1x16xf32> to vector<16xf32>
          %swap3A_120 = vector.shape_cast %max3A_115 : vector<16xf32> to vector<1x16xf32>
          tpu.vector_store %arg13[%swap3A_116, %swap3A_117], %swap3A_120 {strides = array<i32>} : memref<128x128xf32, #tpu.memory_space<vmem>>, vector<1x16xf32>,
          %get3A_121 = arith.index_cast %scan3A_39 : i32 to index
          %get3A_122 = arith.constant 112 : index
          %get3A_123 = tpu.vector_load %arg13[%get3A_121, %get3A_122] {strides = array<i32>} : memref<128x128xf32, #tpu.memory_space<vmem>>, vector<1x16xf32>,
          %get3A_124 = vector.shape_cast %get3A_123 : vector<1x16xf32> to vector<16xf32>
          %max3A_125 = arith.constant 0.000000e+00 : f32
          %max3A_126 = vector.broadcast %max3A_125 : f32 to vector<16xf32>
          %max3A_127 = arith.maximumf %get3A_124, %max3A_126 : vector<16xf32>
          %swap3A_128 = arith.index_cast %scan3A_39 : i32 to index
          %swap3A_129 = arith.constant 112 : index
          %swap3A_130 = tpu.vector_load %arg13[%swap3A_128, %swap3A_129] {strides = array<i32>} : memref<128x128xf32, #tpu.memory_space<vmem>>, vector<1x16xf32>,
          %swap3A_131 = vector.shape_cast %swap3A_130 : vector<1x16xf32> to vector<16xf32>
          %swap3A_132 = vector.shape_cast %max3A_127 : vector<16xf32> to vector<1x16xf32>
          tpu.vector_store %arg13[%swap3A_128, %swap3A_129], %swap3A_132 {strides = array<i32>} : memref<128x128xf32, #tpu.memory_space<vmem>>, vector<1x16xf32>,
        }
        %scan3A_38 = arith.constant 104 : i32
        "tpu.region"() ({
          %run_scoped3A = tpu.sem_alloc : memref<!tpu.dma_semaphore, #tpu.memory_space<semaphore_mem>>
          %dma_start3A = arith.constant 0 : i32
          %dma_start3A_39 = arith.constant 0 : i32
          %dma_start3A_40 = tpu.memref_slice %arg13[%dma_start3A, %dma_start3A_39] : memref<128x128xf32, #tpu.memory_space<vmem>> -> memref<104x128xf32, #tpu.memory_space<vmem>>
          %dma_start3A_41 = arith.constant 0 : i32
          %dma_start3A_42 = tpu.memref_slice %arg8[%add3A, %dma_start3A_41] : memref<10000x128xf32, #tpu.memory_space<hbm>> -> memref<104x128xf32, #tpu.memory_space<hbm>>
          %dma_start3A_43 = arith.constant 0 : i32
          %dma_start3A_44 = tpu.memref_slice %arg8[%add3A, %dma_start3A_43] : memref<10000x128xf32, #tpu.memory_space<hbm>> -> memref<104x128xf32, #tpu.memory_space<hbm>>
          %dma_start3A_45 = arith.constant 0 : i32
          %dma_start3A_46 = arith.constant 0 : i32
          %dma_start3A_47 = tpu.memref_slice %arg13[%dma_start3A_45, %dma_start3A_46] : memref<128x128xf32, #tpu.memory_space<vmem>> -> memref<104x128xf32, #tpu.memory_space<vmem>>
          tpu.enqueue_dma source(%dma_start3A_47 : memref<104x128xf32, #tpu.memory_space<vmem>>) target(%dma_start3A_44 : memref<104x128xf32, #tpu.memory_space<hbm>>) target_semaphore(%run_scoped3A : memref<!tpu.dma_semaphore, #tpu.memory_space<semaphore_mem>>)
          %dma_wait3A = arith.constant 0 : i32
          %dma_wait3A_48 = arith.constant 0 : i32
          %dma_wait3A_49 = tpu.memref_slice %arg13[%dma_wait3A, %dma_wait3A_48] : memref<128x128xf32, #tpu.memory_space<vmem>> -> memref<104x128xf32, #tpu.memory_space<vmem>>
          %dma_wait3A_50 = arith.constant 0 : i32
          %dma_wait3A_51 = tpu.memref_slice %arg8[%add3A, %dma_wait3A_50] : memref<10000x128xf32, #tpu.memory_space<hbm>> -> memref<104x128xf32, #tpu.memory_space<hbm>>
          %dma_wait3A_52 = arith.constant 0 : i32
          %dma_wait3A_53 = tpu.memref_slice %arg8[%add3A, %dma_wait3A_52] : memref<10000x128xf32, #tpu.memory_space<hbm>> -> memref<104x128xf32, #tpu.memory_space<hbm>>
          %dma_wait3A_54 = arith.constant 0 : i32
          %dma_wait3A_55 = arith.constant 0 : i32
          %dma_wait3A_56 = tpu.memref_slice %arg13[%dma_wait3A_54, %dma_wait3A_55] : memref<128x128xf32, #tpu.memory_space<vmem>> -> memref<104x128xf32, #tpu.memory_space<vmem>>
          tpu.wait_dma2 semaphore(%run_scoped3A : memref<!tpu.dma_semaphore, #tpu.memory_space<semaphore_mem>>) src(%dma_wait3A_56 : memref<104x128xf32, #tpu.memory_space<vmem>>) dst(%dma_wait3A_53 : memref<104x128xf32, #tpu.memory_space<hbm>>)
          tpu.yield
        }) : () -> ()
      }
      %scan3A_24 = arith.constant 6 : i32
      %eq3A_25 = arith.constant 15 : i32
      %eq3A_26 = arith.cmpi eq, %arg1, %eq3A_25 : i32
      %convert_element_type3A_27 = arith.extui %eq3A_26 : i1 to i32
      %cond3A_28 = arith.constant 0 : i32
      %cond3A_29 = arith.cmpi ne, %convert_element_type3A_27, %cond3A_28 : i32
      scf.if %cond3A_29 {
        "tpu.region"() ({
          %run_scoped3A = tpu.sem_alloc : memref<!tpu.dma_semaphore, #tpu.memory_space<semaphore_mem>>
          %dma_start3A = arith.constant 0 : i32
          %dma_start3A_36 = arith.constant 0 : i32
          %dma_start3A_37 = tpu.memref_slice %arg13[%dma_start3A, %dma_start3A_36] : memref<128x128xf32, #tpu.memory_space<vmem>> -> memref<16x128xf32, #tpu.memory_space<vmem>>
          %dma_start3A_38 = arith.constant 9984 : i32
          %dma_start3A_39 = arith.constant 0 : i32
          %dma_start3A_40 = tpu.memref_slice %arg10[%dma_start3A_38, %dma_start3A_39] : memref<10016x128xf32, #tpu.memory_space<vmem_shared>> -> memref<16x128xf32, #tpu.memory_space<vmem_shared>>
          %dma_start3A_41 = arith.constant 0 : i32
          %dma_start3A_42 = arith.constant 0 : i32
          %dma_start3A_43 = tpu.memref_slice %arg13[%dma_start3A_41, %dma_start3A_42] : memref<128x128xf32, #tpu.memory_space<vmem>> -> memref<16x128xf32, #tpu.memory_space<vmem>>
          %dma_start3A_44 = arith.constant 9984 : i32
          %dma_start3A_45 = arith.constant 0 : i32
          %dma_start3A_46 = tpu.memref_slice %arg10[%dma_start3A_44, %dma_start3A_45] : memref<10016x128xf32, #tpu.memory_space<vmem_shared>> -> memref<16x128xf32, #tpu.memory_space<vmem_shared>>
          tpu.enqueue_dma source(%dma_start3A_46 : memref<16x128xf32, #tpu.memory_space<vmem_shared>>) target(%dma_start3A_43 : memref<16x128xf32, #tpu.memory_space<vmem>>) target_semaphore(%run_scoped3A : memref<!tpu.dma_semaphore, #tpu.memory_space<semaphore_mem>>)
          %dma_wait3A = arith.constant 0 : i32
          %dma_wait3A_47 = arith.constant 0 : i32
          %dma_wait3A_48 = tpu.memref_slice %arg13[%dma_wait3A, %dma_wait3A_47] : memref<128x128xf32, #tpu.memory_space<vmem>> -> memref<16x128xf32, #tpu.memory_space<vmem>>
          %dma_wait3A_49 = arith.constant 9984 : i32
          %dma_wait3A_50 = arith.constant 0 : i32
          %dma_wait3A_51 = tpu.memref_slice %arg10[%dma_wait3A_49, %dma_wait3A_50] : memref<10016x128xf32, #tpu.memory_space<vmem_shared>> -> memref<16x128xf32, #tpu.memory_space<vmem_shared>>
          %dma_wait3A_52 = arith.constant 0 : i32
          %dma_wait3A_53 = arith.constant 0 : i32
          %dma_wait3A_54 = tpu.memref_slice %arg13[%dma_wait3A_52, %dma_wait3A_53] : memref<128x128xf32, #tpu.memory_space<vmem>> -> memref<16x128xf32, #tpu.memory_space<vmem>>
          %dma_wait3A_55 = arith.constant 9984 : i32
          %dma_wait3A_56 = arith.constant 0 : i32
          %dma_wait3A_57 = tpu.memref_slice %arg10[%dma_wait3A_55, %dma_wait3A_56] : memref<10016x128xf32, #tpu.memory_space<vmem_shared>> -> memref<16x128xf32, #tpu.memory_space<vmem_shared>>
          tpu.wait_dma2 semaphore(%run_scoped3A : memref<!tpu.dma_semaphore, #tpu.memory_space<semaphore_mem>>) src(%dma_wait3A_57 : memref<16x128xf32, #tpu.memory_space<vmem_shared>>) dst(%dma_wait3A_54 : memref<16x128xf32, #tpu.memory_space<vmem>>)
          tpu.yield
        }) : () -> ()
        %scan3A_30 = arith.constant 0 : i32
        %scan3A_31 = arith.constant 0 : i32
        %scan3A_32 = arith.constant 16 : i32
        %scan3A_33 = arith.addi %scan3A_31, %scan3A_32 : i32
        %scan3A_34 = arith.constant 1 : i32
        scf.for %scan3A_36 = %scan3A_31 to %scan3A_33 step %scan3A_34  : i32 {
          %get3A = arith.index_cast %scan3A_36 : i32 to index
          %get3A_37 = arith.constant 0 : index
          %get3A_38 = tpu.vector_load %arg13[%get3A, %get3A_37] {strides = array<i32>} : memref<128x128xf32, #tpu.memory_space<vmem>>, vector<1x16xf32>,
          %get3A_39 = vector.shape_cast %get3A_38 : vector<1x16xf32> to vector<16xf32>
          %max3A = arith.constant 0.000000e+00 : f32
          %max3A_40 = vector.broadcast %max3A : f32 to vector<16xf32>
          %max3A_41 = arith.maximumf %get3A_39, %max3A_40 : vector<16xf32>
          %swap3A = arith.index_cast %scan3A_36 : i32 to index
          %swap3A_42 = arith.constant 0 : index
          %swap3A_43 = tpu.vector_load %arg13[%swap3A, %swap3A_42] {strides = array<i32>} : memref<128x128xf32, #tpu.memory_space<vmem>>, vector<1x16xf32>,
          %swap3A_44 = vector.shape_cast %swap3A_43 : vector<1x16xf32> to vector<16xf32>
          %swap3A_45 = vector.shape_cast %max3A_41 : vector<16xf32> to vector<1x16xf32>
          tpu.vector_store %arg13[%swap3A, %swap3A_42], %swap3A_45 {strides = array<i32>} : memref<128x128xf32, #tpu.memory_space<vmem>>, vector<1x16xf32>,
          %get3A_46 = arith.index_cast %scan3A_36 : i32 to index
          %get3A_47 = arith.constant 16 : index
          %get3A_48 = tpu.vector_load %arg13[%get3A_46, %get3A_47] {strides = array<i32>} : memref<128x128xf32, #tpu.memory_space<vmem>>, vector<1x16xf32>,
          %get3A_49 = vector.shape_cast %get3A_48 : vector<1x16xf32> to vector<16xf32>
          %max3A_50 = arith.constant 0.000000e+00 : f32
          %max3A_51 = vector.broadcast %max3A_50 : f32 to vector<16xf32>
          %max3A_52 = arith.maximumf %get3A_49, %max3A_51 : vector<16xf32>
          %swap3A_53 = arith.index_cast %scan3A_36 : i32 to index
          %swap3A_54 = arith.constant 16 : index
          %swap3A_55 = tpu.vector_load %arg13[%swap3A_53, %swap3A_54] {strides = array<i32>} : memref<128x128xf32, #tpu.memory_space<vmem>>, vector<1x16xf32>,
          %swap3A_56 = vector.shape_cast %swap3A_55 : vector<1x16xf32> to vector<16xf32>
          %swap3A_57 = vector.shape_cast %max3A_52 : vector<16xf32> to vector<1x16xf32>
          tpu.vector_store %arg13[%swap3A_53, %swap3A_54], %swap3A_57 {strides = array<i32>} : memref<128x128xf32, #tpu.memory_space<vmem>>, vector<1x16xf32>,
          %get3A_58 = arith.index_cast %scan3A_36 : i32 to index
          %get3A_59 = arith.constant 32 : index
          %get3A_60 = tpu.vector_load %arg13[%get3A_58, %get3A_59] {strides = array<i32>} : memref<128x128xf32, #tpu.memory_space<vmem>>, vector<1x16xf32>,
          %get3A_61 = vector.shape_cast %get3A_60 : vector<1x16xf32> to vector<16xf32>
          %max3A_62 = arith.constant 0.000000e+00 : f32
          %max3A_63 = vector.broadcast %max3A_62 : f32 to vector<16xf32>
          %max3A_64 = arith.maximumf %get3A_61, %max3A_63 : vector<16xf32>
          %swap3A_65 = arith.index_cast %scan3A_36 : i32 to index
          %swap3A_66 = arith.constant 32 : index
          %swap3A_67 = tpu.vector_load %arg13[%swap3A_65, %swap3A_66] {strides = array<i32>} : memref<128x128xf32, #tpu.memory_space<vmem>>, vector<1x16xf32>,
          %swap3A_68 = vector.shape_cast %swap3A_67 : vector<1x16xf32> to vector<16xf32>
          %swap3A_69 = vector.shape_cast %max3A_64 : vector<16xf32> to vector<1x16xf32>
          tpu.vector_store %arg13[%swap3A_65, %swap3A_66], %swap3A_69 {strides = array<i32>} : memref<128x128xf32, #tpu.memory_space<vmem>>, vector<1x16xf32>,
          %get3A_70 = arith.index_cast %scan3A_36 : i32 to index
          %get3A_71 = arith.constant 48 : index
          %get3A_72 = tpu.vector_load %arg13[%get3A_70, %get3A_71] {strides = array<i32>} : memref<128x128xf32, #tpu.memory_space<vmem>>, vector<1x16xf32>,
          %get3A_73 = vector.shape_cast %get3A_72 : vector<1x16xf32> to vector<16xf32>
          %max3A_74 = arith.constant 0.000000e+00 : f32
          %max3A_75 = vector.broadcast %max3A_74 : f32 to vector<16xf32>
          %max3A_76 = arith.maximumf %get3A_73, %max3A_75 : vector<16xf32>
          %swap3A_77 = arith.index_cast %scan3A_36 : i32 to index
          %swap3A_78 = arith.constant 48 : index
          %swap3A_79 = tpu.vector_load %arg13[%swap3A_77, %swap3A_78] {strides = array<i32>} : memref<128x128xf32, #tpu.memory_space<vmem>>, vector<1x16xf32>,
          %swap3A_80 = vector.shape_cast %swap3A_79 : vector<1x16xf32> to vector<16xf32>
          %swap3A_81 = vector.shape_cast %max3A_76 : vector<16xf32> to vector<1x16xf32>
          tpu.vector_store %arg13[%swap3A_77, %swap3A_78], %swap3A_81 {strides = array<i32>} : memref<128x128xf32, #tpu.memory_space<vmem>>, vector<1x16xf32>,
          %get3A_82 = arith.index_cast %scan3A_36 : i32 to index
          %get3A_83 = arith.constant 64 : index
          %get3A_84 = tpu.vector_load %arg13[%get3A_82, %get3A_83] {strides = array<i32>} : memref<128x128xf32, #tpu.memory_space<vmem>>, vector<1x16xf32>,
          %get3A_85 = vector.shape_cast %get3A_84 : vector<1x16xf32> to vector<16xf32>
          %max3A_86 = arith.constant 0.000000e+00 : f32
          %max3A_87 = vector.broadcast %max3A_86 : f32 to vector<16xf32>
          %max3A_88 = arith.maximumf %get3A_85, %max3A_87 : vector<16xf32>
          %swap3A_89 = arith.index_cast %scan3A_36 : i32 to index
          %swap3A_90 = arith.constant 64 : index
          %swap3A_91 = tpu.vector_load %arg13[%swap3A_89, %swap3A_90] {strides = array<i32>} : memref<128x128xf32, #tpu.memory_space<vmem>>, vector<1x16xf32>,
          %swap3A_92 = vector.shape_cast %swap3A_91 : vector<1x16xf32> to vector<16xf32>
          %swap3A_93 = vector.shape_cast %max3A_88 : vector<16xf32> to vector<1x16xf32>
          tpu.vector_store %arg13[%swap3A_89, %swap3A_90], %swap3A_93 {strides = array<i32>} : memref<128x128xf32, #tpu.memory_space<vmem>>, vector<1x16xf32>,
          %get3A_94 = arith.index_cast %scan3A_36 : i32 to index
          %get3A_95 = arith.constant 80 : index
          %get3A_96 = tpu.vector_load %arg13[%get3A_94, %get3A_95] {strides = array<i32>} : memref<128x128xf32, #tpu.memory_space<vmem>>, vector<1x16xf32>,
          %get3A_97 = vector.shape_cast %get3A_96 : vector<1x16xf32> to vector<16xf32>
          %max3A_98 = arith.constant 0.000000e+00 : f32
          %max3A_99 = vector.broadcast %max3A_98 : f32 to vector<16xf32>
          %max3A_100 = arith.maximumf %get3A_97, %max3A_99 : vector<16xf32>
          %swap3A_101 = arith.index_cast %scan3A_36 : i32 to index
          %swap3A_102 = arith.constant 80 : index
          %swap3A_103 = tpu.vector_load %arg13[%swap3A_101, %swap3A_102] {strides = array<i32>} : memref<128x128xf32, #tpu.memory_space<vmem>>, vector<1x16xf32>,
          %swap3A_104 = vector.shape_cast %swap3A_103 : vector<1x16xf32> to vector<16xf32>
          %swap3A_105 = vector.shape_cast %max3A_100 : vector<16xf32> to vector<1x16xf32>
          tpu.vector_store %arg13[%swap3A_101, %swap3A_102], %swap3A_105 {strides = array<i32>} : memref<128x128xf32, #tpu.memory_space<vmem>>, vector<1x16xf32>,
          %get3A_106 = arith.index_cast %scan3A_36 : i32 to index
          %get3A_107 = arith.constant 96 : index
          %get3A_108 = tpu.vector_load %arg13[%get3A_106, %get3A_107] {strides = array<i32>} : memref<128x128xf32, #tpu.memory_space<vmem>>, vector<1x16xf32>,
          %get3A_109 = vector.shape_cast %get3A_108 : vector<1x16xf32> to vector<16xf32>
          %max3A_110 = arith.constant 0.000000e+00 : f32
          %max3A_111 = vector.broadcast %max3A_110 : f32 to vector<16xf32>
          %max3A_112 = arith.maximumf %get3A_109, %max3A_111 : vector<16xf32>
          %swap3A_113 = arith.index_cast %scan3A_36 : i32 to index
          %swap3A_114 = arith.constant 96 : index
          %swap3A_115 = tpu.vector_load %arg13[%swap3A_113, %swap3A_114] {strides = array<i32>} : memref<128x128xf32, #tpu.memory_space<vmem>>, vector<1x16xf32>,
          %swap3A_116 = vector.shape_cast %swap3A_115 : vector<1x16xf32> to vector<16xf32>
          %swap3A_117 = vector.shape_cast %max3A_112 : vector<16xf32> to vector<1x16xf32>
          tpu.vector_store %arg13[%swap3A_113, %swap3A_114], %swap3A_117 {strides = array<i32>} : memref<128x128xf32, #tpu.memory_space<vmem>>, vector<1x16xf32>,
          %get3A_118 = arith.index_cast %scan3A_36 : i32 to index
          %get3A_119 = arith.constant 112 : index
          %get3A_120 = tpu.vector_load %arg13[%get3A_118, %get3A_119] {strides = array<i32>} : memref<128x128xf32, #tpu.memory_space<vmem>>, vector<1x16xf32>,
          %get3A_121 = vector.shape_cast %get3A_120 : vector<1x16xf32> to vector<16xf32>
          %max3A_122 = arith.constant 0.000000e+00 : f32
          %max3A_123 = vector.broadcast %max3A_122 : f32 to vector<16xf32>
          %max3A_124 = arith.maximumf %get3A_121, %max3A_123 : vector<16xf32>
          %swap3A_125 = arith.index_cast %scan3A_36 : i32 to index
          %swap3A_126 = arith.constant 112 : index
          %swap3A_127 = tpu.vector_load %arg13[%swap3A_125, %swap3A_126] {strides = array<i32>} : memref<128x128xf32, #tpu.memory_space<vmem>>, vector<1x16xf32>,
          %swap3A_128 = vector.shape_cast %swap3A_127 : vector<1x16xf32> to vector<16xf32>
          %swap3A_129 = vector.shape_cast %max3A_124 : vector<16xf32> to vector<1x16xf32>
          tpu.vector_store %arg13[%swap3A_125, %swap3A_126], %swap3A_129 {strides = array<i32>} : memref<128x128xf32, #tpu.memory_space<vmem>>, vector<1x16xf32>,
        }
        %scan3A_35 = arith.constant 16 : i32
        "tpu.region"() ({
          %run_scoped3A = tpu.sem_alloc : memref<!tpu.dma_semaphore, #tpu.memory_space<semaphore_mem>>
          %dma_start3A = arith.constant 0 : i32
          %dma_start3A_36 = arith.constant 0 : i32
          %dma_start3A_37 = tpu.memref_slice %arg13[%dma_start3A, %dma_start3A_36] : memref<128x128xf32, #tpu.memory_space<vmem>> -> memref<16x128xf32, #tpu.memory_space<vmem>>
          %dma_start3A_38 = arith.constant 9984 : i32
          %dma_start3A_39 = arith.constant 0 : i32
          %dma_start3A_40 = tpu.memref_slice %arg8[%dma_start3A_38, %dma_start3A_39] : memref<10000x128xf32, #tpu.memory_space<hbm>> -> memref<16x128xf32, #tpu.memory_space<hbm>>
          %dma_start3A_41 = arith.constant 9984 : i32
          %dma_start3A_42 = arith.constant 0 : i32
          %dma_start3A_43 = tpu.memref_slice %arg8[%dma_start3A_41, %dma_start3A_42] : memref<10000x128xf32, #tpu.memory_space<hbm>> -> memref<16x128xf32, #tpu.memory_space<hbm>>
          %dma_start3A_44 = arith.constant 0 : i32
          %dma_start3A_45 = arith.constant 0 : i32
          %dma_start3A_46 = tpu.memref_slice %arg13[%dma_start3A_44, %dma_start3A_45] : memref<128x128xf32, #tpu.memory_space<vmem>> -> memref<16x128xf32, #tpu.memory_space<vmem>>
          tpu.enqueue_dma source(%dma_start3A_46 : memref<16x128xf32, #tpu.memory_space<vmem>>) target(%dma_start3A_43 : memref<16x128xf32, #tpu.memory_space<hbm>>) target_semaphore(%run_scoped3A : memref<!tpu.dma_semaphore, #tpu.memory_space<semaphore_mem>>)
          %dma_wait3A = arith.constant 0 : i32
          %dma_wait3A_47 = arith.constant 0 : i32
          %dma_wait3A_48 = tpu.memref_slice %arg13[%dma_wait3A, %dma_wait3A_47] : memref<128x128xf32, #tpu.memory_space<vmem>> -> memref<16x128xf32, #tpu.memory_space<vmem>>
          %dma_wait3A_49 = arith.constant 9984 : i32
          %dma_wait3A_50 = arith.constant 0 : i32
          %dma_wait3A_51 = tpu.memref_slice %arg8[%dma_wait3A_49, %dma_wait3A_50] : memref<10000x128xf32, #tpu.memory_space<hbm>> -> memref<16x128xf32, #tpu.memory_space<hbm>>
          %dma_wait3A_52 = arith.constant 9984 : i32
          %dma_wait3A_53 = arith.constant 0 : i32
          %dma_wait3A_54 = tpu.memref_slice %arg8[%dma_wait3A_52, %dma_wait3A_53] : memref<10000x128xf32, #tpu.memory_space<hbm>> -> memref<16x128xf32, #tpu.memory_space<hbm>>
          %dma_wait3A_55 = arith.constant 0 : i32
          %dma_wait3A_56 = arith.constant 0 : i32
          %dma_wait3A_57 = tpu.memref_slice %arg13[%dma_wait3A_55, %dma_wait3A_56] : memref<128x128xf32, #tpu.memory_space<vmem>> -> memref<16x128xf32, #tpu.memory_space<vmem>>
          tpu.wait_dma2 semaphore(%run_scoped3A : memref<!tpu.dma_semaphore, #tpu.memory_space<semaphore_mem>>) src(%dma_wait3A_57 : memref<16x128xf32, #tpu.memory_space<vmem>>) dst(%dma_wait3A_54 : memref<16x128xf32, #tpu.memory_space<hbm>>)
          tpu.yield
        }) : () -> ()
      } else {
      }
    } else {
    }
    %eq3A_3 = arith.constant 1 : i32
    %eq3A_4 = arith.cmpi eq, %arg0, %eq3A_3 : i32
    %convert_element_type3A_5 = arith.extui %eq3A_4 : i1 to i32
    %cond3A_6 = arith.constant 0 : i32
    %cond3A_7 = arith.cmpi ne, %convert_element_type3A_5, %cond3A_6 : i32
    scf.if %cond3A_7 {
      "tpu.region"() ({
        %run_scoped3A = tpu.sem_alloc : memref<!tpu.dma_semaphore, #tpu.memory_space<semaphore_mem>>
        %dma_start3A = arith.constant 0 : i32
        %dma_start3A_30 = tpu.memref_slice %arg10[%mul3A_0, %dma_start3A] : memref<10016x128xf32, #tpu.memory_space<vmem_shared>> -> memref<624x128xf32, #tpu.memory_space<vmem_shared>>
        %dma_start3A_31 = arith.constant 0 : i32
        %dma_start3A_32 = tpu.memref_slice %arg7[%mul3A_0, %dma_start3A_31] : memref<10240x128xf32, #tpu.memory_space<hbm>> -> memref<624x128xf32, #tpu.memory_space<hbm>>
        tpu.enqueue_dma source(%dma_start3A_32 : memref<624x128xf32, #tpu.memory_space<hbm>>) target(%dma_start3A_30 : memref<624x128xf32, #tpu.memory_space<vmem_shared>>) target_semaphore(%run_scoped3A : memref<!tpu.dma_semaphore, #tpu.memory_space<semaphore_mem>>)
        %dma_wait3A = arith.constant 0 : i32
        %dma_wait3A_33 = tpu.memref_slice %arg10[%mul3A_0, %dma_wait3A] : memref<10016x128xf32, #tpu.memory_space<vmem_shared>> -> memref<624x128xf32, #tpu.memory_space<vmem_shared>>
        %dma_wait3A_34 = arith.constant 0 : i32
        %dma_wait3A_35 = tpu.memref_slice %arg7[%mul3A_0, %dma_wait3A_34] : memref<10240x128xf32, #tpu.memory_space<hbm>> -> memref<624x128xf32, #tpu.memory_space<hbm>>
        tpu.wait_dma2 semaphore(%run_scoped3A : memref<!tpu.dma_semaphore, #tpu.memory_space<semaphore_mem>>) src(%dma_wait3A_35 : memref<624x128xf32, #tpu.memory_space<hbm>>) dst(%dma_wait3A_33 : memref<624x128xf32, #tpu.memory_space<vmem_shared>>)
        tpu.yield
      }) : () -> ()
      %eq3A_8 = arith.constant 15 : i32
      %eq3A_9 = arith.cmpi eq, %arg1, %eq3A_8 : i32
      %convert_element_type3A_10 = arith.extui %eq3A_9 : i1 to i32
      %cond3A_11 = arith.constant 0 : i32
      %cond3A_12 = arith.cmpi ne, %convert_element_type3A_10, %cond3A_11 : i32
      scf.if %cond3A_12 {
        "tpu.region"() ({
          %run_scoped3A = tpu.sem_alloc : memref<!tpu.dma_semaphore, #tpu.memory_space<semaphore_mem>>
          %dma_start3A = arith.constant 9984 : i32
          %dma_start3A_30 = arith.constant 0 : i32
          %dma_start3A_31 = tpu.memref_slice %arg10[%dma_start3A, %dma_start3A_30] : memref<10016x128xf32, #tpu.memory_space<vmem_shared>> -> memref<16x128xf32, #tpu.memory_space<vmem_shared>>
          %dma_start3A_32 = arith.constant 9984 : i32
          %dma_start3A_33 = arith.constant 0 : i32
          %dma_start3A_34 = tpu.memref_slice %arg7[%dma_start3A_32, %dma_start3A_33] : memref<10240x128xf32, #tpu.memory_space<hbm>> -> memref<16x128xf32, #tpu.memory_space<hbm>>
          tpu.enqueue_dma source(%dma_start3A_34 : memref<16x128xf32, #tpu.memory_space<hbm>>) target(%dma_start3A_31 : memref<16x128xf32, #tpu.memory_space<vmem_shared>>) target_semaphore(%run_scoped3A : memref<!tpu.dma_semaphore, #tpu.memory_space<semaphore_mem>>)
          %dma_wait3A = arith.constant 9984 : i32
          %dma_wait3A_35 = arith.constant 0 : i32
          %dma_wait3A_36 = tpu.memref_slice %arg10[%dma_wait3A, %dma_wait3A_35] : memref<10016x128xf32, #tpu.memory_space<vmem_shared>> -> memref<16x128xf32, #tpu.memory_space<vmem_shared>>
          %dma_wait3A_37 = arith.constant 9984 : i32
          %dma_wait3A_38 = arith.constant 0 : i32
          %dma_wait3A_39 = tpu.memref_slice %arg7[%dma_wait3A_37, %dma_wait3A_38] : memref<10240x128xf32, #tpu.memory_space<hbm>> -> memref<16x128xf32, #tpu.memory_space<hbm>>
          tpu.wait_dma2 semaphore(%run_scoped3A : memref<!tpu.dma_semaphore, #tpu.memory_space<semaphore_mem>>) src(%dma_wait3A_39 : memref<16x128xf32, #tpu.memory_space<hbm>>) dst(%dma_wait3A_36 : memref<16x128xf32, #tpu.memory_space<vmem_shared>>)
          tpu.yield
        }) : () -> ()
      } else {
      }
      %barrier3A = arith.constant 0 : index
      tpu.barrier barrier_id(%barrier3A)
      %scan3A = arith.constant 0 : i32
      %scan3A_13 = arith.constant 0 : i32
      %scan3A_14 = arith.constant 4 : i32
      %scan3A_15 = arith.addi %scan3A_13, %scan3A_14 : i32
      %scan3A_16 = arith.constant 1 : i32
      scf.for %scan3A_30 = %scan3A_13 to %scan3A_15 step %scan3A_16  : i32 {
        %mul3A_31 = arith.constant 40 : i32
        %mul3A_32 = arith.muli %scan3A_30, %mul3A_31 : i32
        "tpu.region"() ({
          %run_scoped3A = tpu.sem_alloc : memref<!tpu.dma_semaphore, #tpu.memory_space<semaphore_mem>>
          %dma_start3A_52 = arith.constant 0 : i32
          %dma_start3A_53 = arith.constant 0 : i32
          %dma_start3A_54 = tpu.memref_slice %arg4[%arg1, %dma_start3A_52, %dma_start3A_53] : memref<16x160x128xi32, #tpu.memory_space<hbm>> -> memref<1x160x128xi32, #tpu.memory_space<hbm>>
          %dma_start3A_55 = tpu.memref_squeeze %dma_start3A_54 : memref<1x160x128xi32, #tpu.memory_space<hbm>> -> memref<160x128xi32, #tpu.memory_space<hbm>>
          %dma_start3A_56 = arith.constant 0 : i32
          %dma_start3A_57 = tpu.memref_slice %dma_start3A_55[%mul3A_32, %dma_start3A_56] : memref<160x128xi32, #tpu.memory_space<hbm>> -> memref<40x128xi32, #tpu.memory_space<hbm>>
          %dma_start3A_58 = arith.constant 0 : i32
          %dma_start3A_59 = arith.constant 0 : i32
          %dma_start3A_60 = tpu.memref_slice %arg4[%arg1, %dma_start3A_58, %dma_start3A_59] : memref<16x160x128xi32, #tpu.memory_space<hbm>> -> memref<1x160x128xi32, #tpu.memory_space<hbm>>
          %dma_start3A_61 = tpu.memref_squeeze %dma_start3A_60 : memref<1x160x128xi32, #tpu.memory_space<hbm>> -> memref<160x128xi32, #tpu.memory_space<hbm>>
          %dma_start3A_62 = arith.constant 0 : i32
          %dma_start3A_63 = tpu.memref_slice %dma_start3A_61[%mul3A_32, %dma_start3A_62] : memref<160x128xi32, #tpu.memory_space<hbm>> -> memref<40x128xi32, #tpu.memory_space<hbm>>
          tpu.enqueue_dma source(%dma_start3A_63 : memref<40x128xi32, #tpu.memory_space<hbm>>) target(%arg11 : memref<40x128xi32, #tpu.memory_space<vmem>>) target_semaphore(%run_scoped3A : memref<!tpu.dma_semaphore, #tpu.memory_space<semaphore_mem>>)
          %dma_wait3A_64 = arith.constant 0 : i32
          %dma_wait3A_65 = arith.constant 0 : i32
          %dma_wait3A_66 = tpu.memref_slice %arg4[%arg1, %dma_wait3A_64, %dma_wait3A_65] : memref<16x160x128xi32, #tpu.memory_space<hbm>> -> memref<1x160x128xi32, #tpu.memory_space<hbm>>
          %dma_wait3A_67 = tpu.memref_squeeze %dma_wait3A_66 : memref<1x160x128xi32, #tpu.memory_space<hbm>> -> memref<160x128xi32, #tpu.memory_space<hbm>>
          %dma_wait3A_68 = arith.constant 0 : i32
          %dma_wait3A_69 = tpu.memref_slice %dma_wait3A_67[%mul3A_32, %dma_wait3A_68] : memref<160x128xi32, #tpu.memory_space<hbm>> -> memref<40x128xi32, #tpu.memory_space<hbm>>
          %dma_wait3A_70 = arith.constant 0 : i32
          %dma_wait3A_71 = arith.constant 0 : i32
          %dma_wait3A_72 = tpu.memref_slice %arg4[%arg1, %dma_wait3A_70, %dma_wait3A_71] : memref<16x160x128xi32, #tpu.memory_space<hbm>> -> memref<1x160x128xi32, #tpu.memory_space<hbm>>
          %dma_wait3A_73 = tpu.memref_squeeze %dma_wait3A_72 : memref<1x160x128xi32, #tpu.memory_space<hbm>> -> memref<160x128xi32, #tpu.memory_space<hbm>>
          %dma_wait3A_74 = arith.constant 0 : i32
          %dma_wait3A_75 = tpu.memref_slice %dma_wait3A_73[%mul3A_32, %dma_wait3A_74] : memref<160x128xi32, #tpu.memory_space<hbm>> -> memref<40x128xi32, #tpu.memory_space<hbm>>
          tpu.wait_dma2 semaphore(%run_scoped3A : memref<!tpu.dma_semaphore, #tpu.memory_space<semaphore_mem>>) src(%dma_wait3A_75 : memref<40x128xi32, #tpu.memory_space<hbm>>) dst(%arg11 : memref<40x128xi32, #tpu.memory_space<vmem>>)
          tpu.yield
        }) : () -> ()
        %mul3A_33 = arith.constant 40 : i32
        %mul3A_34 = arith.muli %scan3A_30, %mul3A_33 : i32
        "tpu.region"() ({
          %run_scoped3A = tpu.sem_alloc : memref<!tpu.dma_semaphore, #tpu.memory_space<semaphore_mem>>
          %dma_start3A_52 = arith.constant 0 : i32
          %dma_start3A_53 = arith.constant 0 : i32
          %dma_start3A_54 = tpu.memref_slice %arg5[%arg1, %dma_start3A_52, %dma_start3A_53] : memref<16x160x128xi32, #tpu.memory_space<hbm>> -> memref<1x160x128xi32, #tpu.memory_space<hbm>>
          %dma_start3A_55 = tpu.memref_squeeze %dma_start3A_54 : memref<1x160x128xi32, #tpu.memory_space<hbm>> -> memref<160x128xi32, #tpu.memory_space<hbm>>
          %dma_start3A_56 = arith.constant 0 : i32
          %dma_start3A_57 = tpu.memref_slice %dma_start3A_55[%mul3A_34, %dma_start3A_56] : memref<160x128xi32, #tpu.memory_space<hbm>> -> memref<40x128xi32, #tpu.memory_space<hbm>>
          %dma_start3A_58 = arith.constant 0 : i32
          %dma_start3A_59 = arith.constant 0 : i32
          %dma_start3A_60 = tpu.memref_slice %arg5[%arg1, %dma_start3A_58, %dma_start3A_59] : memref<16x160x128xi32, #tpu.memory_space<hbm>> -> memref<1x160x128xi32, #tpu.memory_space<hbm>>
          %dma_start3A_61 = tpu.memref_squeeze %dma_start3A_60 : memref<1x160x128xi32, #tpu.memory_space<hbm>> -> memref<160x128xi32, #tpu.memory_space<hbm>>
          %dma_start3A_62 = arith.constant 0 : i32
          %dma_start3A_63 = tpu.memref_slice %dma_start3A_61[%mul3A_34, %dma_start3A_62] : memref<160x128xi32, #tpu.memory_space<hbm>> -> memref<40x128xi32, #tpu.memory_space<hbm>>
          tpu.enqueue_dma source(%dma_start3A_63 : memref<40x128xi32, #tpu.memory_space<hbm>>) target(%arg12 : memref<40x128xi32, #tpu.memory_space<vmem>>) target_semaphore(%run_scoped3A : memref<!tpu.dma_semaphore, #tpu.memory_space<semaphore_mem>>)
          %dma_wait3A_64 = arith.constant 0 : i32
          %dma_wait3A_65 = arith.constant 0 : i32
          %dma_wait3A_66 = tpu.memref_slice %arg5[%arg1, %dma_wait3A_64, %dma_wait3A_65] : memref<16x160x128xi32, #tpu.memory_space<hbm>> -> memref<1x160x128xi32, #tpu.memory_space<hbm>>
          %dma_wait3A_67 = tpu.memref_squeeze %dma_wait3A_66 : memref<1x160x128xi32, #tpu.memory_space<hbm>> -> memref<160x128xi32, #tpu.memory_space<hbm>>
          %dma_wait3A_68 = arith.constant 0 : i32
          %dma_wait3A_69 = tpu.memref_slice %dma_wait3A_67[%mul3A_34, %dma_wait3A_68] : memref<160x128xi32, #tpu.memory_space<hbm>> -> memref<40x128xi32, #tpu.memory_space<hbm>>
          %dma_wait3A_70 = arith.constant 0 : i32
          %dma_wait3A_71 = arith.constant 0 : i32
          %dma_wait3A_72 = tpu.memref_slice %arg5[%arg1, %dma_wait3A_70, %dma_wait3A_71] : memref<16x160x128xi32, #tpu.memory_space<hbm>> -> memref<1x160x128xi32, #tpu.memory_space<hbm>>
          %dma_wait3A_73 = tpu.memref_squeeze %dma_wait3A_72 : memref<1x160x128xi32, #tpu.memory_space<hbm>> -> memref<160x128xi32, #tpu.memory_space<hbm>>
          %dma_wait3A_74 = arith.constant 0 : i32
          %dma_wait3A_75 = tpu.memref_slice %dma_wait3A_73[%mul3A_34, %dma_wait3A_74] : memref<160x128xi32, #tpu.memory_space<hbm>> -> memref<40x128xi32, #tpu.memory_space<hbm>>
          tpu.wait_dma2 semaphore(%run_scoped3A : memref<!tpu.dma_semaphore, #tpu.memory_space<semaphore_mem>>) src(%dma_wait3A_75 : memref<40x128xi32, #tpu.memory_space<hbm>>) dst(%arg12 : memref<40x128xi32, #tpu.memory_space<vmem>>)
          tpu.yield
        }) : () -> ()
        %dma_start3A = arith.constant 0 : i32
        %dma_start3A_35 = arith.constant 0 : i32
        %dma_start3A_36 = tpu.memref_slice %arg11[%dma_start3A, %dma_start3A_35] : memref<40x128xi32, #tpu.memory_space<vmem>> -> memref<1x128xi32, #tpu.memory_space<vmem>>
        %dma_start3A_37 = tpu.memref_squeeze %dma_start3A_36 : memref<1x128xi32, #tpu.memory_space<vmem>> -> memref<128xi32, #tpu.memory_space<vmem>>
        %dma_start3A_38 = arith.constant 0 : i32
        %dma_start3A_39 = arith.constant 0 : i32
        %dma_start3A_40 = tpu.memref_slice %arg3[%dma_start3A_38, %dma_start3A_39] : memref<10240x128xf32, #tpu.memory_space<hbm>> -> memref<10240x128xf32, #tpu.memory_space<hbm>>
        tpu.enqueue_indirect_dma source(%dma_start3A_40 : memref<10240x128xf32, #tpu.memory_space<hbm>>) target(%arg13 : memref<128x128xf32, #tpu.memory_space<vmem>>) offsets(%dma_start3A_37 : memref<128xi32, #tpu.memory_space<vmem>>) semaphore(%arg15 : memref<!tpu.dma_semaphore, #tpu.memory_space<semaphore_mem>>)
        %scan3A_41 = arith.constant 0 : i32
        %scan3A_42 = arith.constant 20 : i32
        %scan3A_43 = arith.addi %scan3A_41, %scan3A_42 : i32
        %scan3A_44 = arith.constant 1 : i32
        scf.for %scan3A_52 = %scan3A_41 to %scan3A_43 step %scan3A_44  : i32 {
          %mul3A_53 = arith.constant 2 : i32
          %mul3A_54 = arith.muli %mul3A_53, %scan3A_52 : i32
          %dma_wait3A_55 = arith.constant 0 : i32
          %dma_wait3A_56 = arith.constant 0 : i32
          %dma_wait3A_57 = tpu.memref_slice %arg11[%dma_wait3A_55, %dma_wait3A_56] : memref<40x128xi32, #tpu.memory_space<vmem>> -> memref<1x128xi32, #tpu.memory_space<vmem>>
          %dma_wait3A_58 = tpu.memref_squeeze %dma_wait3A_57 : memref<1x128xi32, #tpu.memory_space<vmem>> -> memref<128xi32, #tpu.memory_space<vmem>>
          %dma_wait3A_59 = arith.constant 0 : i32
          %dma_wait3A_60 = arith.constant 0 : i32
          %dma_wait3A_61 = tpu.memref_slice %arg3[%dma_wait3A_59, %dma_wait3A_60] : memref<10240x128xf32, #tpu.memory_space<hbm>> -> memref<10240x128xf32, #tpu.memory_space<hbm>>
          tpu.wait_indirect_dma semaphore(%arg15 : memref<!tpu.dma_semaphore, #tpu.memory_space<semaphore_mem>>) src(%dma_wait3A_61 : memref<10240x128xf32, #tpu.memory_space<hbm>>) dst(%arg13 : memref<128x128xf32, #tpu.memory_space<vmem>>)
          %dma_start3A_62 = arith.constant 0 : i32
          %dma_start3A_63 = tpu.memref_slice %arg12[%mul3A_54, %dma_start3A_62] : memref<40x128xi32, #tpu.memory_space<vmem>> -> memref<1x128xi32, #tpu.memory_space<vmem>>
          %dma_start3A_64 = tpu.memref_squeeze %dma_start3A_63 : memref<1x128xi32, #tpu.memory_space<vmem>> -> memref<128xi32, #tpu.memory_space<vmem>>
          %dma_start3A_65 = arith.constant 0 : i32
          %dma_start3A_66 = arith.constant 0 : i32
          %dma_start3A_67 = tpu.memref_slice %arg10[%dma_start3A_65, %dma_start3A_66] : memref<10016x128xf32, #tpu.memory_space<vmem_shared>> -> memref<10016x128xf32, #tpu.memory_space<vmem_shared>>
          tpu.enqueue_indirect_dma source(%arg13 : memref<128x128xf32, #tpu.memory_space<vmem>>) target(%dma_start3A_67 : memref<10016x128xf32, #tpu.memory_space<vmem_shared>>) offsets(%dma_start3A_64 : memref<128xi32, #tpu.memory_space<vmem>>) semaphore(%arg17 : memref<!tpu.dma_semaphore, #tpu.memory_space<semaphore_mem>>) {add = true}
          %gt3A = arith.constant 0 : i32
          %gt3A_68 = arith.cmpi sgt, %scan3A_52, %gt3A : i32
          %convert_element_type3A_69 = arith.extui %gt3A_68 : i1 to i32
          %cond3A_70 = arith.constant 0 : i32
          %cond3A_71 = arith.cmpi ne, %convert_element_type3A_69, %cond3A_70 : i32
          scf.if %cond3A_71 {
            %dma_wait3A_105 = arith.constant 0 : i32
            %dma_wait3A_106 = arith.constant 0 : i32
            %dma_wait3A_107 = tpu.memref_slice %arg12[%dma_wait3A_105, %dma_wait3A_106] : memref<40x128xi32, #tpu.memory_space<vmem>> -> memref<1x128xi32, #tpu.memory_space<vmem>>
            %dma_wait3A_108 = tpu.memref_squeeze %dma_wait3A_107 : memref<1x128xi32, #tpu.memory_space<vmem>> -> memref<128xi32, #tpu.memory_space<vmem>>
            %dma_wait3A_109 = arith.constant 0 : i32
            %dma_wait3A_110 = arith.constant 0 : i32
            %dma_wait3A_111 = tpu.memref_slice %arg10[%dma_wait3A_109, %dma_wait3A_110] : memref<10016x128xf32, #tpu.memory_space<vmem_shared>> -> memref<10016x128xf32, #tpu.memory_space<vmem_shared>>
            tpu.wait_indirect_dma semaphore(%arg18 : memref<!tpu.dma_semaphore, #tpu.memory_space<semaphore_mem>>) src(%arg14 : memref<128x128xf32, #tpu.memory_space<vmem>>) dst(%dma_wait3A_111 : memref<10016x128xf32, #tpu.memory_space<vmem_shared>>)
          } else {
          }
          %add3A = arith.constant 1 : i32
          %add3A_72 = arith.addi %mul3A_54, %add3A : i32
          %dma_start3A_73 = arith.constant 0 : i32
          %dma_start3A_74 = tpu.memref_slice %arg11[%add3A_72, %dma_start3A_73] : memref<40x128xi32, #tpu.memory_space<vmem>> -> memref<1x128xi32, #tpu.memory_space<vmem>>
          %dma_start3A_75 = tpu.memref_squeeze %dma_start3A_74 : memref<1x128xi32, #tpu.memory_space<vmem>> -> memref<128xi32, #tpu.memory_space<vmem>>
          %dma_start3A_76 = arith.constant 0 : i32
          %dma_start3A_77 = arith.constant 0 : i32
          %dma_start3A_78 = tpu.memref_slice %arg3[%dma_start3A_76, %dma_start3A_77] : memref<10240x128xf32, #tpu.memory_space<hbm>> -> memref<10240x128xf32, #tpu.memory_space<hbm>>
          tpu.enqueue_indirect_dma source(%dma_start3A_78 : memref<10240x128xf32, #tpu.memory_space<hbm>>) target(%arg14 : memref<128x128xf32, #tpu.memory_space<vmem>>) offsets(%dma_start3A_75 : memref<128xi32, #tpu.memory_space<vmem>>) semaphore(%arg16 : memref<!tpu.dma_semaphore, #tpu.memory_space<semaphore_mem>>)
          %dma_wait3A_79 = arith.constant 0 : i32
          %dma_wait3A_80 = arith.constant 0 : i32
          %dma_wait3A_81 = tpu.memref_slice %arg11[%dma_wait3A_79, %dma_wait3A_80] : memref<40x128xi32, #tpu.memory_space<vmem>> -> memref<1x128xi32, #tpu.memory_space<vmem>>
          %dma_wait3A_82 = tpu.memref_squeeze %dma_wait3A_81 : memref<1x128xi32, #tpu.memory_space<vmem>> -> memref<128xi32, #tpu.memory_space<vmem>>
          %dma_wait3A_83 = arith.constant 0 : i32
          %dma_wait3A_84 = arith.constant 0 : i32
          %dma_wait3A_85 = tpu.memref_slice %arg3[%dma_wait3A_83, %dma_wait3A_84] : memref<10240x128xf32, #tpu.memory_space<hbm>> -> memref<10240x128xf32, #tpu.memory_space<hbm>>
          tpu.wait_indirect_dma semaphore(%arg16 : memref<!tpu.dma_semaphore, #tpu.memory_space<semaphore_mem>>) src(%dma_wait3A_85 : memref<10240x128xf32, #tpu.memory_space<hbm>>) dst(%arg14 : memref<128x128xf32, #tpu.memory_space<vmem>>)
          %add3A_86 = arith.constant 1 : i32
          %add3A_87 = arith.addi %mul3A_54, %add3A_86 : i32
          %dma_start3A_88 = arith.constant 0 : i32
          %dma_start3A_89 = tpu.memref_slice %arg12[%add3A_87, %dma_start3A_88] : memref<40x128xi32, #tpu.memory_space<vmem>> -> memref<1x128xi32, #tpu.memory_space<vmem>>
          %dma_start3A_90 = tpu.memref_squeeze %dma_start3A_89 : memref<1x128xi32, #tpu.memory_space<vmem>> -> memref<128xi32, #tpu.memory_space<vmem>>
          %dma_start3A_91 = arith.constant 0 : i32
          %dma_start3A_92 = arith.constant 0 : i32
          %dma_start3A_93 = tpu.memref_slice %arg10[%dma_start3A_91, %dma_start3A_92] : memref<10016x128xf32, #tpu.memory_space<vmem_shared>> -> memref<10016x128xf32, #tpu.memory_space<vmem_shared>>
          tpu.enqueue_indirect_dma source(%arg14 : memref<128x128xf32, #tpu.memory_space<vmem>>) target(%dma_start3A_93 : memref<10016x128xf32, #tpu.memory_space<vmem_shared>>) offsets(%dma_start3A_90 : memref<128xi32, #tpu.memory_space<vmem>>) semaphore(%arg18 : memref<!tpu.dma_semaphore, #tpu.memory_space<semaphore_mem>>) {add = true}
          %dma_wait3A_94 = arith.constant 0 : i32
          %dma_wait3A_95 = arith.constant 0 : i32
          %dma_wait3A_96 = tpu.memref_slice %arg12[%dma_wait3A_94, %dma_wait3A_95] : memref<40x128xi32, #tpu.memory_space<vmem>> -> memref<1x128xi32, #tpu.memory_space<vmem>>
          %dma_wait3A_97 = tpu.memref_squeeze %dma_wait3A_96 : memref<1x128xi32, #tpu.memory_space<vmem>> -> memref<128xi32, #tpu.memory_space<vmem>>
          %dma_wait3A_98 = arith.constant 0 : i32
          %dma_wait3A_99 = arith.constant 0 : i32
          %dma_wait3A_100 = tpu.memref_slice %arg10[%dma_wait3A_98, %dma_wait3A_99] : memref<10016x128xf32, #tpu.memory_space<vmem_shared>> -> memref<10016x128xf32, #tpu.memory_space<vmem_shared>>
          tpu.wait_indirect_dma semaphore(%arg17 : memref<!tpu.dma_semaphore, #tpu.memory_space<semaphore_mem>>) src(%arg13 : memref<128x128xf32, #tpu.memory_space<vmem>>) dst(%dma_wait3A_100 : memref<10016x128xf32, #tpu.memory_space<vmem_shared>>)
          %lt3A = arith.constant 19 : i32
          %lt3A_101 = arith.cmpi slt, %scan3A_52, %lt3A : i32
          %convert_element_type3A_102 = arith.extui %lt3A_101 : i1 to i32
          %cond3A_103 = arith.constant 0 : i32
          %cond3A_104 = arith.cmpi ne, %convert_element_type3A_102, %cond3A_103 : i32
          scf.if %cond3A_104 {
            %add3A_105 = arith.constant 2 : i32
            %add3A_106 = arith.addi %mul3A_54, %add3A_105 : i32
            %dma_start3A_107 = arith.constant 0 : i32
            %dma_start3A_108 = tpu.memref_slice %arg11[%add3A_106, %dma_start3A_107] : memref<40x128xi32, #tpu.memory_space<vmem>> -> memref<1x128xi32, #tpu.memory_space<vmem>>
            %dma_start3A_109 = tpu.memref_squeeze %dma_start3A_108 : memref<1x128xi32, #tpu.memory_space<vmem>> -> memref<128xi32, #tpu.memory_space<vmem>>
            %dma_start3A_110 = arith.constant 0 : i32
            %dma_start3A_111 = arith.constant 0 : i32
            %dma_start3A_112 = tpu.memref_slice %arg3[%dma_start3A_110, %dma_start3A_111] : memref<10240x128xf32, #tpu.memory_space<hbm>> -> memref<10240x128xf32, #tpu.memory_space<hbm>>
            tpu.enqueue_indirect_dma source(%dma_start3A_112 : memref<10240x128xf32, #tpu.memory_space<hbm>>) target(%arg13 : memref<128x128xf32, #tpu.memory_space<vmem>>) offsets(%dma_start3A_109 : memref<128xi32, #tpu.memory_space<vmem>>) semaphore(%arg15 : memref<!tpu.dma_semaphore, #tpu.memory_space<semaphore_mem>>)
          } else {
          }
        }
        %scan3A_45 = arith.constant 20 : i32
        %dma_wait3A = arith.constant 0 : i32
        %dma_wait3A_46 = arith.constant 0 : i32
        %dma_wait3A_47 = tpu.memref_slice %arg12[%dma_wait3A, %dma_wait3A_46] : memref<40x128xi32, #tpu.memory_space<vmem>> -> memref<1x128xi32, #tpu.memory_space<vmem>>
        %dma_wait3A_48 = tpu.memref_squeeze %dma_wait3A_47 : memref<1x128xi32, #tpu.memory_space<vmem>> -> memref<128xi32, #tpu.memory_space<vmem>>
        %dma_wait3A_49 = arith.constant 0 : i32
        %dma_wait3A_50 = arith.constant 0 : i32
        %dma_wait3A_51 = tpu.memref_slice %arg10[%dma_wait3A_49, %dma_wait3A_50] : memref<10016x128xf32, #tpu.memory_space<vmem_shared>> -> memref<10016x128xf32, #tpu.memory_space<vmem_shared>>
        tpu.wait_indirect_dma semaphore(%arg18 : memref<!tpu.dma_semaphore, #tpu.memory_space<semaphore_mem>>) src(%arg14 : memref<128x128xf32, #tpu.memory_space<vmem>>) dst(%dma_wait3A_51 : memref<10016x128xf32, #tpu.memory_space<vmem_shared>>)
      }
      %scan3A_17 = arith.constant 4 : i32
      %barrier3A_18 = arith.constant 0 : index
      tpu.barrier barrier_id(%barrier3A_18)
      %scan3A_19 = arith.constant 0 : i32
      %scan3A_20 = arith.constant 0 : i32
      %scan3A_21 = arith.constant 6 : i32
      %scan3A_22 = arith.addi %scan3A_20, %scan3A_21 : i32
      %scan3A_23 = arith.constant 1 : i32
      scf.for %scan3A_30 = %scan3A_20 to %scan3A_22 step %scan3A_23  : i32 {
        %mul3A_31 = arith.constant 104 : i32
        %mul3A_32 = arith.muli %scan3A_30, %mul3A_31 : i32
        %add3A = arith.addi %mul3A_0, %mul3A_32 : i32
        "tpu.region"() ({
          %run_scoped3A = tpu.sem_alloc : memref<!tpu.dma_semaphore, #tpu.memory_space<semaphore_mem>>
          %dma_start3A = arith.constant 0 : i32
          %dma_start3A_39 = arith.constant 0 : i32
          %dma_start3A_40 = tpu.memref_slice %arg13[%dma_start3A, %dma_start3A_39] : memref<128x128xf32, #tpu.memory_space<vmem>> -> memref<104x128xf32, #tpu.memory_space<vmem>>
          %dma_start3A_41 = arith.constant 0 : i32
          %dma_start3A_42 = tpu.memref_slice %arg10[%add3A, %dma_start3A_41] : memref<10016x128xf32, #tpu.memory_space<vmem_shared>> -> memref<104x128xf32, #tpu.memory_space<vmem_shared>>
          %dma_start3A_43 = arith.constant 0 : i32
          %dma_start3A_44 = arith.constant 0 : i32
          %dma_start3A_45 = tpu.memref_slice %arg13[%dma_start3A_43, %dma_start3A_44] : memref<128x128xf32, #tpu.memory_space<vmem>> -> memref<104x128xf32, #tpu.memory_space<vmem>>
          %dma_start3A_46 = arith.constant 0 : i32
          %dma_start3A_47 = tpu.memref_slice %arg10[%add3A, %dma_start3A_46] : memref<10016x128xf32, #tpu.memory_space<vmem_shared>> -> memref<104x128xf32, #tpu.memory_space<vmem_shared>>
          tpu.enqueue_dma source(%dma_start3A_47 : memref<104x128xf32, #tpu.memory_space<vmem_shared>>) target(%dma_start3A_45 : memref<104x128xf32, #tpu.memory_space<vmem>>) target_semaphore(%run_scoped3A : memref<!tpu.dma_semaphore, #tpu.memory_space<semaphore_mem>>)
          %dma_wait3A = arith.constant 0 : i32
          %dma_wait3A_48 = arith.constant 0 : i32
          %dma_wait3A_49 = tpu.memref_slice %arg13[%dma_wait3A, %dma_wait3A_48] : memref<128x128xf32, #tpu.memory_space<vmem>> -> memref<104x128xf32, #tpu.memory_space<vmem>>
          %dma_wait3A_50 = arith.constant 0 : i32
          %dma_wait3A_51 = tpu.memref_slice %arg10[%add3A, %dma_wait3A_50] : memref<10016x128xf32, #tpu.memory_space<vmem_shared>> -> memref<104x128xf32, #tpu.memory_space<vmem_shared>>
          %dma_wait3A_52 = arith.constant 0 : i32
          %dma_wait3A_53 = arith.constant 0 : i32
          %dma_wait3A_54 = tpu.memref_slice %arg13[%dma_wait3A_52, %dma_wait3A_53] : memref<128x128xf32, #tpu.memory_space<vmem>> -> memref<104x128xf32, #tpu.memory_space<vmem>>
          %dma_wait3A_55 = arith.constant 0 : i32
          %dma_wait3A_56 = tpu.memref_slice %arg10[%add3A, %dma_wait3A_55] : memref<10016x128xf32, #tpu.memory_space<vmem_shared>> -> memref<104x128xf32, #tpu.memory_space<vmem_shared>>
          tpu.wait_dma2 semaphore(%run_scoped3A : memref<!tpu.dma_semaphore, #tpu.memory_space<semaphore_mem>>) src(%dma_wait3A_56 : memref<104x128xf32, #tpu.memory_space<vmem_shared>>) dst(%dma_wait3A_54 : memref<104x128xf32, #tpu.memory_space<vmem>>)
          tpu.yield
        }) : () -> ()
        %scan3A_33 = arith.constant 0 : i32
        %scan3A_34 = arith.constant 0 : i32
        %scan3A_35 = arith.constant 104 : i32
        %scan3A_36 = arith.addi %scan3A_34, %scan3A_35 : i32
        %scan3A_37 = arith.constant 1 : i32
        scf.for %scan3A_39 = %scan3A_34 to %scan3A_36 step %scan3A_37  : i32 {
          %get3A = arith.index_cast %scan3A_39 : i32 to index
          %get3A_40 = arith.constant 0 : index
          %get3A_41 = tpu.vector_load %arg13[%get3A, %get3A_40] {strides = array<i32>} : memref<128x128xf32, #tpu.memory_space<vmem>>, vector<1x16xf32>,
          %get3A_42 = vector.shape_cast %get3A_41 : vector<1x16xf32> to vector<16xf32>
          %max3A = arith.constant 0.000000e+00 : f32
          %max3A_43 = vector.broadcast %max3A : f32 to vector<16xf32>
          %max3A_44 = arith.maximumf %get3A_42, %max3A_43 : vector<16xf32>
          %swap3A = arith.index_cast %scan3A_39 : i32 to index
          %swap3A_45 = arith.constant 0 : index
          %swap3A_46 = tpu.vector_load %arg13[%swap3A, %swap3A_45] {strides = array<i32>} : memref<128x128xf32, #tpu.memory_space<vmem>>, vector<1x16xf32>,
          %swap3A_47 = vector.shape_cast %swap3A_46 : vector<1x16xf32> to vector<16xf32>
          %swap3A_48 = vector.shape_cast %max3A_44 : vector<16xf32> to vector<1x16xf32>
          tpu.vector_store %arg13[%swap3A, %swap3A_45], %swap3A_48 {strides = array<i32>} : memref<128x128xf32, #tpu.memory_space<vmem>>, vector<1x16xf32>,
          %get3A_49 = arith.index_cast %scan3A_39 : i32 to index
          %get3A_50 = arith.constant 16 : index
          %get3A_51 = tpu.vector_load %arg13[%get3A_49, %get3A_50] {strides = array<i32>} : memref<128x128xf32, #tpu.memory_space<vmem>>, vector<1x16xf32>,
          %get3A_52 = vector.shape_cast %get3A_51 : vector<1x16xf32> to vector<16xf32>
          %max3A_53 = arith.constant 0.000000e+00 : f32
          %max3A_54 = vector.broadcast %max3A_53 : f32 to vector<16xf32>
          %max3A_55 = arith.maximumf %get3A_52, %max3A_54 : vector<16xf32>
          %swap3A_56 = arith.index_cast %scan3A_39 : i32 to index
          %swap3A_57 = arith.constant 16 : index
          %swap3A_58 = tpu.vector_load %arg13[%swap3A_56, %swap3A_57] {strides = array<i32>} : memref<128x128xf32, #tpu.memory_space<vmem>>, vector<1x16xf32>,
          %swap3A_59 = vector.shape_cast %swap3A_58 : vector<1x16xf32> to vector<16xf32>
          %swap3A_60 = vector.shape_cast %max3A_55 : vector<16xf32> to vector<1x16xf32>
          tpu.vector_store %arg13[%swap3A_56, %swap3A_57], %swap3A_60 {strides = array<i32>} : memref<128x128xf32, #tpu.memory_space<vmem>>, vector<1x16xf32>,
          %get3A_61 = arith.index_cast %scan3A_39 : i32 to index
          %get3A_62 = arith.constant 32 : index
          %get3A_63 = tpu.vector_load %arg13[%get3A_61, %get3A_62] {strides = array<i32>} : memref<128x128xf32, #tpu.memory_space<vmem>>, vector<1x16xf32>,
          %get3A_64 = vector.shape_cast %get3A_63 : vector<1x16xf32> to vector<16xf32>
          %max3A_65 = arith.constant 0.000000e+00 : f32
          %max3A_66 = vector.broadcast %max3A_65 : f32 to vector<16xf32>
          %max3A_67 = arith.maximumf %get3A_64, %max3A_66 : vector<16xf32>
          %swap3A_68 = arith.index_cast %scan3A_39 : i32 to index
          %swap3A_69 = arith.constant 32 : index
          %swap3A_70 = tpu.vector_load %arg13[%swap3A_68, %swap3A_69] {strides = array<i32>} : memref<128x128xf32, #tpu.memory_space<vmem>>, vector<1x16xf32>,
          %swap3A_71 = vector.shape_cast %swap3A_70 : vector<1x16xf32> to vector<16xf32>
          %swap3A_72 = vector.shape_cast %max3A_67 : vector<16xf32> to vector<1x16xf32>
          tpu.vector_store %arg13[%swap3A_68, %swap3A_69], %swap3A_72 {strides = array<i32>} : memref<128x128xf32, #tpu.memory_space<vmem>>, vector<1x16xf32>,
          %get3A_73 = arith.index_cast %scan3A_39 : i32 to index
          %get3A_74 = arith.constant 48 : index
          %get3A_75 = tpu.vector_load %arg13[%get3A_73, %get3A_74] {strides = array<i32>} : memref<128x128xf32, #tpu.memory_space<vmem>>, vector<1x16xf32>,
          %get3A_76 = vector.shape_cast %get3A_75 : vector<1x16xf32> to vector<16xf32>
          %max3A_77 = arith.constant 0.000000e+00 : f32
          %max3A_78 = vector.broadcast %max3A_77 : f32 to vector<16xf32>
          %max3A_79 = arith.maximumf %get3A_76, %max3A_78 : vector<16xf32>
          %swap3A_80 = arith.index_cast %scan3A_39 : i32 to index
          %swap3A_81 = arith.constant 48 : index
          %swap3A_82 = tpu.vector_load %arg13[%swap3A_80, %swap3A_81] {strides = array<i32>} : memref<128x128xf32, #tpu.memory_space<vmem>>, vector<1x16xf32>,
          %swap3A_83 = vector.shape_cast %swap3A_82 : vector<1x16xf32> to vector<16xf32>
          %swap3A_84 = vector.shape_cast %max3A_79 : vector<16xf32> to vector<1x16xf32>
          tpu.vector_store %arg13[%swap3A_80, %swap3A_81], %swap3A_84 {strides = array<i32>} : memref<128x128xf32, #tpu.memory_space<vmem>>, vector<1x16xf32>,
          %get3A_85 = arith.index_cast %scan3A_39 : i32 to index
          %get3A_86 = arith.constant 64 : index
          %get3A_87 = tpu.vector_load %arg13[%get3A_85, %get3A_86] {strides = array<i32>} : memref<128x128xf32, #tpu.memory_space<vmem>>, vector<1x16xf32>,
          %get3A_88 = vector.shape_cast %get3A_87 : vector<1x16xf32> to vector<16xf32>
          %max3A_89 = arith.constant 0.000000e+00 : f32
          %max3A_90 = vector.broadcast %max3A_89 : f32 to vector<16xf32>
          %max3A_91 = arith.maximumf %get3A_88, %max3A_90 : vector<16xf32>
          %swap3A_92 = arith.index_cast %scan3A_39 : i32 to index
          %swap3A_93 = arith.constant 64 : index
          %swap3A_94 = tpu.vector_load %arg13[%swap3A_92, %swap3A_93] {strides = array<i32>} : memref<128x128xf32, #tpu.memory_space<vmem>>, vector<1x16xf32>,
          %swap3A_95 = vector.shape_cast %swap3A_94 : vector<1x16xf32> to vector<16xf32>
          %swap3A_96 = vector.shape_cast %max3A_91 : vector<16xf32> to vector<1x16xf32>
          tpu.vector_store %arg13[%swap3A_92, %swap3A_93], %swap3A_96 {strides = array<i32>} : memref<128x128xf32, #tpu.memory_space<vmem>>, vector<1x16xf32>,
          %get3A_97 = arith.index_cast %scan3A_39 : i32 to index
          %get3A_98 = arith.constant 80 : index
          %get3A_99 = tpu.vector_load %arg13[%get3A_97, %get3A_98] {strides = array<i32>} : memref<128x128xf32, #tpu.memory_space<vmem>>, vector<1x16xf32>,
          %get3A_100 = vector.shape_cast %get3A_99 : vector<1x16xf32> to vector<16xf32>
          %max3A_101 = arith.constant 0.000000e+00 : f32
          %max3A_102 = vector.broadcast %max3A_101 : f32 to vector<16xf32>
          %max3A_103 = arith.maximumf %get3A_100, %max3A_102 : vector<16xf32>
          %swap3A_104 = arith.index_cast %scan3A_39 : i32 to index
          %swap3A_105 = arith.constant 80 : index
          %swap3A_106 = tpu.vector_load %arg13[%swap3A_104, %swap3A_105] {strides = array<i32>} : memref<128x128xf32, #tpu.memory_space<vmem>>, vector<1x16xf32>,
          %swap3A_107 = vector.shape_cast %swap3A_106 : vector<1x16xf32> to vector<16xf32>
          %swap3A_108 = vector.shape_cast %max3A_103 : vector<16xf32> to vector<1x16xf32>
          tpu.vector_store %arg13[%swap3A_104, %swap3A_105], %swap3A_108 {strides = array<i32>} : memref<128x128xf32, #tpu.memory_space<vmem>>, vector<1x16xf32>,
          %get3A_109 = arith.index_cast %scan3A_39 : i32 to index
          %get3A_110 = arith.constant 96 : index
          %get3A_111 = tpu.vector_load %arg13[%get3A_109, %get3A_110] {strides = array<i32>} : memref<128x128xf32, #tpu.memory_space<vmem>>, vector<1x16xf32>,
          %get3A_112 = vector.shape_cast %get3A_111 : vector<1x16xf32> to vector<16xf32>
          %max3A_113 = arith.constant 0.000000e+00 : f32
          %max3A_114 = vector.broadcast %max3A_113 : f32 to vector<16xf32>
          %max3A_115 = arith.maximumf %get3A_112, %max3A_114 : vector<16xf32>
          %swap3A_116 = arith.index_cast %scan3A_39 : i32 to index
          %swap3A_117 = arith.constant 96 : index
          %swap3A_118 = tpu.vector_load %arg13[%swap3A_116, %swap3A_117] {strides = array<i32>} : memref<128x128xf32, #tpu.memory_space<vmem>>, vector<1x16xf32>,
          %swap3A_119 = vector.shape_cast %swap3A_118 : vector<1x16xf32> to vector<16xf32>
          %swap3A_120 = vector.shape_cast %max3A_115 : vector<16xf32> to vector<1x16xf32>
          tpu.vector_store %arg13[%swap3A_116, %swap3A_117], %swap3A_120 {strides = array<i32>} : memref<128x128xf32, #tpu.memory_space<vmem>>, vector<1x16xf32>,
          %get3A_121 = arith.index_cast %scan3A_39 : i32 to index
          %get3A_122 = arith.constant 112 : index
          %get3A_123 = tpu.vector_load %arg13[%get3A_121, %get3A_122] {strides = array<i32>} : memref<128x128xf32, #tpu.memory_space<vmem>>, vector<1x16xf32>,
          %get3A_124 = vector.shape_cast %get3A_123 : vector<1x16xf32> to vector<16xf32>
          %max3A_125 = arith.constant 0.000000e+00 : f32
          %max3A_126 = vector.broadcast %max3A_125 : f32 to vector<16xf32>
          %max3A_127 = arith.maximumf %get3A_124, %max3A_126 : vector<16xf32>
          %swap3A_128 = arith.index_cast %scan3A_39 : i32 to index
          %swap3A_129 = arith.constant 112 : index
          %swap3A_130 = tpu.vector_load %arg13[%swap3A_128, %swap3A_129] {strides = array<i32>} : memref<128x128xf32, #tpu.memory_space<vmem>>, vector<1x16xf32>,
          %swap3A_131 = vector.shape_cast %swap3A_130 : vector<1x16xf32> to vector<16xf32>
          %swap3A_132 = vector.shape_cast %max3A_127 : vector<16xf32> to vector<1x16xf32>
          tpu.vector_store %arg13[%swap3A_128, %swap3A_129], %swap3A_132 {strides = array<i32>} : memref<128x128xf32, #tpu.memory_space<vmem>>, vector<1x16xf32>,
        }
        %scan3A_38 = arith.constant 104 : i32
        "tpu.region"() ({
          %run_scoped3A = tpu.sem_alloc : memref<!tpu.dma_semaphore, #tpu.memory_space<semaphore_mem>>
          %dma_start3A = arith.constant 0 : i32
          %dma_start3A_39 = arith.constant 0 : i32
          %dma_start3A_40 = tpu.memref_slice %arg13[%dma_start3A, %dma_start3A_39] : memref<128x128xf32, #tpu.memory_space<vmem>> -> memref<104x128xf32, #tpu.memory_space<vmem>>
          %dma_start3A_41 = arith.constant 0 : i32
          %dma_start3A_42 = tpu.memref_slice %arg9[%add3A, %dma_start3A_41] : memref<10000x128xf32, #tpu.memory_space<hbm>> -> memref<104x128xf32, #tpu.memory_space<hbm>>
          %dma_start3A_43 = arith.constant 0 : i32
          %dma_start3A_44 = tpu.memref_slice %arg9[%add3A, %dma_start3A_43] : memref<10000x128xf32, #tpu.memory_space<hbm>> -> memref<104x128xf32, #tpu.memory_space<hbm>>
          %dma_start3A_45 = arith.constant 0 : i32
          %dma_start3A_46 = arith.constant 0 : i32
          %dma_start3A_47 = tpu.memref_slice %arg13[%dma_start3A_45, %dma_start3A_46] : memref<128x128xf32, #tpu.memory_space<vmem>> -> memref<104x128xf32, #tpu.memory_space<vmem>>
          tpu.enqueue_dma source(%dma_start3A_47 : memref<104x128xf32, #tpu.memory_space<vmem>>) target(%dma_start3A_44 : memref<104x128xf32, #tpu.memory_space<hbm>>) target_semaphore(%run_scoped3A : memref<!tpu.dma_semaphore, #tpu.memory_space<semaphore_mem>>)
          %dma_wait3A = arith.constant 0 : i32
          %dma_wait3A_48 = arith.constant 0 : i32
          %dma_wait3A_49 = tpu.memref_slice %arg13[%dma_wait3A, %dma_wait3A_48] : memref<128x128xf32, #tpu.memory_space<vmem>> -> memref<104x128xf32, #tpu.memory_space<vmem>>
          %dma_wait3A_50 = arith.constant 0 : i32
          %dma_wait3A_51 = tpu.memref_slice %arg9[%add3A, %dma_wait3A_50] : memref<10000x128xf32, #tpu.memory_space<hbm>> -> memref<104x128xf32, #tpu.memory_space<hbm>>
          %dma_wait3A_52 = arith.constant 0 : i32
          %dma_wait3A_53 = tpu.memref_slice %arg9[%add3A, %dma_wait3A_52] : memref<10000x128xf32, #tpu.memory_space<hbm>> -> memref<104x128xf32, #tpu.memory_space<hbm>>
          %dma_wait3A_54 = arith.constant 0 : i32
          %dma_wait3A_55 = arith.constant 0 : i32
          %dma_wait3A_56 = tpu.memref_slice %arg13[%dma_wait3A_54, %dma_wait3A_55] : memref<128x128xf32, #tpu.memory_space<vmem>> -> memref<104x128xf32, #tpu.memory_space<vmem>>
          tpu.wait_dma2 semaphore(%run_scoped3A : memref<!tpu.dma_semaphore, #tpu.memory_space<semaphore_mem>>) src(%dma_wait3A_56 : memref<104x128xf32, #tpu.memory_space<vmem>>) dst(%dma_wait3A_53 : memref<104x128xf32, #tpu.memory_space<hbm>>)
          tpu.yield
        }) : () -> ()
      }
      %scan3A_24 = arith.constant 6 : i32
      %eq3A_25 = arith.constant 15 : i32
      %eq3A_26 = arith.cmpi eq, %arg1, %eq3A_25 : i32
      %convert_element_type3A_27 = arith.extui %eq3A_26 : i1 to i32
      %cond3A_28 = arith.constant 0 : i32
      %cond3A_29 = arith.cmpi ne, %convert_element_type3A_27, %cond3A_28 : i32
      scf.if %cond3A_29 {
        "tpu.region"() ({
          %run_scoped3A = tpu.sem_alloc : memref<!tpu.dma_semaphore, #tpu.memory_space<semaphore_mem>>
          %dma_start3A = arith.constant 0 : i32
          %dma_start3A_36 = arith.constant 0 : i32
          %dma_start3A_37 = tpu.memref_slice %arg13[%dma_start3A, %dma_start3A_36] : memref<128x128xf32, #tpu.memory_space<vmem>> -> memref<16x128xf32, #tpu.memory_space<vmem>>
          %dma_start3A_38 = arith.constant 9984 : i32
          %dma_start3A_39 = arith.constant 0 : i32
          %dma_start3A_40 = tpu.memref_slice %arg10[%dma_start3A_38, %dma_start3A_39] : memref<10016x128xf32, #tpu.memory_space<vmem_shared>> -> memref<16x128xf32, #tpu.memory_space<vmem_shared>>
          %dma_start3A_41 = arith.constant 0 : i32
          %dma_start3A_42 = arith.constant 0 : i32
          %dma_start3A_43 = tpu.memref_slice %arg13[%dma_start3A_41, %dma_start3A_42] : memref<128x128xf32, #tpu.memory_space<vmem>> -> memref<16x128xf32, #tpu.memory_space<vmem>>
          %dma_start3A_44 = arith.constant 9984 : i32
          %dma_start3A_45 = arith.constant 0 : i32
          %dma_start3A_46 = tpu.memref_slice %arg10[%dma_start3A_44, %dma_start3A_45] : memref<10016x128xf32, #tpu.memory_space<vmem_shared>> -> memref<16x128xf32, #tpu.memory_space<vmem_shared>>
          tpu.enqueue_dma source(%dma_start3A_46 : memref<16x128xf32, #tpu.memory_space<vmem_shared>>) target(%dma_start3A_43 : memref<16x128xf32, #tpu.memory_space<vmem>>) target_semaphore(%run_scoped3A : memref<!tpu.dma_semaphore, #tpu.memory_space<semaphore_mem>>)
          %dma_wait3A = arith.constant 0 : i32
          %dma_wait3A_47 = arith.constant 0 : i32
          %dma_wait3A_48 = tpu.memref_slice %arg13[%dma_wait3A, %dma_wait3A_47] : memref<128x128xf32, #tpu.memory_space<vmem>> -> memref<16x128xf32, #tpu.memory_space<vmem>>
          %dma_wait3A_49 = arith.constant 9984 : i32
          %dma_wait3A_50 = arith.constant 0 : i32
          %dma_wait3A_51 = tpu.memref_slice %arg10[%dma_wait3A_49, %dma_wait3A_50] : memref<10016x128xf32, #tpu.memory_space<vmem_shared>> -> memref<16x128xf32, #tpu.memory_space<vmem_shared>>
          %dma_wait3A_52 = arith.constant 0 : i32
          %dma_wait3A_53 = arith.constant 0 : i32
          %dma_wait3A_54 = tpu.memref_slice %arg13[%dma_wait3A_52, %dma_wait3A_53] : memref<128x128xf32, #tpu.memory_space<vmem>> -> memref<16x128xf32, #tpu.memory_space<vmem>>
          %dma_wait3A_55 = arith.constant 9984 : i32
          %dma_wait3A_56 = arith.constant 0 : i32
          %dma_wait3A_57 = tpu.memref_slice %arg10[%dma_wait3A_55, %dma_wait3A_56] : memref<10016x128xf32, #tpu.memory_space<vmem_shared>> -> memref<16x128xf32, #tpu.memory_space<vmem_shared>>
          tpu.wait_dma2 semaphore(%run_scoped3A : memref<!tpu.dma_semaphore, #tpu.memory_space<semaphore_mem>>) src(%dma_wait3A_57 : memref<16x128xf32, #tpu.memory_space<vmem_shared>>) dst(%dma_wait3A_54 : memref<16x128xf32, #tpu.memory_space<vmem>>)
          tpu.yield
        }) : () -> ()
        %scan3A_30 = arith.constant 0 : i32
        %scan3A_31 = arith.constant 0 : i32
        %scan3A_32 = arith.constant 16 : i32
        %scan3A_33 = arith.addi %scan3A_31, %scan3A_32 : i32
        %scan3A_34 = arith.constant 1 : i32
        scf.for %scan3A_36 = %scan3A_31 to %scan3A_33 step %scan3A_34  : i32 {
          %get3A = arith.index_cast %scan3A_36 : i32 to index
          %get3A_37 = arith.constant 0 : index
          %get3A_38 = tpu.vector_load %arg13[%get3A, %get3A_37] {strides = array<i32>} : memref<128x128xf32, #tpu.memory_space<vmem>>, vector<1x16xf32>,
          %get3A_39 = vector.shape_cast %get3A_38 : vector<1x16xf32> to vector<16xf32>
          %max3A = arith.constant 0.000000e+00 : f32
          %max3A_40 = vector.broadcast %max3A : f32 to vector<16xf32>
          %max3A_41 = arith.maximumf %get3A_39, %max3A_40 : vector<16xf32>
          %swap3A = arith.index_cast %scan3A_36 : i32 to index
          %swap3A_42 = arith.constant 0 : index
          %swap3A_43 = tpu.vector_load %arg13[%swap3A, %swap3A_42] {strides = array<i32>} : memref<128x128xf32, #tpu.memory_space<vmem>>, vector<1x16xf32>,
          %swap3A_44 = vector.shape_cast %swap3A_43 : vector<1x16xf32> to vector<16xf32>
          %swap3A_45 = vector.shape_cast %max3A_41 : vector<16xf32> to vector<1x16xf32>
          tpu.vector_store %arg13[%swap3A, %swap3A_42], %swap3A_45 {strides = array<i32>} : memref<128x128xf32, #tpu.memory_space<vmem>>, vector<1x16xf32>,
          %get3A_46 = arith.index_cast %scan3A_36 : i32 to index
          %get3A_47 = arith.constant 16 : index
          %get3A_48 = tpu.vector_load %arg13[%get3A_46, %get3A_47] {strides = array<i32>} : memref<128x128xf32, #tpu.memory_space<vmem>>, vector<1x16xf32>,
          %get3A_49 = vector.shape_cast %get3A_48 : vector<1x16xf32> to vector<16xf32>
          %max3A_50 = arith.constant 0.000000e+00 : f32
          %max3A_51 = vector.broadcast %max3A_50 : f32 to vector<16xf32>
          %max3A_52 = arith.maximumf %get3A_49, %max3A_51 : vector<16xf32>
          %swap3A_53 = arith.index_cast %scan3A_36 : i32 to index
          %swap3A_54 = arith.constant 16 : index
          %swap3A_55 = tpu.vector_load %arg13[%swap3A_53, %swap3A_54] {strides = array<i32>} : memref<128x128xf32, #tpu.memory_space<vmem>>, vector<1x16xf32>,
          %swap3A_56 = vector.shape_cast %swap3A_55 : vector<1x16xf32> to vector<16xf32>
          %swap3A_57 = vector.shape_cast %max3A_52 : vector<16xf32> to vector<1x16xf32>
          tpu.vector_store %arg13[%swap3A_53, %swap3A_54], %swap3A_57 {strides = array<i32>} : memref<128x128xf32, #tpu.memory_space<vmem>>, vector<1x16xf32>,
          %get3A_58 = arith.index_cast %scan3A_36 : i32 to index
          %get3A_59 = arith.constant 32 : index
          %get3A_60 = tpu.vector_load %arg13[%get3A_58, %get3A_59] {strides = array<i32>} : memref<128x128xf32, #tpu.memory_space<vmem>>, vector<1x16xf32>,
          %get3A_61 = vector.shape_cast %get3A_60 : vector<1x16xf32> to vector<16xf32>
          %max3A_62 = arith.constant 0.000000e+00 : f32
          %max3A_63 = vector.broadcast %max3A_62 : f32 to vector<16xf32>
          %max3A_64 = arith.maximumf %get3A_61, %max3A_63 : vector<16xf32>
          %swap3A_65 = arith.index_cast %scan3A_36 : i32 to index
          %swap3A_66 = arith.constant 32 : index
          %swap3A_67 = tpu.vector_load %arg13[%swap3A_65, %swap3A_66] {strides = array<i32>} : memref<128x128xf32, #tpu.memory_space<vmem>>, vector<1x16xf32>,
          %swap3A_68 = vector.shape_cast %swap3A_67 : vector<1x16xf32> to vector<16xf32>
          %swap3A_69 = vector.shape_cast %max3A_64 : vector<16xf32> to vector<1x16xf32>
          tpu.vector_store %arg13[%swap3A_65, %swap3A_66], %swap3A_69 {strides = array<i32>} : memref<128x128xf32, #tpu.memory_space<vmem>>, vector<1x16xf32>,
          %get3A_70 = arith.index_cast %scan3A_36 : i32 to index
          %get3A_71 = arith.constant 48 : index
          %get3A_72 = tpu.vector_load %arg13[%get3A_70, %get3A_71] {strides = array<i32>} : memref<128x128xf32, #tpu.memory_space<vmem>>, vector<1x16xf32>,
          %get3A_73 = vector.shape_cast %get3A_72 : vector<1x16xf32> to vector<16xf32>
          %max3A_74 = arith.constant 0.000000e+00 : f32
          %max3A_75 = vector.broadcast %max3A_74 : f32 to vector<16xf32>
          %max3A_76 = arith.maximumf %get3A_73, %max3A_75 : vector<16xf32>
          %swap3A_77 = arith.index_cast %scan3A_36 : i32 to index
          %swap3A_78 = arith.constant 48 : index
          %swap3A_79 = tpu.vector_load %arg13[%swap3A_77, %swap3A_78] {strides = array<i32>} : memref<128x128xf32, #tpu.memory_space<vmem>>, vector<1x16xf32>,
          %swap3A_80 = vector.shape_cast %swap3A_79 : vector<1x16xf32> to vector<16xf32>
          %swap3A_81 = vector.shape_cast %max3A_76 : vector<16xf32> to vector<1x16xf32>
          tpu.vector_store %arg13[%swap3A_77, %swap3A_78], %swap3A_81 {strides = array<i32>} : memref<128x128xf32, #tpu.memory_space<vmem>>, vector<1x16xf32>,
          %get3A_82 = arith.index_cast %scan3A_36 : i32 to index
          %get3A_83 = arith.constant 64 : index
          %get3A_84 = tpu.vector_load %arg13[%get3A_82, %get3A_83] {strides = array<i32>} : memref<128x128xf32, #tpu.memory_space<vmem>>, vector<1x16xf32>,
          %get3A_85 = vector.shape_cast %get3A_84 : vector<1x16xf32> to vector<16xf32>
          %max3A_86 = arith.constant 0.000000e+00 : f32
          %max3A_87 = vector.broadcast %max3A_86 : f32 to vector<16xf32>
          %max3A_88 = arith.maximumf %get3A_85, %max3A_87 : vector<16xf32>
          %swap3A_89 = arith.index_cast %scan3A_36 : i32 to index
          %swap3A_90 = arith.constant 64 : index
          %swap3A_91 = tpu.vector_load %arg13[%swap3A_89, %swap3A_90] {strides = array<i32>} : memref<128x128xf32, #tpu.memory_space<vmem>>, vector<1x16xf32>,
          %swap3A_92 = vector.shape_cast %swap3A_91 : vector<1x16xf32> to vector<16xf32>
          %swap3A_93 = vector.shape_cast %max3A_88 : vector<16xf32> to vector<1x16xf32>
          tpu.vector_store %arg13[%swap3A_89, %swap3A_90], %swap3A_93 {strides = array<i32>} : memref<128x128xf32, #tpu.memory_space<vmem>>, vector<1x16xf32>,
          %get3A_94 = arith.index_cast %scan3A_36 : i32 to index
          %get3A_95 = arith.constant 80 : index
          %get3A_96 = tpu.vector_load %arg13[%get3A_94, %get3A_95] {strides = array<i32>} : memref<128x128xf32, #tpu.memory_space<vmem>>, vector<1x16xf32>,
          %get3A_97 = vector.shape_cast %get3A_96 : vector<1x16xf32> to vector<16xf32>
          %max3A_98 = arith.constant 0.000000e+00 : f32
          %max3A_99 = vector.broadcast %max3A_98 : f32 to vector<16xf32>
          %max3A_100 = arith.maximumf %get3A_97, %max3A_99 : vector<16xf32>
          %swap3A_101 = arith.index_cast %scan3A_36 : i32 to index
          %swap3A_102 = arith.constant 80 : index
          %swap3A_103 = tpu.vector_load %arg13[%swap3A_101, %swap3A_102] {strides = array<i32>} : memref<128x128xf32, #tpu.memory_space<vmem>>, vector<1x16xf32>,
          %swap3A_104 = vector.shape_cast %swap3A_103 : vector<1x16xf32> to vector<16xf32>
          %swap3A_105 = vector.shape_cast %max3A_100 : vector<16xf32> to vector<1x16xf32>
          tpu.vector_store %arg13[%swap3A_101, %swap3A_102], %swap3A_105 {strides = array<i32>} : memref<128x128xf32, #tpu.memory_space<vmem>>, vector<1x16xf32>,
          %get3A_106 = arith.index_cast %scan3A_36 : i32 to index
          %get3A_107 = arith.constant 96 : index
          %get3A_108 = tpu.vector_load %arg13[%get3A_106, %get3A_107] {strides = array<i32>} : memref<128x128xf32, #tpu.memory_space<vmem>>, vector<1x16xf32>,
          %get3A_109 = vector.shape_cast %get3A_108 : vector<1x16xf32> to vector<16xf32>
          %max3A_110 = arith.constant 0.000000e+00 : f32
          %max3A_111 = vector.broadcast %max3A_110 : f32 to vector<16xf32>
          %max3A_112 = arith.maximumf %get3A_109, %max3A_111 : vector<16xf32>
          %swap3A_113 = arith.index_cast %scan3A_36 : i32 to index
          %swap3A_114 = arith.constant 96 : index
          %swap3A_115 = tpu.vector_load %arg13[%swap3A_113, %swap3A_114] {strides = array<i32>} : memref<128x128xf32, #tpu.memory_space<vmem>>, vector<1x16xf32>,
          %swap3A_116 = vector.shape_cast %swap3A_115 : vector<1x16xf32> to vector<16xf32>
          %swap3A_117 = vector.shape_cast %max3A_112 : vector<16xf32> to vector<1x16xf32>
          tpu.vector_store %arg13[%swap3A_113, %swap3A_114], %swap3A_117 {strides = array<i32>} : memref<128x128xf32, #tpu.memory_space<vmem>>, vector<1x16xf32>,
          %get3A_118 = arith.index_cast %scan3A_36 : i32 to index
          %get3A_119 = arith.constant 112 : index
          %get3A_120 = tpu.vector_load %arg13[%get3A_118, %get3A_119] {strides = array<i32>} : memref<128x128xf32, #tpu.memory_space<vmem>>, vector<1x16xf32>,
          %get3A_121 = vector.shape_cast %get3A_120 : vector<1x16xf32> to vector<16xf32>
          %max3A_122 = arith.constant 0.000000e+00 : f32
          %max3A_123 = vector.broadcast %max3A_122 : f32 to vector<16xf32>
          %max3A_124 = arith.maximumf %get3A_121, %max3A_123 : vector<16xf32>
          %swap3A_125 = arith.index_cast %scan3A_36 : i32 to index
          %swap3A_126 = arith.constant 112 : index
          %swap3A_127 = tpu.vector_load %arg13[%swap3A_125, %swap3A_126] {strides = array<i32>} : memref<128x128xf32, #tpu.memory_space<vmem>>, vector<1x16xf32>,
          %swap3A_128 = vector.shape_cast %swap3A_127 : vector<1x16xf32> to vector<16xf32>
          %swap3A_129 = vector.shape_cast %max3A_124 : vector<16xf32> to vector<1x16xf32>
          tpu.vector_store %arg13[%swap3A_125, %swap3A_126], %swap3A_129 {strides = array<i32>} : memref<128x128xf32, #tpu.memory_space<vmem>>, vector<1x16xf32>,
        }
        %scan3A_35 = arith.constant 16 : i32
        "tpu.region"() ({
          %run_scoped3A = tpu.sem_alloc : memref<!tpu.dma_semaphore, #tpu.memory_space<semaphore_mem>>
          %dma_start3A = arith.constant 0 : i32
          %dma_start3A_36 = arith.constant 0 : i32
          %dma_start3A_37 = tpu.memref_slice %arg13[%dma_start3A, %dma_start3A_36] : memref<128x128xf32, #tpu.memory_space<vmem>> -> memref<16x128xf32, #tpu.memory_space<vmem>>
          %dma_start3A_38 = arith.constant 9984 : i32
          %dma_start3A_39 = arith.constant 0 : i32
          %dma_start3A_40 = tpu.memref_slice %arg9[%dma_start3A_38, %dma_start3A_39] : memref<10000x128xf32, #tpu.memory_space<hbm>> -> memref<16x128xf32, #tpu.memory_space<hbm>>
          %dma_start3A_41 = arith.constant 9984 : i32
          %dma_start3A_42 = arith.constant 0 : i32
          %dma_start3A_43 = tpu.memref_slice %arg9[%dma_start3A_41, %dma_start3A_42] : memref<10000x128xf32, #tpu.memory_space<hbm>> -> memref<16x128xf32, #tpu.memory_space<hbm>>
          %dma_start3A_44 = arith.constant 0 : i32
          %dma_start3A_45 = arith.constant 0 : i32
          %dma_start3A_46 = tpu.memref_slice %arg13[%dma_start3A_44, %dma_start3A_45] : memref<128x128xf32, #tpu.memory_space<vmem>> -> memref<16x128xf32, #tpu.memory_space<vmem>>
          tpu.enqueue_dma source(%dma_start3A_46 : memref<16x128xf32, #tpu.memory_space<vmem>>) target(%dma_start3A_43 : memref<16x128xf32, #tpu.memory_space<hbm>>) target_semaphore(%run_scoped3A : memref<!tpu.dma_semaphore, #tpu.memory_space<semaphore_mem>>)
          %dma_wait3A = arith.constant 0 : i32
          %dma_wait3A_47 = arith.constant 0 : i32
          %dma_wait3A_48 = tpu.memref_slice %arg13[%dma_wait3A, %dma_wait3A_47] : memref<128x128xf32, #tpu.memory_space<vmem>> -> memref<16x128xf32, #tpu.memory_space<vmem>>
          %dma_wait3A_49 = arith.constant 9984 : i32
          %dma_wait3A_50 = arith.constant 0 : i32
          %dma_wait3A_51 = tpu.memref_slice %arg9[%dma_wait3A_49, %dma_wait3A_50] : memref<10000x128xf32, #tpu.memory_space<hbm>> -> memref<16x128xf32, #tpu.memory_space<hbm>>
          %dma_wait3A_52 = arith.constant 9984 : i32
          %dma_wait3A_53 = arith.constant 0 : i32
          %dma_wait3A_54 = tpu.memref_slice %arg9[%dma_wait3A_52, %dma_wait3A_53] : memref<10000x128xf32, #tpu.memory_space<hbm>> -> memref<16x128xf32, #tpu.memory_space<hbm>>
          %dma_wait3A_55 = arith.constant 0 : i32
          %dma_wait3A_56 = arith.constant 0 : i32
          %dma_wait3A_57 = tpu.memref_slice %arg13[%dma_wait3A_55, %dma_wait3A_56] : memref<128x128xf32, #tpu.memory_space<vmem>> -> memref<16x128xf32, #tpu.memory_space<vmem>>
          tpu.wait_dma2 semaphore(%run_scoped3A : memref<!tpu.dma_semaphore, #tpu.memory_space<semaphore_mem>>) src(%dma_wait3A_57 : memref<16x128xf32, #tpu.memory_space<vmem>>) dst(%dma_wait3A_54 : memref<16x128xf32, #tpu.memory_space<hbm>>)
          tpu.yield
        }) : () -> ()
      } else {
      }
    } else {
    }
    return
  }
}

module attributes {stable_mosaic.version = 14 : i64} {
  func.func @_mid_body(%arg0: i32, %arg1: memref<1024x128xf32, #tpu.memory_space<vmem>>, %arg2: memref<1024x128xf32, #tpu.memory_space<vmem>>, %arg3: memref<1024x128xf32, #tpu.memory_space<vmem>>, %arg4: memref<1024x128xf32, #tpu.memory_space<vmem>>, %arg5: memref<128x128xf32, #tpu.memory_space<vmem>>, %arg6: memref<128x128xf32, #tpu.memory_space<vmem>>, %arg7: memref<128x128xf32, #tpu.memory_space<vmem>>, %arg8: memref<128x128xf32, #tpu.memory_space<vmem>>, %arg9: memref<1024x128xf32, #tpu.memory_space<vmem>>, %arg10: memref<1024x128xf32, #tpu.memory_space<vmem>>, %arg11: memref<1024x128xf32, #tpu.memory_space<vmem>>, %arg12: memref<1024x128xf32, #tpu.memory_space<vmem>>) attributes {dimension_semantics = [#tpu.dimension_semantics<arbitrary>], iteration_bounds = array<i64: 10>, scalar_prefetch = 0 : i64, scratch_operands = 0 : i64, tpu.core_type = #tpu.core_type<tc>, window_params = [{transform_indices = @transform_0, window_bounds = array<i64: 1024, 128>}, {transform_indices = @transform_1, window_bounds = array<i64: 1024, 128>}, {transform_indices = @transform_2, window_bounds = array<i64: 1024, 128>}, {transform_indices = @transform_3, window_bounds = array<i64: 1024, 128>}, {pipeline_mode = #tpu.pipeline_mode<synchronous>, transform_indices = @transform_4, window_bounds = array<i64: 128, 128>}, {pipeline_mode = #tpu.pipeline_mode<synchronous>, transform_indices = @transform_5, window_bounds = array<i64: 128, 128>}, {pipeline_mode = #tpu.pipeline_mode<synchronous>, transform_indices = @transform_6, window_bounds = array<i64: 128, 128>}, {pipeline_mode = #tpu.pipeline_mode<synchronous>, transform_indices = @transform_7, window_bounds = array<i64: 128, 128>}, {transform_indices = @transform_8, window_bounds = array<i64: 1024, 128>}, {transform_indices = @transform_9, window_bounds = array<i64: 1024, 128>}, {transform_indices = @transform_10, window_bounds = array<i64: 1024, 128>}, {transform_indices = @transform_11, window_bounds = array<i64: 1024, 128>}]} {
    %get3A = arith.constant 0 : index
    %get3A_0 = arith.constant 0 : index
    %get3A_1 = vector.load %arg1[%get3A, %get3A_0] : memref<1024x128xf32, #tpu.memory_space<vmem>>, vector<1024x128xf32>
    %max3A = arith.constant 0.000000e+00 : f32
    %max3A_2 = vector.broadcast %max3A : f32 to vector<1024x128xf32>
    %max3A_3 = arith.maximumf %get3A_1, %max3A_2 : vector<1024x128xf32>
    %get3A_4 = arith.constant 0 : index
    %get3A_5 = arith.constant 0 : index
    %get3A_6 = vector.load %arg2[%get3A_4, %get3A_5] : memref<1024x128xf32, #tpu.memory_space<vmem>>, vector<1024x128xf32>
    %max3A_7 = arith.constant 0.000000e+00 : f32
    %max3A_8 = vector.broadcast %max3A_7 : f32 to vector<1024x128xf32>
    %max3A_9 = arith.maximumf %get3A_6, %max3A_8 : vector<1024x128xf32>
    %get3A_10 = arith.constant 0 : index
    %get3A_11 = arith.constant 0 : index
    %get3A_12 = vector.load %arg6[%get3A_10, %get3A_11] : memref<128x128xf32, #tpu.memory_space<vmem>>, vector<128x128xf32>
    %dot_general3A = arith.constant dense<0.000000e+00> : vector<1024x128xf32>
    %dot_general3A_13 = tpu.matmul %max3A_9, %get3A_12, %dot_general3A {dimension_numbers = #tpu.dot_dimension_numbers<[1], [0], [0], [1], [0, 0, 1, 1], [], []>, transpose_lhs_hint = false} : vector<1024x128xf32>, vector<128x128xf32>, vector<1024x128xf32> -> vector<1024x128xf32>
    %swap3A = arith.constant 0 : index
    %swap3A_14 = arith.constant 0 : index
    %swap3A_15 = vector.load %arg9[%swap3A, %swap3A_14] : memref<1024x128xf32, #tpu.memory_space<vmem>>, vector<1024x128xf32>
    tpu.vector_store %arg9[%swap3A, %swap3A_14], %dot_general3A_13 {strides = array<i32>} : memref<1024x128xf32, #tpu.memory_space<vmem>>, vector<1024x128xf32>,
    %get3A_16 = arith.constant 0 : index
    %get3A_17 = arith.constant 0 : index
    %get3A_18 = vector.load %arg8[%get3A_16, %get3A_17] : memref<128x128xf32, #tpu.memory_space<vmem>>, vector<128x128xf32>
    %dot_general3A_19 = arith.constant dense<0.000000e+00> : vector<1024x128xf32>
    %dot_general3A_20 = tpu.matmul %max3A_3, %get3A_18, %dot_general3A_19 {dimension_numbers = #tpu.dot_dimension_numbers<[1], [0], [0], [1], [0, 0, 1, 1], [], []>, transpose_lhs_hint = false} : vector<1024x128xf32>, vector<128x128xf32>, vector<1024x128xf32> -> vector<1024x128xf32>
    %swap3A_21 = arith.constant 0 : index
    %swap3A_22 = arith.constant 0 : index
    %swap3A_23 = vector.load %arg10[%swap3A_21, %swap3A_22] : memref<1024x128xf32, #tpu.memory_space<vmem>>, vector<1024x128xf32>
    tpu.vector_store %arg10[%swap3A_21, %swap3A_22], %dot_general3A_20 {strides = array<i32>} : memref<1024x128xf32, #tpu.memory_space<vmem>>, vector<1024x128xf32>,
    %get3A_24 = arith.constant 0 : index
    %get3A_25 = arith.constant 0 : index
    %get3A_26 = vector.load %arg5[%get3A_24, %get3A_25] : memref<128x128xf32, #tpu.memory_space<vmem>>, vector<128x128xf32>
    %dot_general3A_27 = arith.constant dense<0.000000e+00> : vector<1024x128xf32>
    %dot_general3A_28 = tpu.matmul %max3A_3, %get3A_26, %dot_general3A_27 {dimension_numbers = #tpu.dot_dimension_numbers<[1], [0], [0], [1], [0, 0, 1, 1], [], []>, transpose_lhs_hint = false} : vector<1024x128xf32>, vector<128x128xf32>, vector<1024x128xf32> -> vector<1024x128xf32>
    %get3A_29 = arith.constant 0 : index
    %get3A_30 = arith.constant 0 : index
    %get3A_31 = vector.load %arg3[%get3A_29, %get3A_30] : memref<1024x128xf32, #tpu.memory_space<vmem>>, vector<1024x128xf32>
    %add3A = arith.addf %dot_general3A_28, %get3A_31 : vector<1024x128xf32>
    %swap3A_32 = arith.constant 0 : index
    %swap3A_33 = arith.constant 0 : index
    %swap3A_34 = vector.load %arg11[%swap3A_32, %swap3A_33] : memref<1024x128xf32, #tpu.memory_space<vmem>>, vector<1024x128xf32>
    tpu.vector_store %arg11[%swap3A_32, %swap3A_33], %add3A {strides = array<i32>} : memref<1024x128xf32, #tpu.memory_space<vmem>>, vector<1024x128xf32>,
    %get3A_35 = arith.constant 0 : index
    %get3A_36 = arith.constant 0 : index
    %get3A_37 = vector.load %arg7[%get3A_35, %get3A_36] : memref<128x128xf32, #tpu.memory_space<vmem>>, vector<128x128xf32>
    %dot_general3A_38 = arith.constant dense<0.000000e+00> : vector<1024x128xf32>
    %dot_general3A_39 = tpu.matmul %max3A_9, %get3A_37, %dot_general3A_38 {dimension_numbers = #tpu.dot_dimension_numbers<[1], [0], [0], [1], [0, 0, 1, 1], [], []>, transpose_lhs_hint = false} : vector<1024x128xf32>, vector<128x128xf32>, vector<1024x128xf32> -> vector<1024x128xf32>
    %get3A_40 = arith.constant 0 : index
    %get3A_41 = arith.constant 0 : index
    %get3A_42 = vector.load %arg4[%get3A_40, %get3A_41] : memref<1024x128xf32, #tpu.memory_space<vmem>>, vector<1024x128xf32>
    %add3A_43 = arith.addf %dot_general3A_39, %get3A_42 : vector<1024x128xf32>
    %swap3A_44 = arith.constant 0 : index
    %swap3A_45 = arith.constant 0 : index
    %swap3A_46 = vector.load %arg12[%swap3A_44, %swap3A_45] : memref<1024x128xf32, #tpu.memory_space<vmem>>, vector<1024x128xf32>
    tpu.vector_store %arg12[%swap3A_44, %swap3A_45], %add3A_43 {strides = array<i32>} : memref<1024x128xf32, #tpu.memory_space<vmem>>, vector<1024x128xf32>,
    return
  }
  func.func @transform_0(%arg0: i32) -> (i32, i32) {
    %c0_i32 = arith.constant 0 : i32
    %c0_i32_0 = arith.constant 0 : i32
    return %arg0, %c0_i32 : i32, i32
  }
  func.func @transform_1(%arg0: i32) -> (i32, i32) {
    %c0_i32 = arith.constant 0 : i32
    %c0_i32_0 = arith.constant 0 : i32
    return %arg0, %c0_i32 : i32, i32
  }
  func.func @transform_2(%arg0: i32) -> (i32, i32) {
    %c0_i32 = arith.constant 0 : i32
    %c0_i32_0 = arith.constant 0 : i32
    return %arg0, %c0_i32 : i32, i32
  }
  func.func @transform_3(%arg0: i32) -> (i32, i32) {
    %c0_i32 = arith.constant 0 : i32
    %c0_i32_0 = arith.constant 0 : i32
    return %arg0, %c0_i32 : i32, i32
  }
  func.func @transform_4(%arg0: i32) -> (i32, i32) {
    %c0_i32 = arith.constant 0 : i32
    %c0_i32_0 = arith.constant 0 : i32
    %c0_i32_1 = arith.constant 0 : i32
    return %c0_i32, %c0_i32_0 : i32, i32
  }
  func.func @transform_5(%arg0: i32) -> (i32, i32) {
    %c0_i32 = arith.constant 0 : i32
    %c0_i32_0 = arith.constant 0 : i32
    %c0_i32_1 = arith.constant 0 : i32
    return %c0_i32, %c0_i32_0 : i32, i32
  }
  func.func @transform_6(%arg0: i32) -> (i32, i32) {
    %c0_i32 = arith.constant 0 : i32
    %c0_i32_0 = arith.constant 0 : i32
    %c0_i32_1 = arith.constant 0 : i32
    return %c0_i32, %c0_i32_0 : i32, i32
  }
  func.func @transform_7(%arg0: i32) -> (i32, i32) {
    %c0_i32 = arith.constant 0 : i32
    %c0_i32_0 = arith.constant 0 : i32
    %c0_i32_1 = arith.constant 0 : i32
    return %c0_i32, %c0_i32_0 : i32, i32
  }
  func.func @transform_8(%arg0: i32) -> (i32, i32) {
    %c0_i32 = arith.constant 0 : i32
    %c0_i32_0 = arith.constant 0 : i32
    return %arg0, %c0_i32 : i32, i32
  }
  func.func @transform_9(%arg0: i32) -> (i32, i32) {
    %c0_i32 = arith.constant 0 : i32
    %c0_i32_0 = arith.constant 0 : i32
    return %arg0, %c0_i32 : i32, i32
  }
  func.func @transform_10(%arg0: i32) -> (i32, i32) {
    %c0_i32 = arith.constant 0 : i32
    %c0_i32_0 = arith.constant 0 : i32
    return %arg0, %c0_i32 : i32, i32
  }
  func.func @transform_11(%arg0: i32) -> (i32, i32) {
    %c0_i32 = arith.constant 0 : i32
    %c0_i32_0 = arith.constant 0 : i32
    return %arg0, %c0_i32 : i32, i32
  }
}

module attributes {stable_mosaic.version = 14 : i64} {
  func.func @_mm1_body(%arg0: i32, %arg1: memref<1024x128xf32, #tpu.memory_space<vmem>>, %arg2: memref<1024x128xf32, #tpu.memory_space<vmem>>, %arg3: memref<128x128xf32, #tpu.memory_space<vmem>>, %arg4: memref<128x128xf32, #tpu.memory_space<vmem>>, %arg5: memref<128x128xf32, #tpu.memory_space<vmem>>, %arg6: memref<128x128xf32, #tpu.memory_space<vmem>>, %arg7: memref<1024x128xf32, #tpu.memory_space<vmem>>, %arg8: memref<1024x128xf32, #tpu.memory_space<vmem>>, %arg9: memref<1024x128xf32, #tpu.memory_space<vmem>>, %arg10: memref<1024x128xf32, #tpu.memory_space<vmem>>) attributes {dimension_semantics = [#tpu.dimension_semantics<arbitrary>], iteration_bounds = array<i64: 10>, scalar_prefetch = 0 : i64, scratch_operands = 0 : i64, tpu.core_type = #tpu.core_type<tc>, window_params = [{transform_indices = @transform_0, window_bounds = array<i64: 1024, 128>}, {transform_indices = @transform_1, window_bounds = array<i64: 1024, 128>}, {pipeline_mode = #tpu.pipeline_mode<synchronous>, transform_indices = @transform_2, window_bounds = array<i64: 128, 128>}, {pipeline_mode = #tpu.pipeline_mode<synchronous>, transform_indices = @transform_3, window_bounds = array<i64: 128, 128>}, {pipeline_mode = #tpu.pipeline_mode<synchronous>, transform_indices = @transform_4, window_bounds = array<i64: 128, 128>}, {pipeline_mode = #tpu.pipeline_mode<synchronous>, transform_indices = @transform_5, window_bounds = array<i64: 128, 128>}, {transform_indices = @transform_6, window_bounds = array<i64: 1024, 128>}, {transform_indices = @transform_7, window_bounds = array<i64: 1024, 128>}, {transform_indices = @transform_8, window_bounds = array<i64: 1024, 128>}, {transform_indices = @transform_9, window_bounds = array<i64: 1024, 128>}]} {
    %get3A = arith.constant 0 : index
    %get3A_0 = arith.constant 0 : index
    %get3A_1 = vector.load %arg2[%get3A, %get3A_0] : memref<1024x128xf32, #tpu.memory_space<vmem>>, vector<1024x128xf32>
    %get3A_2 = arith.constant 0 : index
    %get3A_3 = arith.constant 0 : index
    %get3A_4 = vector.load %arg4[%get3A_2, %get3A_3] : memref<128x128xf32, #tpu.memory_space<vmem>>, vector<128x128xf32>
    %dot_general3A = arith.constant dense<0.000000e+00> : vector<1024x128xf32>
    %dot_general3A_5 = tpu.matmul %get3A_1, %get3A_4, %dot_general3A {dimension_numbers = #tpu.dot_dimension_numbers<[1], [0], [0], [1], [0, 0, 1, 1], [], []>, transpose_lhs_hint = false} : vector<1024x128xf32>, vector<128x128xf32>, vector<1024x128xf32> -> vector<1024x128xf32>
    %swap3A = arith.constant 0 : index
    %swap3A_6 = arith.constant 0 : index
    %swap3A_7 = vector.load %arg7[%swap3A, %swap3A_6] : memref<1024x128xf32, #tpu.memory_space<vmem>>, vector<1024x128xf32>
    tpu.vector_store %arg7[%swap3A, %swap3A_6], %dot_general3A_5 {strides = array<i32>} : memref<1024x128xf32, #tpu.memory_space<vmem>>, vector<1024x128xf32>,
    %get3A_8 = arith.constant 0 : index
    %get3A_9 = arith.constant 0 : index
    %get3A_10 = vector.load %arg1[%get3A_8, %get3A_9] : memref<1024x128xf32, #tpu.memory_space<vmem>>, vector<1024x128xf32>
    %get3A_11 = arith.constant 0 : index
    %get3A_12 = arith.constant 0 : index
    %get3A_13 = vector.load %arg6[%get3A_11, %get3A_12] : memref<128x128xf32, #tpu.memory_space<vmem>>, vector<128x128xf32>
    %dot_general3A_14 = arith.constant dense<0.000000e+00> : vector<1024x128xf32>
    %dot_general3A_15 = tpu.matmul %get3A_10, %get3A_13, %dot_general3A_14 {dimension_numbers = #tpu.dot_dimension_numbers<[1], [0], [0], [1], [0, 0, 1, 1], [], []>, transpose_lhs_hint = false} : vector<1024x128xf32>, vector<128x128xf32>, vector<1024x128xf32> -> vector<1024x128xf32>
    %swap3A_16 = arith.constant 0 : index
    %swap3A_17 = arith.constant 0 : index
    %swap3A_18 = vector.load %arg8[%swap3A_16, %swap3A_17] : memref<1024x128xf32, #tpu.memory_space<vmem>>, vector<1024x128xf32>
    tpu.vector_store %arg8[%swap3A_16, %swap3A_17], %dot_general3A_15 {strides = array<i32>} : memref<1024x128xf32, #tpu.memory_space<vmem>>, vector<1024x128xf32>,
    %get3A_19 = arith.constant 0 : index
    %get3A_20 = arith.constant 0 : index
    %get3A_21 = vector.load %arg1[%get3A_19, %get3A_20] : memref<1024x128xf32, #tpu.memory_space<vmem>>, vector<1024x128xf32>
    %get3A_22 = arith.constant 0 : index
    %get3A_23 = arith.constant 0 : index
    %get3A_24 = vector.load %arg3[%get3A_22, %get3A_23] : memref<128x128xf32, #tpu.memory_space<vmem>>, vector<128x128xf32>
    %dot_general3A_25 = arith.constant dense<0.000000e+00> : vector<1024x128xf32>
    %dot_general3A_26 = tpu.matmul %get3A_21, %get3A_24, %dot_general3A_25 {dimension_numbers = #tpu.dot_dimension_numbers<[1], [0], [0], [1], [0, 0, 1, 1], [], []>, transpose_lhs_hint = false} : vector<1024x128xf32>, vector<128x128xf32>, vector<1024x128xf32> -> vector<1024x128xf32>
    %swap3A_27 = arith.constant 0 : index
    %swap3A_28 = arith.constant 0 : index
    %swap3A_29 = vector.load %arg9[%swap3A_27, %swap3A_28] : memref<1024x128xf32, #tpu.memory_space<vmem>>, vector<1024x128xf32>
    tpu.vector_store %arg9[%swap3A_27, %swap3A_28], %dot_general3A_26 {strides = array<i32>} : memref<1024x128xf32, #tpu.memory_space<vmem>>, vector<1024x128xf32>,
    %get3A_30 = arith.constant 0 : index
    %get3A_31 = arith.constant 0 : index
    %get3A_32 = vector.load %arg2[%get3A_30, %get3A_31] : memref<1024x128xf32, #tpu.memory_space<vmem>>, vector<1024x128xf32>
    %get3A_33 = arith.constant 0 : index
    %get3A_34 = arith.constant 0 : index
    %get3A_35 = vector.load %arg5[%get3A_33, %get3A_34] : memref<128x128xf32, #tpu.memory_space<vmem>>, vector<128x128xf32>
    %dot_general3A_36 = arith.constant dense<0.000000e+00> : vector<1024x128xf32>
    %dot_general3A_37 = tpu.matmul %get3A_32, %get3A_35, %dot_general3A_36 {dimension_numbers = #tpu.dot_dimension_numbers<[1], [0], [0], [1], [0, 0, 1, 1], [], []>, transpose_lhs_hint = false} : vector<1024x128xf32>, vector<128x128xf32>, vector<1024x128xf32> -> vector<1024x128xf32>
    %swap3A_38 = arith.constant 0 : index
    %swap3A_39 = arith.constant 0 : index
    %swap3A_40 = vector.load %arg10[%swap3A_38, %swap3A_39] : memref<1024x128xf32, #tpu.memory_space<vmem>>, vector<1024x128xf32>
    tpu.vector_store %arg10[%swap3A_38, %swap3A_39], %dot_general3A_37 {strides = array<i32>} : memref<1024x128xf32, #tpu.memory_space<vmem>>, vector<1024x128xf32>,
    return
  }
  func.func @transform_0(%arg0: i32) -> (i32, i32) {
    %c0_i32 = arith.constant 0 : i32
    %c0_i32_0 = arith.constant 0 : i32
    return %arg0, %c0_i32 : i32, i32
  }
  func.func @transform_1(%arg0: i32) -> (i32, i32) {
    %c0_i32 = arith.constant 0 : i32
    %c0_i32_0 = arith.constant 0 : i32
    return %arg0, %c0_i32 : i32, i32
  }
  func.func @transform_2(%arg0: i32) -> (i32, i32) {
    %c0_i32 = arith.constant 0 : i32
    %c0_i32_0 = arith.constant 0 : i32
    %c0_i32_1 = arith.constant 0 : i32
    return %c0_i32, %c0_i32_0 : i32, i32
  }
  func.func @transform_3(%arg0: i32) -> (i32, i32) {
    %c0_i32 = arith.constant 0 : i32
    %c0_i32_0 = arith.constant 0 : i32
    %c0_i32_1 = arith.constant 0 : i32
    return %c0_i32, %c0_i32_0 : i32, i32
  }
  func.func @transform_4(%arg0: i32) -> (i32, i32) {
    %c0_i32 = arith.constant 0 : i32
    %c0_i32_0 = arith.constant 0 : i32
    %c0_i32_1 = arith.constant 0 : i32
    return %c0_i32, %c0_i32_0 : i32, i32
  }
  func.func @transform_5(%arg0: i32) -> (i32, i32) {
    %c0_i32 = arith.constant 0 : i32
    %c0_i32_0 = arith.constant 0 : i32
    %c0_i32_1 = arith.constant 0 : i32
    return %c0_i32, %c0_i32_0 : i32, i32
  }
  func.func @transform_6(%arg0: i32) -> (i32, i32) {
    %c0_i32 = arith.constant 0 : i32
    %c0_i32_0 = arith.constant 0 : i32
    return %arg0, %c0_i32 : i32, i32
  }
  func.func @transform_7(%arg0: i32) -> (i32, i32) {
    %c0_i32 = arith.constant 0 : i32
    %c0_i32_0 = arith.constant 0 : i32
    return %arg0, %c0_i32 : i32, i32
  }
  func.func @transform_8(%arg0: i32) -> (i32, i32) {
    %c0_i32 = arith.constant 0 : i32
    %c0_i32_0 = arith.constant 0 : i32
    return %arg0, %c0_i32 : i32, i32
  }
  func.func @transform_9(%arg0: i32) -> (i32, i32) {
    %c0_i32 = arith.constant 0 : i32
    %c0_i32_0 = arith.constant 0 : i32
    return %arg0, %c0_i32 : i32, i32
  }
}

</mosaic_0001>

<sc_bundles>
// kernel: kernel.6.cloned.1.call-start
scs
__scs_entry_jumppad:
0x0: {  	(pc) =	sbr.rel $0x88, $3  }
0x1: {  	(tag) =	ssettag $0x0;
	lr =	simm.s32 $0x1  }
0x2: {  	[smem:$0x3F96] =	sst lr;
	_ =	strace $0xD0000000  }
0x3: {  	_ = 	snop  }
0x4: {  	_ = 	snop  }
0x5: {  	_ = 	snop  }
0x6: {  	_ = 	snop  }
0x7: {  	_ = 	snop  }
__scs_overlays_trampoline_lowered:
0x8: {  	[smem:$0x3FA5] =	sst s0  }
0x9: {  	[smem:$0x3FA6] =	sst s1  }
0xa: {  	[smem:$0x3FA7] =	sst s2  }
0xb: {  	[smem:$0x3FA8] =	sst s3  }
0xc: {  	[smem:$0x3FA9] =	sst s4  }
0xd: {  	[smem:$0x3FAA] =	sst s5  }
0xe: {  	[smem:$0x3FAB] =	sst s6  }
0xf: {  	[smem:$0x3FAC] =	sst s7  }
0x10: {  	[smem:$0x3FAD] =	sst s8  }
0x11: {  	[smem:$0x3FAE] =	sst s9;
	s0 =	simm.s32 @!p0 $0x0  }
0x12: {  	s1 =	sld [smem:$0x3F94];
	s0 =	simm.s32 @p0 $0x1  }
0x13: {  	[smem:$0x3FAF] =	sst s0;
	s0 =	simm.s32 @!p1 $0x0  }
0x14: {  	s2 =	sld [smem:$0x3F93];
	s0 =	simm.s32 @p1 $0x1  }
0x15: {  	[smem:$0x3FB0] =	sst s0;
	s0 =	simm.s32 @!p2 $0x0  }
0x16: {  	s3 =	sld [smem:$0x3FDB];
	s0 =	simm.s32 @p2 $0x1  }
0x17: {  	s4 =	simm.s32 $0x1BF5;
	[smem:$0x3FB2] =	sst s0  }
0x18: {  	s0 =	sld [smem:$0x3F95];
	_ =	swait.ge [sflag:s4], $0x0  }
0x19: {  	s7 =	sld [smem:$0x3F96]  }
0x1a: {  	s8 =	sadd.s32 $0xFFFFE003, lr  }
0x1b: {  	s9 =	sadd.s32 $0xFFFFFEF7, lr;
	s5 =	simm.s32 $0xFFFFFFFF;
	p2 =	slt.u32 s8, $0xFFFFF086  }
0x1c: {  	p1 =	slt.u32 s9, $0xF7A;
	s5 =	simm.s32 @!p2 $0x0  }
0x1d: {  	s5 =	simm.s32 @p1 $0x1;
	p0 =	seq.s32 s7, s2  }
0x1e: {  	s7 =	smul.u32 @!p0 $0xF7A, s2;
	p2 =	seq.s32 @!p0 s5, $0x0  }
0x1f: {  	s9 =	smul.u32 $0xF7A, s1;
	s8 =	simm.s32 @!p0 $0x1BF5;
	p2 =	por !p2, p0  }
0x20: {  	[sflag:s8] =	ssyncset.s32 @!p0 $0xFFFFF086;
	s6 =	sadd.s32 @!p0 s3, s7;
	s7 =	simm.s32 @!p0 $0x108  }
0x21: {  	s3 =	sadd.s32 s3, s9;
	s6 =	sadd.s32 @!p0 $0x88, s6;
	s7 =	simm.s32 @p2 $0x1082  }
0x22: {  	[simem:s7], [sflag:s8] =	dma.local @!p0 [hbm:s6], $0xF7A  }
0x23: {  	s9 =	sor.u32 $0xD0000000, s2;
	s6 =	simm.s32 $0x108;
	_ =	swait.ge @!p0 [sflag:s8], $0x0  }
0x24: {  	s3 =	sadd.s32 $0x88, s3;
	s6 =	simm.s32 @!p1 $0x1082;
	[sflag:s4] =	ssyncset.s32 $0xFFFFF086  }
0x25: {  	[simem:s6], [sflag:s4] =	dma.local [hbm:s3], $0xF7A  }
0x26: {  	[smem:$0x3F96] =	sst s1;
	(tag) =	ssettag s2;
	_ =	strace s9  }
0x27: {  	s1 =	sld [smem:$0x3FA6]  }
0x28: {  	s2 =	sld [smem:$0x3FA7]  }
0x29: {  	s4 =	sld [smem:$0x3FA9]  }
0x2a: {  	p0 =	seq.s32 s5, $0x0;
	s5 =	sld [smem:$0x3FAA]  }
0x2b: {  	s6 =	sld [smem:$0x3FAB]  }
0x2c: {  	s7 =	sld [smem:$0x3FAC]  }
0x2d: {  	s3 =	simm.s32 $0x108;
	s8 =	sld [smem:$0x3FAD]  }
0x2e: {  	s3 =	simm.s32 @!p0 $0x1082;
	s9 =	sld [smem:$0x3FAE]  }
0x2f: {  	lr =	sadd.s32 s0, s3;
	s0 =	sld [smem:$0x3FA5]  }
0x30: {  	s3 =	sld [smem:$0x3FA8]  }
0x31: {  	[smem:$0x3FB1] =	sst s10  }
0x32: {  	s10 =	sld [smem:$0x3FAF];
	_ =	sdelay $0x3  }
0x33: {  	p0 =	seq.s32 s10, $0x1;
	s10 =	sld [smem:$0x3FB1];
	_ =	sdelay $0x3  }
0x34: {  	[smem:$0x3FB1] =	sst s10  }
0x35: {  	s10 =	sld [smem:$0x3FB0];
	_ =	sdelay $0x3  }
0x36: {  	p1 =	seq.s32 s10, $0x1;
	s10 =	sld [smem:$0x3FB1];
	_ =	sdelay $0x3  }
0x37: {  	[smem:$0x3FB1] =	sst s10  }
0x38: {  	s10 =	sld [smem:$0x3FB2]  }
0x39: {  	_ = 	snop;
	(pc) =	sbr.ind lr, $3  }
0x3a: {  	_ = 	snop  }
0x3b: {  	_ = 	snop  }
0x3c: {  	p2 =	seq.s32 s10, $0x1;
	s10 =	sld [smem:$0x3FB1]  }
0x3d: {  	_ =	shalt  }
0x3e: {  	_ =	shalt  }
0x3f: {  	_ =	shalt  }
0x40: {  	_ =	shalt  }
0x41: {  	_ =	shalt  }
0x42: {  	_ =	shalt  }
0x43: {  	_ =	shalt  }
0x44: {  	_ =	shalt  }
0x45: {  	_ =	shalt  }
0x46: {  	_ =	shalt  }
0x47: {  	_ =	shalt  }
0x48: {  	_ =	shalt  }
0x49: {  	_ =	shalt  }
0x4a: {  	_ =	shalt  }
0x4b: {  	_ =	shalt  }
0x4c: {  	_ =	shalt  }
0x4d: {  	_ =	shalt  }
0x4e: {  	_ =	shalt  }
0x4f: {  	_ =	shalt  }
0x50: {  	_ =	shalt  }
0x51: {  	_ =	shalt  }
0x52: {  	_ =	shalt  }
0x53: {  	_ =	shalt  }
0x54: {  	_ =	shalt  }
0x55: {  	_ =	shalt  }
0x56: {  	_ =	shalt  }
0x57: {  	_ =	shalt  }
0x58: {  	_ =	shalt  }
0x59: {  	_ =	shalt  }
0x5a: {  	_ =	shalt  }
0x5b: {  	_ =	shalt  }
0x5c: {  	_ =	shalt  }
0x5d: {  	_ =	shalt  }
0x5e: {  	_ =	shalt  }
0x5f: {  	_ =	shalt  }
0x60: {  	_ =	shalt  }
0x61: {  	_ =	shalt  }
0x62: {  	_ =	shalt  }
0x63: {  	_ =	shalt  }
0x64: {  	_ =	shalt  }
0x65: {  	_ =	shalt  }
0x66: {  	_ =	shalt  }
0x67: {  	_ =	shalt  }
0x68: {  	_ =	shalt  }
0x69: {  	_ =	shalt  }
0x6a: {  	_ =	shalt  }
0x6b: {  	_ =	shalt  }
0x6c: {  	_ =	shalt  }
0x6d: {  	_ =	shalt  }
0x6e: {  	_ =	shalt  }
0x6f: {  	_ =	shalt  }
0x70: {  	_ =	shalt  }
0x71: {  	_ =	shalt  }
0x72: {  	_ =	shalt  }
0x73: {  	_ =	shalt  }
0x74: {  	_ =	shalt  }
0x75: {  	_ =	shalt  }
0x76: {  	_ =	shalt  }
0x77: {  	_ =	shalt  }
0x78: {  	_ =	shalt  }
0x79: {  	_ =	shalt  }
0x7a: {  	_ =	shalt  }
0x7b: {  	_ =	shalt  }
0x7c: {  	_ =	shalt  }
0x7d: {  	_ =	shalt  }
0x7e: {  	_ =	shalt  }
0x7f: {  	_ =	shalt  }
0x80: {  	_ =	shalt  }
0x81: {  	_ =	shalt  }
0x82: {  	_ =	shalt  }
0x83: {  	_ =	shalt  }
0x84: {  	_ =	shalt  }
0x85: {  	_ =	shalt  }
0x86: {  	_ =	shalt  }
0x87: {  	_ =	shalt  }
.Lfunc_end0:
.L_simem_size_0:
called_computation_lowered:
.L_overlay_start_0:
0x88: {  	s2 =	sld [smem:$0x3FD9]  }
0x89: {  	s3 =	sld [smem:$0x3FFE];
	_ =	sdelay $0x1  }
0x8a: {  	s1 =	srdreg.scid  }
0x8b: {  	s0 =	sand.u32 $0x1, s1  }
0x8c: {  	s14 =	sshll.u32 s0, $0xA;
	s2 =	sadd.s32 s3, s2  }
0x8d: {  	s2 =	sadd.s32 s2, s14  }
0x8e: {  	[smem:$0x3FBD] =	sst s2  }
0x8f: {  	_ = 	snop  }
0x90: {  	s2 =	sld [smem:$0x3FD0];
	_ =	sdelay $0x2  }
0x91: {  	s15 =	simm.s32 $0xA;
	s4 =	simm.s32 $0x10  }
0x92: {  	[smem:s4], [sflag:s15] =	dma.local [hbm:s2], $0x1  }
0x93: {  	_ =	swait.eq [sflag:s15], $0x1  }
0x94: {  	[sflag:s15] =	ssyncset.done $0x0  }
0x95: {  	s16 =	sld [smem:$0x10];
	[sflag:s15] =	ssyncadd.s32 $0xFFFFFFFF  }
0x96: {  	s17 =	sld [smem:$0x11];
	(tm) =	ssettm $0x1  }
0x97: {  	s18 =	sld [smem:$0x3FFB];
	_ =	sdelay $0x3  }
0x98: {  	_ =	strace s18  }
0x99: {  	s4 =	sld [smem:$0x3FFC];
	_ =	sdelay $0x3  }
0x9a: {  	_ =	strace s4  }
0x9b: {  	s4 =	sld [smem:$0x3FFD];
	_ =	sdelay $0x3  }
0x9c: {  	_ =	strace s4  }
0x9d: {  	_ =	strace $0x8FFFFFFF  }
0x9e: {  	s19 =	sld [smem:$0x3FDB];
	_ =	sdelay $0x1  }
0x9f: {  	s5 =	simm.s32 $_scs_section_size  }
0xa0: {  	s6 =	simm.s32 $_size__tile_overlayer_lowered;
	s7 =	simm.s32 $_tile_overlayer_lowered  }
0xa1: {  	s22 =	simm.s32 $0x1BFF;
	s21 =	sshll.u32 s7, $0x1;
	s4 =	sadd.s32 s5, s19  }
0xa2: {  	s8 =	simm.s32 $0x0;
	s20 =	sshll.u32 s6, $0x1;
	s6 =	sadd.s32 s21, s4  }
0xa3: {  	[timem:s8], [sflag:s22] =	dma.local [hbm:s6], s20  }
0xa4: {  	_ =	swait.ge [sflag:s22], s20  }
0xa5: {  	s5 =	ssub.s32 $0x0, s20;
	[sflag:s22] =	ssyncset.done $0x0  }
0xa6: {  	[sflag:s22] =	ssyncadd.s32 s5;
	_ =	sdelay $0x1  }
0xa7: {  	s23 =	simm.s32 $0x1B8B  }
0xa8: {  	_ =	swait.ge [sflag:s23], $0x1  }
0xa9: {  	[sflag:s23] =	ssyncset.done $0x0  }
0xaa: {  	s25 =	simm.s32 $0x1B8E;
	s24 =	sld [smem:$0x3FFE];
	[sflag:s23] =	ssyncadd.s32 $0xFFFFFFFF  }
0xab: {  	s26 =	simm.s32 $execute0_lowered;
	[smem:$0x3FD2] =	sst s25  }
0xac: {  	s6 =	sshll.u32 s26, $0x1;
	_ =	strace $0x80000046;
	[dreg:$0x1] =	wrdreg $0xFFFFFFFF  }
0xad: {  	s28 =	simm.s32 $_size_execute0_lowered;
	s4 =	sadd.s32 s4, s6;
	[dreg:$0x0] =	wrdreg $0x0  }
0xae: {  	s6 =	sshll.u32 s28, $0x1;
	[dreg:$0x2] =	wrdreg s4  }
0xaf: {  	[dreg:$0x3] =	wrdreg s6  }
0xb0: {  	[dreg:$0x4] =	wrdreg $0xC0  }
0xb1: {  	_ =	task [dreg:s8], $0x5FFFF  }
0xb2: {  	[dreg:$0x1] =	wrdreg $0xFFFFFFFF  }
0xb3: {  	[dreg:$0x0] =	wrdreg $0x60  }
0xb4: {  	[dreg:$0x2] =	wrdreg s24  }
0xb5: {  	[dreg:$0x3] =	wrdreg s17  }
0xb6: {  	[dreg:$0x4] =	wrdreg s16  }
0xb7: {  	[dreg:$0x5] =	wrdreg $0x0  }
0xb8: {  	[dreg:$0x6] =	wrdreg $0x9  }
0xb9: {  	_ =	task.clear_ibuf [dreg:s8], $0x7FFFF;
	_ =	strace $0x90000046  }
0xba: {  	s29 =	simm.s32 $0x9;
	_ =	strace $0x80000048  }
0xbb: {  	_ =	swait.ge [sflag:s29], $0x1  }
0xbc: {  	[sflag:s29] =	ssyncadd.s32 $0xFFFFFFFF  }
0xbd: {  	_ =	strace $0x90000048  }
0xbe: {  	_ =	sfence  }
0xbf: {  	s30 =	sld [smem:$0x0];
	_ =	sdelay $0x2  }
0xc0: {  	s31 =	sshll.u32 s1, $0xD;
	s1 =	sshrl.u32 s1, $0x2  }
0xc1: {  	s3 =	sand.u32 $0x4000, s31;
	s1 =	sadd.s32 s1, s30  }
0xc2: {  	s0 =	sor.u32 s3, s0;
	s1 =	sshll.u32 s1, $0x11  }
0xc3: {  	s0 =	sor.u32 s1, s0  }
0xc4: {  	s0 =	sadd.s32 $0x8F2B, s0  }
0xc5: {  	[sflag:s0] =	ssyncadd.remote.s32 $0x1  }
0xc6: {  	_ =	sfence.sel $0xFFFF  }
0xc7: {  	[dreg:$0x0] =	wrdreg $0xFFFFFFFF;
	(pc) =	sbr.abs _section_cstart, $3  }
0xc8: {  	[dreg:$0x1] =	wrdreg $0xFFFFFFFF  }
0xc9: {  	_ =	task.clear_ibuf [dreg:s8], $0x2FFFF;
	_ =	strace $0x9FFFFFFF  }
0xca: {  	(tm) =	ssettm $0x7FFFFFFF  }
0xcb: {  	_ =	shalt  }
tec
execute0_lowered:
.L_overlay_start_1:
0x0: {  	(tag) =	ssettag $0x1  }
0x1: {  	s0 =	rddreg [dreg:$0x0]  }
0x2: {  	s1 =	rddreg [dreg:$0x1]  }
0x3: {  	s2 =	rddreg [dreg:$0x2]  }
0x4: {  	s4 =	rddreg [dreg:$0x3]  }
0x5: {  	s5 =	simm.s32 $0x0;
	s15 =	stileid.u32;
	s6 =	srdreg.scid  }
0x6: {  	s19 =	simm.s32 $0x5;
	s28 =	simm.s32 $0x1A100;
	s29 =	simm.s32 $0x2  }
0x7: {  	s30 =	simm.s32 $0x14D80;
	s31 =	simm.s32 $0x3;
	s3 =	smul.u32 $0xA00, s15  }
0x8: {  	[smem:$0x7FF] =	sst s5;
	s8 =	smul.u32 $0x2700, s15;
	s9 =	sand.u32 $0x1, s6  }
0x9: {  	s6 =	sadd.s32 $0x66600, s0;
	s11 =	smul.u32 $0x4E000, s15;
	s7 =	sadd.s32 $0x8E600, s0  }
0xa: {  	s23 =	sadd.s32 $0x3D600, s0;
	s26 =	sshll.u32 s15, $0x6;
	p1 =	sne.s32 s15, $0xF  }
0xb: {  	_ =	strace $0x80000047;
	s10 =	ssub.s32 $0x2, s9;
	p0 =	seq.s32 s9, $0x1  }
0xc: {  	[dreg:$0x7] =	wrdreg s23;
	s17 =	sor.u32 $0x1C05, s26;
	s23 =	simm.s32 $0x80  }
0xd: {  	s26 =	simm.s32 $0x13980;
	s9 =	simm.s32 $0x0;
	s3 =	sadd.s32 s3, s0  }
0xe: {  	s12 =	sshrl.u32 s10, $0x1;
	s14 =	sadd.s32 s8, s0;
	s11 =	sshrl.u32 s11, $0x2  }
0xf: {  	s8 =	smul.u32 $0x270, s15;
	s0 =	sadd.s32 $0x65600, s0;
	s10 =	ssub.s32 s10, s12  }
0x10: {  	s21 =	sadd.s32 s11, s4;
	s22 =	sadd.s32 $0x16600, s14;
	s11 =	sadd.s32 $0x138000, s4  }
0x11: {  	s12 =	sadd.s32 $0x2600, s3;
	s13 =	sadd.s32 $0xC600, s3;
	[dreg:$0x9] =	wrdreg s0  }
.Ltmp0:
0x12: {  	s24 =	sadd.s32 $0x3E600, s14;
	[dreg:$0x5] =	wrdreg s22;
	(pc) =	sbr.rel .LBB2_1-.Ltmp0, $4  }
0x13: {  	s0 =	simm.s32 $0x13A00;
	s3 =	simm.s32 $0x4;
	[dreg:$0x8] =	wrdreg s24  }
0x14: {  	s25 =	smax.u32 s10, $0x1;
	s18 =	sshrl.u32 s21, $0x3;
	[dreg:$0x6] =	wrdreg s11  }
0x15: {  	s20 =	sshrl.u32 @!p1 s11, $0x3;
	s21 =	simm.s32 $0x13900;
	s22 =	simm.s32 $0x14D00  }
0x16: {  	s24 =	simm.s32 $0x16100;
	[dreg:$0xa] =	wrdreg s25;
	s25 =	simm.s32 $0x1  }
.LBB2_28:
0x17: {  	s10 =	sadd.s32 $0x27000, s10  }
0x18: {  	[hbm4b:s10+s5] =	stream.linear.scatter [tilespmem:s24], [sflag:$0x5], $0x800, $0x38;
	[tilespmem:$0x1E100] =	vst v63  }
0x19: {  	_ =	swait.ge [sflag:s19], $0x800  }
0x1a: {  	[sflag:s19] =	ssyncset.done $0x0  }
0x1b: {  	[sflag:s19] =	ssyncadd.s32 $0xFFFFF800  }
.LBB2_29:
0x1c: {  	s9 =	sadd.s32 $0x1, s9;
	s10 =	rddreg [dreg:$0xa]  }
0x1d: {  	p2 =	sne.s32 s9, s10  }
.Ltmp1:
0x1e: {  	_ = 	snop;
	(pc) =	sbr.rel @!p2 .LBB2_30-.Ltmp1, $1  }
0x1f: {  	_ =	sdelay $0x3  }
.LBB2_1:
.Ltmp2:
0x20: {  	(pc) =	sbr.rel @!p0 .LBB2_2-.Ltmp2, $1  }
0x21: {  	_ =	sdelay $0x3  }
0x22: {  	s10 =	rddreg [dreg:$0x8]  }
0x23: {  	[spmem:s18], [sflag:s17] =	dma.local [hbm:s10], $0x2700  }
0x24: {  	_ =	swait.ge [sflag:s19], $0x2700  }
0x25: {  	[sflag:s19] =	ssyncset.done $0x0  }
0x26: {  	s10 =	rddreg [dreg:$0x9];
	[sflag:s19] =	ssyncadd.s32 $0xFFFFD900  }
0x27: {  	[spmem:s20], [sflag:s17] =	dma.local @!p1 [hbm:s10], $0x100  }
0x28: {  	s10 =	simm.s32 @!p1 $0x5  }
.Ltmp3:
0x29: {  	_ =	swait.ge @!p1 [sflag:s10], $0x100;
	(pc) =	sbr.rel .LBB2_16-.Ltmp3, $4  }
0x2a: {  	[sflag:s10] =	ssyncset.done @!p1 $0x0  }
0x2b: {  	[sflag:s10] =	ssyncadd.s32 @!p1 $0xFFFFFF00  }
0x2c: {  	[bflag:$0x0] =	sbarrier.arrive $0xFFFF  }
0x2d: {  	s11 =	simm.s32 $0x0  }
.LBB2_19:
0x2e: {  	s11 =	sadd.s32 $0x1, s11  }
0x2f: {  	p2 =	sne.s32 s11, $0x4  }
.Ltmp4:
0x30: {  	_ = 	snop;
	(pc) =	sbr.rel @!p2 .LBB2_20-.Ltmp4, $4  }
0x31: {  	_ = 	snop  }
0x32: {  	_ =	swait.ge [sflag:s3], $0x4000  }
0x33: {  	[sflag:s3] =	ssyncset.done $0x0  }
0x34: {  	[sflag:s3] =	ssyncadd.s32 $0xFFFFC000  }
.LBB2_16:
0x35: {  	s10 =	smul.u32 $0x280, s11;
	_ =	sdelay $0x1  }
0x36: {  	s14 =	sadd.s32 s10, s13  }
0x37: {  	[tilespmem:s21], [sflag:$0x5] =	stream.linear.gather [hbm4b:s14+s5], $0x1400, $0x38;
	[tilespmem:$0x1E100] =	vst v63  }
0x38: {  	_ =	swait.ge [sflag:s19], $0x1400  }
0x39: {  	[sflag:s19] =	ssyncset.done $0x0  }
0x3a: {  	s10 =	sadd.s32 s10, s12;
	[sflag:s19] =	ssyncadd.s32 $0xFFFFEC00  }
0x3b: {  	[tilespmem:s22], [sflag:$0x5] =	stream.linear.gather [hbm4b:s10+s5], $0x1400, $0x38;
	[tilespmem:$0x1E100] =	vst v63  }
0x3c: {  	_ =	swait.ge [sflag:s19], $0x1400  }
0x3d: {  	[sflag:s19] =	ssyncset.done $0x0  }
0x3e: {  	[sflag:s19] =	ssyncadd.s32 $0xFFFFEC00  }
0x3f: {  	[tilespmem:s24], [sflag:$0x1] =	stream.indirect.gather [hbm4b:s7+s23], $0x80, s21, s23, $0xb8;
	[tilespmem:$0x1E100] =	vst v63  }
0x40: {  	_ =	swait.ge [sflag:s25], $0x4000  }
0x41: {  	[sflag:s25] =	ssyncset.done $0x0  }
0x42: {  	[sflag:s25] =	ssyncadd.s32 $0xFFFFC000  }
0x43: {  	[spmem:s4] =	stream.indirect.scatter.add.f32 [tilespmem:s24], [sflag:$0x3], $0x80, s22, s23, $0xb8;
	[tilespmem:$0x1E100] =	vst v63  }
0x44: {  	_ = 	snop  }
0x45: {  	[tilespmem:s28], [sflag:$0x2] =	stream.indirect.gather [hbm4b:s7+s23], $0x80, s26, s23, $0xb8;
	[tilespmem:$0x1E100] =	vst v63  }
0x46: {  	_ =	swait.ge [sflag:s29], $0x4000  }
0x47: {  	[sflag:s29] =	ssyncset.done $0x0  }
0x48: {  	[sflag:s29] =	ssyncadd.s32 $0xFFFFC000  }
0x49: {  	[spmem:s4] =	stream.indirect.scatter.add.f32 [tilespmem:s28], [sflag:$0x4], $0x80, s30, s23, $0xb8;
	[tilespmem:$0x1E100] =	vst v63  }
0x4a: {  	_ =	swait.ge [sflag:s31], $0x4000  }
0x4b: {  	[sflag:s31] =	ssyncset.done $0x0  }
0x4c: {  	s10 =	simm.s32 $0xFFFFB800;
	[sflag:s31] =	ssyncadd.s32 $0xFFFFC000  }
0x4d: {  	[tilespmem:s24], [sflag:$0x1] =	stream.indirect.gather [hbm4b:s7+s23], $0x80, s0, s23, $0xb8;
	[tilespmem:$0x1E100] =	vst v63  }
.LBB2_17:
0x4e: {  	_ =	swait.ge [sflag:s25], $0x4000  }
0x4f: {  	s14 =	sshra.s32 s10, $0x2;
	[sflag:s25] =	ssyncset.done $0x0  }
0x50: {  	s15 =	sadd.s32 $0x16000, s14;
	[sflag:s25] =	ssyncadd.s32 $0xFFFFC000  }
0x51: {  	[spmem:s4] =	stream.indirect.scatter.add.f32 [tilespmem:s24], [sflag:$0x3], $0x80, s15, s23, $0xb8;
	[tilespmem:$0x1E100] =	vst v63  }
0x52: {  	_ =	swait.ge [sflag:s3], $0x4000  }
0x53: {  	[sflag:s3] =	ssyncset.done $0x0  }
0x54: {  	s16 =	sadd.s32 $0x14C80, s14;
	[sflag:s3] =	ssyncadd.s32 $0xFFFFC000  }
0x55: {  	[tilespmem:s28], [sflag:$0x2] =	stream.indirect.gather [hbm4b:s7+s23], $0x80, s16, s23, $0xb8;
	[tilespmem:$0x1E100] =	vst v63  }
0x56: {  	_ =	swait.ge [sflag:s29], $0x4000  }
0x57: {  	p2 =	seq.s32 s10, $0x0;
	[sflag:s29] =	ssyncset.done $0x0  }
.Ltmp5:
0x58: {  	s16 =	sadd.s32 $0x16080, s14;
	[sflag:s29] =	ssyncadd.s32 $0xFFFFC000;
	(pc) =	sbr.rel @p2 .LBB2_19-.Ltmp5, $4  }
0x59: {  	[spmem:s4] =	stream.indirect.scatter.add.f32 [tilespmem:s28], [sflag:$0x4], $0x80, s16, s23, $0xb8;
	[tilespmem:$0x1E100] =	vst v63  }
0x5a: {  	_ =	swait.ge [sflag:s31], $0x4000  }
0x5b: {  	[sflag:s31] =	ssyncset.done $0x0  }
0x5c: {  	[sflag:s31] =	ssyncadd.s32 $0xFFFFC000  }
.Ltmp6:
0x5d: {  	(pc) =	sbr.rel .LBB2_17-.Ltmp6, $3  }
0x5e: {  	_ =	sdelay $0x1  }
0x5f: {  	s14 =	sadd.s32 $0x14D00, s14;
	s10 =	sadd.s32 $0x400, s10  }
0x60: {  	[tilespmem:s24], [sflag:$0x1] =	stream.indirect.gather [hbm4b:s7+s23], $0x80, s14, s23, $0xb8;
	[tilespmem:$0x1E100] =	vst v63  }
.LBB2_2:
0x61: {  	s10 =	rddreg [dreg:$0x5]  }
0x62: {  	[spmem:s18], [sflag:s17] =	dma.local [hbm:s10], $0x2700  }
0x63: {  	_ =	swait.ge [sflag:s19], $0x2700  }
0x64: {  	[sflag:s19] =	ssyncset.done $0x0  }
0x65: {  	s10 =	rddreg [dreg:$0x7];
	[sflag:s19] =	ssyncadd.s32 $0xFFFFD900  }
0x66: {  	[spmem:s20], [sflag:s17] =	dma.local @!p1 [hbm:s10], $0x100  }
0x67: {  	s10 =	simm.s32 @!p1 $0x5  }
.Ltmp7:
0x68: {  	_ =	swait.ge @!p1 [sflag:s10], $0x100;
	(pc) =	sbr.rel .LBB2_3-.Ltmp7, $4  }
0x69: {  	[sflag:s10] =	ssyncset.done @!p1 $0x0  }
0x6a: {  	[sflag:s10] =	ssyncadd.s32 @!p1 $0xFFFFFF00  }
0x6b: {  	[bflag:$0x0] =	sbarrier.arrive $0xFFFF  }
0x6c: {  	s11 =	simm.s32 $0x0  }
.LBB2_6:
0x6d: {  	s11 =	sadd.s32 $0x1, s11  }
0x6e: {  	p2 =	sne.s32 s11, $0x4  }
.Ltmp8:
0x6f: {  	_ = 	snop;
	(pc) =	sbr.rel @!p2 .LBB2_7-.Ltmp8, $4  }
0x70: {  	_ = 	snop  }
0x71: {  	_ =	swait.ge [sflag:s3], $0x4000  }
0x72: {  	[sflag:s3] =	ssyncset.done $0x0  }
0x73: {  	[sflag:s3] =	ssyncadd.s32 $0xFFFFC000  }
.LBB2_3:
0x74: {  	s10 =	smul.u32 $0x280, s11;
	_ =	sdelay $0x1  }
0x75: {  	s14 =	sadd.s32 s10, s12  }
0x76: {  	[tilespmem:s21], [sflag:$0x5] =	stream.linear.gather [hbm4b:s14+s5], $0x1400, $0x38;
	[tilespmem:$0x1E100] =	vst v63  }
0x77: {  	_ =	swait.ge [sflag:s19], $0x1400  }
0x78: {  	[sflag:s19] =	ssyncset.done $0x0  }
0x79: {  	s10 =	sadd.s32 s10, s13;
	[sflag:s19] =	ssyncadd.s32 $0xFFFFEC00  }
0x7a: {  	[tilespmem:s22], [sflag:$0x5] =	stream.linear.gather [hbm4b:s10+s5], $0x1400, $0x38;
	[tilespmem:$0x1E100] =	vst v63  }
0x7b: {  	_ =	swait.ge [sflag:s19], $0x1400  }
0x7c: {  	[sflag:s19] =	ssyncset.done $0x0  }
0x7d: {  	[sflag:s19] =	ssyncadd.s32 $0xFFFFEC00  }
0x7e: {  	[tilespmem:s24], [sflag:$0x1] =	stream.indirect.gather [hbm4b:s6+s23], $0x80, s21, s23, $0xb8;
	[tilespmem:$0x1E100] =	vst v63  }
0x7f: {  	_ =	swait.ge [sflag:s25], $0x4000  }
0x80: {  	[sflag:s25] =	ssyncset.done $0x0  }
0x81: {  	[sflag:s25] =	ssyncadd.s32 $0xFFFFC000  }
0x82: {  	[spmem:s4] =	stream.indirect.scatter.add.f32 [tilespmem:s24], [sflag:$0x3], $0x80, s22, s23, $0xb8;
	[tilespmem:$0x1E100] =	vst v63  }
0x83: {  	_ = 	snop  }
0x84: {  	[tilespmem:s28], [sflag:$0x2] =	stream.indirect.gather [hbm4b:s6+s23], $0x80, s26, s23, $0xb8;
	[tilespmem:$0x1E100] =	vst v63  }
0x85: {  	_ =	swait.ge [sflag:s29], $0x4000  }
0x86: {  	[sflag:s29] =	ssyncset.done $0x0  }
0x87: {  	[sflag:s29] =	ssyncadd.s32 $0xFFFFC000  }
0x88: {  	[spmem:s4] =	stream.indirect.scatter.add.f32 [tilespmem:s28], [sflag:$0x4], $0x80, s30, s23, $0xb8;
	[tilespmem:$0x1E100] =	vst v63  }
0x89: {  	_ =	swait.ge [sflag:s31], $0x4000  }
0x8a: {  	[sflag:s31] =	ssyncset.done $0x0  }
0x8b: {  	s10 =	simm.s32 $0xFFFFB800;
	[sflag:s31] =	ssyncadd.s32 $0xFFFFC000  }
0x8c: {  	[tilespmem:s24], [sflag:$0x1] =	stream.indirect.gather [hbm4b:s6+s23], $0x80, s0, s23, $0xb8;
	[tilespmem:$0x1E100] =	vst v63  }
.LBB2_4:
0x8d: {  	_ =	swait.ge [sflag:s25], $0x4000  }
0x8e: {  	s14 =	sshra.s32 s10, $0x2;
	[sflag:s25] =	ssyncset.done $0x0  }
0x8f: {  	s15 =	sadd.s32 $0x16000, s14;
	[sflag:s25] =	ssyncadd.s32 $0xFFFFC000  }
0x90: {  	[spmem:s4] =	stream.indirect.scatter.add.f32 [tilespmem:s24], [sflag:$0x3], $0x80, s15, s23, $0xb8;
	[tilespmem:$0x1E100] =	vst v63  }
0x91: {  	_ =	swait.ge [sflag:s3], $0x4000  }
0x92: {  	[sflag:s3] =	ssyncset.done $0x0  }
0x93: {  	s16 =	sadd.s32 $0x14C80, s14;
	[sflag:s3] =	ssyncadd.s32 $0xFFFFC000  }
0x94: {  	[tilespmem:s28], [sflag:$0x2] =	stream.indirect.gather [hbm4b:s6+s23], $0x80, s16, s23, $0xb8;
	[tilespmem:$0x1E100] =	vst v63  }
0x95: {  	_ =	swait.ge [sflag:s29], $0x4000  }
0x96: {  	p2 =	seq.s32 s10, $0x0;
	[sflag:s29] =	ssyncset.done $0x0  }
.Ltmp9:
0x97: {  	s16 =	sadd.s32 $0x16080, s14;
	[sflag:s29] =	ssyncadd.s32 $0xFFFFC000;
	(pc) =	sbr.rel @p2 .LBB2_6-.Ltmp9, $4  }
0x98: {  	[spmem:s4] =	stream.indirect.scatter.add.f32 [tilespmem:s28], [sflag:$0x4], $0x80, s16, s23, $0xb8;
	[tilespmem:$0x1E100] =	vst v63  }
0x99: {  	_ =	swait.ge [sflag:s31], $0x4000  }
0x9a: {  	[sflag:s31] =	ssyncset.done $0x0  }
0x9b: {  	[sflag:s31] =	ssyncadd.s32 $0xFFFFC000  }
.Ltmp10:
0x9c: {  	(pc) =	sbr.rel .LBB2_4-.Ltmp10, $3  }
0x9d: {  	_ =	sdelay $0x1  }
0x9e: {  	s14 =	sadd.s32 $0x14D00, s14;
	s10 =	sadd.s32 $0x400, s10  }
0x9f: {  	[tilespmem:s24], [sflag:$0x1] =	stream.indirect.gather [hbm4b:s6+s23], $0x80, s14, s23, $0xb8;
	[tilespmem:$0x1E100] =	vst v63  }
.LBB2_20:
0xa0: {  	[bflag:$0x0] =	sbarrier.arrive $0xFFFF;
	s11 =	simm.s32 $0x0  }
.LBB2_21:
0xa1: {  	s10 =	smul.u32 $0x68, s11;
	_ =	sdelay $0x1  }
0xa2: {  	s14 =	sadd.s32 s8, s10  }
0xa3: {  	s10 =	sshll.u32 s14, $0x7  }
0xa4: {  	s10 =	sand.u32 $0x3FFFFF80, s10  }
0xa5: {  	s10 =	sadd.s32 s10, s4  }
0xa6: {  	[tilespmem:s24], [sflag:$0x5] =	stream.linear.gather [spmem:s10], $0x3400, $0x38;
	[tilespmem:$0x1E100] =	vst v63  }
0xa7: {  	_ =	swait.ge [sflag:s19], $0x3400  }
0xa8: {  	[sflag:s19] =	ssyncset.done $0x0  }
0xa9: {  	s15 =	simm.s32 $0x0;
	[sflag:s19] =	ssyncadd.s32 $0xFFFFCC00  }
0xaa: {  	v2 =	vld [tilespmem:s15+$0x16100]  }
0xab: {  	v4 =	vld [tilespmem:s15+$0x16110]  }
0xac: {  	v3 =	vld [tilespmem:s15+$0x16120]  }
0xad: {  	v1 =	vld [tilespmem:s15+$0x16130]  }
0xae: {  	v0 =	vld [tilespmem:s15+$0x16140]  }
0xaf: {  	v5 =	vmax.f32 v2, $0.0e+00;
	v2 =	vld [tilespmem:s15+$0x16150]  }
0xb0: {  	s10 =	simm.s32 $0x200;
	[tilespmem:s15+$0x16100] =	vst v5;
	v5 =	vmax.f32 v4, $0.0e+00;
	v4 =	vld [tilespmem:s15+$0x16160]  }
.LBB2_22:
0xb1: {  	s16 =	sshra.s32 s10, $0x2;
	p2 =	sne.s32 s10, $0xCE00;
	[tilespmem:s15+$0x16110] =	vst v5;
	v3 =	vmax.f32 v3, $0.0e+00;
	v5 =	vld [tilespmem:s15+$0x16170]  }
0xb2: {  	v6 =	vld [tilespmem:s16+$0x16100];
	[tilespmem:s15+$0x16120] =	vst v3;
	v1 =	vmax.f32 v1, $0.0e+00  }
0xb3: {  	v7 =	vld [tilespmem:s16+$0x16110];
	[tilespmem:s15+$0x16130] =	vst v1;
	v0 =	vmax.f32 v0, $0.0e+00  }
.Ltmp11:
0xb4: {  	v3 =	vld [tilespmem:s16+$0x16120];
	[tilespmem:s15+$0x16140] =	vst v0;
	v0 =	vmax.f32 v2, $0.0e+00;
	(pc) =	sbr.rel @p2 .LBB2_22-.Ltmp11, $4  }
0xb5: {  	v1 =	vld [tilespmem:s16+$0x16130];
	[tilespmem:s15+$0x16150] =	vst v0;
	v2 =	vmax.f32 v4, $0.0e+00  }
0xb6: {  	v0 =	vld [tilespmem:s16+$0x16140];
	[tilespmem:s15+$0x16160] =	vst v2;
	v4 =	vmax.f32 v5, $0.0e+00  }
0xb7: {  	v5 =	vmax.f32 v6, $0.0e+00;
	v2 =	vld [tilespmem:s16+$0x16150];
	[tilespmem:s15+$0x16170] =	vst v4;
	s15 =	smov.u32 s16  }
0xb8: {  	s10 =	sadd.s32 $0x200, s10;
	[tilespmem:s15+$0x16100] =	vst v5;
	v5 =	vmax.f32 v7, $0.0e+00;
	v4 =	vld [tilespmem:s15+$0x16160]  }
0xb9: {  	[tilespmem:s15+$0x16110] =	vst v5;
	v3 =	vmax.f32 v3, $0.0e+00;
	v60 =	vld [tilespmem:s15+$0x16170]  }
0xba: {  	[tilespmem:s15+$0x16120] =	vst v3;
	v1 =	vmax.f32 v1, $0.0e+00  }
0xbb: {  	[tilespmem:s15+$0x16130] =	vst v1;
	v0 =	vmax.f32 v0, $0.0e+00  }
0xbc: {  	[tilespmem:s15+$0x16140] =	vst v0;
	v61 =	vmax.f32 v2, $0.0e+00  }
0xbd: {  	s11 =	sadd.s32 $0x1, s11;
	[tilespmem:s15+$0x16150] =	vst v61;
	v62 =	vmax.f32 v4, $0.0e+00  }
0xbe: {  	s10 =	sshll.u32 s14, $0x4;
	p2 =	sne.s32 s11, $0x6;
	[tilespmem:s15+$0x16160] =	vst v62;
	v63 =	vmax.f32 v60, $0.0e+00  }
.Ltmp12:
0xbf: {  	s10 =	sadd.s32 s2, s10;
	[tilespmem:s15+$0x16170] =	vst v63;
	(pc) =	sbr.rel @p2 .LBB2_21-.Ltmp12, $4  }
0xc0: {  	[hbm4b:s10+s5] =	stream.linear.scatter [tilespmem:s24], [sflag:$0x5], $0x3400, $0x38;
	[tilespmem:$0x1E100] =	vst v63  }
0xc1: {  	_ =	swait.ge [sflag:s19], $0x3400  }
0xc2: {  	[sflag:s19] =	ssyncset.done $0x0  }
0xc3: {  	[sflag:s19] =	ssyncadd.s32 $0xFFFFCC00  }
.Ltmp13:
0xc4: {  	(pc) =	sbr.rel @p1 .LBB2_29-.Ltmp13, $1  }
0xc5: {  	_ =	sdelay $0x3  }
0xc6: {  	s10 =	rddreg [dreg:$0x6]  }
0xc7: {  	[tilespmem:s24], [sflag:$0x5] =	stream.linear.gather [spmem:s10], $0x800, $0x38;
	[tilespmem:$0x1E100] =	vst v63  }
0xc8: {  	_ =	swait.ge [sflag:s19], $0x800  }
0xc9: {  	[sflag:s19] =	ssyncset.done $0x0  }
0xca: {  	s11 =	simm.s32 $0x0;
	[sflag:s19] =	ssyncadd.s32 $0xFFFFF800  }
0xcb: {  	v2 =	vld [tilespmem:s11+$0x16100]  }
0xcc: {  	v4 =	vld [tilespmem:s11+$0x16110]  }
0xcd: {  	v3 =	vld [tilespmem:s11+$0x16120]  }
0xce: {  	v1 =	vld [tilespmem:s11+$0x16130]  }
0xcf: {  	v0 =	vld [tilespmem:s11+$0x16140]  }
0xd0: {  	v5 =	vmax.f32 v2, $0.0e+00;
	v2 =	vld [tilespmem:s11+$0x16150]  }
0xd1: {  	s10 =	simm.s32 $0x200;
	[tilespmem:s11+$0x16100] =	vst v5;
	v5 =	vmax.f32 v4, $0.0e+00;
	v4 =	vld [tilespmem:s11+$0x16160]  }
.LBB2_26:
0xd2: {  	s14 =	sshra.s32 s10, $0x2;
	p2 =	sne.s32 s10, $0x1E00;
	[tilespmem:s11+$0x16110] =	vst v5;
	v3 =	vmax.f32 v3, $0.0e+00;
	v5 =	vld [tilespmem:s11+$0x16170]  }
0xd3: {  	v6 =	vld [tilespmem:s14+$0x16100];
	[tilespmem:s11+$0x16120] =	vst v3;
	v1 =	vmax.f32 v1, $0.0e+00  }
0xd4: {  	v7 =	vld [tilespmem:s14+$0x16110];
	[tilespmem:s11+$0x16130] =	vst v1;
	v0 =	vmax.f32 v0, $0.0e+00  }
.Ltmp14:
0xd5: {  	v3 =	vld [tilespmem:s14+$0x16120];
	[tilespmem:s11+$0x16140] =	vst v0;
	v0 =	vmax.f32 v2, $0.0e+00;
	(pc) =	sbr.rel @p2 .LBB2_26-.Ltmp14, $4  }
0xd6: {  	v1 =	vld [tilespmem:s14+$0x16130];
	[tilespmem:s11+$0x16150] =	vst v0;
	v2 =	vmax.f32 v4, $0.0e+00  }
0xd7: {  	v0 =	vld [tilespmem:s14+$0x16140];
	[tilespmem:s11+$0x16160] =	vst v2;
	v4 =	vmax.f32 v5, $0.0e+00  }
0xd8: {  	v5 =	vmax.f32 v6, $0.0e+00;
	v2 =	vld [tilespmem:s14+$0x16150];
	[tilespmem:s11+$0x16170] =	vst v4;
	s11 =	smov.u32 s14  }
0xd9: {  	s10 =	sadd.s32 $0x200, s10;
	[tilespmem:s11+$0x16100] =	vst v5;
	v5 =	vmax.f32 v7, $0.0e+00;
	v4 =	vld [tilespmem:s11+$0x16160]  }
0xda: {  	[tilespmem:s11+$0x16110] =	vst v5;
	v3 =	vmax.f32 v3, $0.0e+00;
	v60 =	vld [tilespmem:s11+$0x16170]  }
0xdb: {  	[tilespmem:s11+$0x16120] =	vst v3;
	v1 =	vmax.f32 v1, $0.0e+00  }
.Ltmp15:
0xdc: {  	[tilespmem:s11+$0x16130] =	vst v1;
	v0 =	vmax.f32 v0, $0.0e+00;
	(pc) =	sbr.rel .LBB2_28-.Ltmp15, $4  }
0xdd: {  	[tilespmem:s11+$0x16140] =	vst v0;
	v61 =	vmax.f32 v2, $0.0e+00  }
0xde: {  	[tilespmem:s11+$0x16150] =	vst v61;
	v62 =	vmax.f32 v4, $0.0e+00  }
0xdf: {  	[tilespmem:s11+$0x16160] =	vst v62;
	v63 =	vmax.f32 v60, $0.0e+00  }
0xe0: {  	s10 =	smov.u32 s2;
	[tilespmem:s11+$0x16170] =	vst v63  }
.LBB2_7:
0xe1: {  	[bflag:$0x0] =	sbarrier.arrive $0xFFFF;
	s11 =	simm.s32 $0x0  }
.LBB2_8:
0xe2: {  	s10 =	smul.u32 $0x68, s11;
	_ =	sdelay $0x1  }
0xe3: {  	s14 =	sadd.s32 s8, s10  }
0xe4: {  	s10 =	sshll.u32 s14, $0x7  }
0xe5: {  	s10 =	sand.u32 $0x3FFFFF80, s10  }
0xe6: {  	s10 =	sadd.s32 s10, s4  }
0xe7: {  	[tilespmem:s24], [sflag:$0x5] =	stream.linear.gather [spmem:s10], $0x3400, $0x38;
	[tilespmem:$0x1E100] =	vst v63  }
0xe8: {  	_ =	swait.ge [sflag:s19], $0x3400  }
0xe9: {  	[sflag:s19] =	ssyncset.done $0x0  }
0xea: {  	s15 =	simm.s32 $0x0;
	[sflag:s19] =	ssyncadd.s32 $0xFFFFCC00  }
0xeb: {  	v2 =	vld [tilespmem:s15+$0x16100]  }
0xec: {  	v4 =	vld [tilespmem:s15+$0x16110]  }
0xed: {  	v3 =	vld [tilespmem:s15+$0x16120]  }
0xee: {  	v1 =	vld [tilespmem:s15+$0x16130]  }
0xef: {  	v0 =	vld [tilespmem:s15+$0x16140]  }
0xf0: {  	v5 =	vmax.f32 v2, $0.0e+00;
	v2 =	vld [tilespmem:s15+$0x16150]  }
0xf1: {  	s10 =	simm.s32 $0x200;
	[tilespmem:s15+$0x16100] =	vst v5;
	v5 =	vmax.f32 v4, $0.0e+00;
	v4 =	vld [tilespmem:s15+$0x16160]  }
.LBB2_9:
0xf2: {  	s16 =	sshra.s32 s10, $0x2;
	p2 =	sne.s32 s10, $0xCE00;
	[tilespmem:s15+$0x16110] =	vst v5;
	v3 =	vmax.f32 v3, $0.0e+00;
	v5 =	vld [tilespmem:s15+$0x16170]  }
0xf3: {  	v6 =	vld [tilespmem:s16+$0x16100];
	[tilespmem:s15+$0x16120] =	vst v3;
	v1 =	vmax.f32 v1, $0.0e+00  }
0xf4: {  	v7 =	vld [tilespmem:s16+$0x16110];
	[tilespmem:s15+$0x16130] =	vst v1;
	v0 =	vmax.f32 v0, $0.0e+00  }
.Ltmp16:
0xf5: {  	v3 =	vld [tilespmem:s16+$0x16120];
	[tilespmem:s15+$0x16140] =	vst v0;
	v0 =	vmax.f32 v2, $0.0e+00;
	(pc) =	sbr.rel @p2 .LBB2_9-.Ltmp16, $4  }
0xf6: {  	v1 =	vld [tilespmem:s16+$0x16130];
	[tilespmem:s15+$0x16150] =	vst v0;
	v2 =	vmax.f32 v4, $0.0e+00  }
0xf7: {  	v0 =	vld [tilespmem:s16+$0x16140];
	[tilespmem:s15+$0x16160] =	vst v2;
	v4 =	vmax.f32 v5, $0.0e+00  }
0xf8: {  	v5 =	vmax.f32 v6, $0.0e+00;
	v2 =	vld [tilespmem:s16+$0x16150];
	[tilespmem:s15+$0x16170] =	vst v4;
	s15 =	smov.u32 s16  }
0xf9: {  	s10 =	sadd.s32 $0x200, s10;
	[tilespmem:s15+$0x16100] =	vst v5;
	v5 =	vmax.f32 v7, $0.0e+00;
	v4 =	vld [tilespmem:s15+$0x16160]  }
0xfa: {  	[tilespmem:s15+$0x16110] =	vst v5;
	v3 =	vmax.f32 v3, $0.0e+00;
	v60 =	vld [tilespmem:s15+$0x16170]  }
0xfb: {  	[tilespmem:s15+$0x16120] =	vst v3;
	v1 =	vmax.f32 v1, $0.0e+00  }
0xfc: {  	[tilespmem:s15+$0x16130] =	vst v1;
	v0 =	vmax.f32 v0, $0.0e+00  }
0xfd: {  	[tilespmem:s15+$0x16140] =	vst v0;
	v61 =	vmax.f32 v2, $0.0e+00  }
0xfe: {  	s11 =	sadd.s32 $0x1, s11;
	[tilespmem:s15+$0x16150] =	vst v61;
	v62 =	vmax.f32 v4, $0.0e+00  }
0xff: {  	s10 =	sshll.u32 s14, $0x4;
	p2 =	sne.s32 s11, $0x6;
	[tilespmem:s15+$0x16160] =	vst v62;
	v63 =	vmax.f32 v60, $0.0e+00  }
.Ltmp17:
0x100: {  	s10 =	sadd.s32 s1, s10;
	[tilespmem:s15+$0x16170] =	vst v63;
	(pc) =	sbr.rel @p2 .LBB2_8-.Ltmp17, $4  }
0x101: {  	[hbm4b:s10+s5] =	stream.linear.scatter [tilespmem:s24], [sflag:$0x5], $0x3400, $0x38;
	[tilespmem:$0x1E100] =	vst v63  }
0x102: {  	_ =	swait.ge [sflag:s19], $0x3400  }
0x103: {  	[sflag:s19] =	ssyncset.done $0x0  }
0x104: {  	[sflag:s19] =	ssyncadd.s32 $0xFFFFCC00  }
.Ltmp18:
0x105: {  	(pc) =	sbr.rel @p1 .LBB2_29-.Ltmp18, $1  }
0x106: {  	_ =	sdelay $0x3  }
0x107: {  	s10 =	rddreg [dreg:$0x6]  }
0x108: {  	[tilespmem:s24], [sflag:$0x5] =	stream.linear.gather [spmem:s10], $0x800, $0x38;
	[tilespmem:$0x1E100] =	vst v63  }
0x109: {  	_ =	swait.ge [sflag:s19], $0x800  }
0x10a: {  	[sflag:s19] =	ssyncset.done $0x0  }
0x10b: {  	s11 =	simm.s32 $0x0;
	[sflag:s19] =	ssyncadd.s32 $0xFFFFF800  }
0x10c: {  	v2 =	vld [tilespmem:s11+$0x16100]  }
0x10d: {  	v4 =	vld [tilespmem:s11+$0x16110]  }
0x10e: {  	v3 =	vld [tilespmem:s11+$0x16120]  }
0x10f: {  	v1 =	vld [tilespmem:s11+$0x16130]  }
0x110: {  	v0 =	vld [tilespmem:s11+$0x16140]  }
0x111: {  	v5 =	vmax.f32 v2, $0.0e+00;
	v2 =	vld [tilespmem:s11+$0x16150]  }
0x112: {  	s10 =	simm.s32 $0x200;
	[tilespmem:s11+$0x16100] =	vst v5;
	v5 =	vmax.f32 v4, $0.0e+00;
	v4 =	vld [tilespmem:s11+$0x16160]  }
.LBB2_13:
0x113: {  	s14 =	sshra.s32 s10, $0x2;
	p2 =	seq.s32 s10, $0x1E00;
	[tilespmem:s11+$0x16110] =	vst v5;
	v3 =	vmax.f32 v3, $0.0e+00;
	v5 =	vld [tilespmem:s11+$0x16170]  }
0x114: {  	v6 =	vld [tilespmem:s14+$0x16100];
	[tilespmem:s11+$0x16120] =	vst v3;
	v1 =	vmax.f32 v1, $0.0e+00  }
0x115: {  	v7 =	vld [tilespmem:s14+$0x16110];
	[tilespmem:s11+$0x16130] =	vst v1;
	v0 =	vmax.f32 v0, $0.0e+00  }
.Ltmp19:
0x116: {  	v3 =	vld [tilespmem:s14+$0x16120];
	[tilespmem:s11+$0x16140] =	vst v0;
	v0 =	vmax.f32 v2, $0.0e+00;
	(pc) =	sbr.rel @!p2 .LBB2_13-.Ltmp19, $4  }
0x117: {  	v1 =	vld [tilespmem:s14+$0x16130];
	[tilespmem:s11+$0x16150] =	vst v0;
	v2 =	vmax.f32 v4, $0.0e+00  }
0x118: {  	v0 =	vld [tilespmem:s14+$0x16140];
	[tilespmem:s11+$0x16160] =	vst v2;
	v4 =	vmax.f32 v5, $0.0e+00  }
0x119: {  	v5 =	vmax.f32 v6, $0.0e+00;
	v2 =	vld [tilespmem:s14+$0x16150];
	[tilespmem:s11+$0x16170] =	vst v4;
	s11 =	smov.u32 s14  }
0x11a: {  	s10 =	sadd.s32 $0x200, s10;
	[tilespmem:s11+$0x16100] =	vst v5;
	v5 =	vmax.f32 v7, $0.0e+00;
	v4 =	vld [tilespmem:s11+$0x16160]  }
0x11b: {  	[tilespmem:s11+$0x16110] =	vst v5;
	v3 =	vmax.f32 v3, $0.0e+00;
	v60 =	vld [tilespmem:s11+$0x16170]  }
0x11c: {  	[tilespmem:s11+$0x16120] =	vst v3;
	v1 =	vmax.f32 v1, $0.0e+00  }
.Ltmp20:
0x11d: {  	[tilespmem:s11+$0x16130] =	vst v1;
	v0 =	vmax.f32 v0, $0.0e+00;
	(pc) =	sbr.rel .LBB2_28-.Ltmp20, $4  }
0x11e: {  	[tilespmem:s11+$0x16140] =	vst v0;
	v61 =	vmax.f32 v2, $0.0e+00  }
0x11f: {  	[tilespmem:s11+$0x16150] =	vst v61;
	v62 =	vmax.f32 v4, $0.0e+00  }
0x120: {  	[tilespmem:s11+$0x16160] =	vst v62;
	v63 =	vmax.f32 v60, $0.0e+00  }
0x121: {  	s10 =	smov.u32 s1;
	[tilespmem:s11+$0x16170] =	vst v63  }
.LBB2_30:
0x122: {  	_ =	sfence.sel $0x180000  }
0x123: {  	[bflag:$0x0] =	sbarrier.arrive $0xFFFF  }
0x124: {  	_ =	strace $0x90000047  }
0x125: {  	s0 =	stileid.u32;
	[bflag:$0x2] =	sbarrier.arrive $0xFFFF  }
0x126: {  	p0 =	sne.s32 s0, $0x0;
	s0 =	rddreg [dreg:$0x4]  }
0x127: {  	s0 =	sadd.s32 @!p0 $0x100000, s0  }
0x128: {  	[sflag:s0] =	ssyncadd.tile.s32 @!p0 $0x1;
	_ =	shalt  }
.Lfunc_end2:
_tile_overlayer_lowered:
.L_overlay_start_2:
0x129: {  	(tag) =	ssettag $0x2  }
0x12a: {  	s0 =	rddreg [dreg:$0x0];
	s2 =	stileid.u32  }
0x12b: {  	s1 =	rddreg [dreg:$0x1];
	p0 =	sne.s32 s2, $0x0  }
0x12c: {  	s3 =	rddreg [dreg:$0x2];
	[bflag:$0x3] =	sbarrier.arrive $0xFFFF;
	s2 =	simm.s32 @!p0 $0x1C05  }
0x12d: {  	[timem:s3], [sflag:s2] =	dma.local @!p0 [hbm:s0], s1  }
0x12e: {  	s0 =	simm.s32 @!p0 $0x5  }
0x12f: {  	_ =	swait.ge @!p0 [sflag:s0], s1  }
0x130: {  	s1 =	ssub.s32 @!p0 $0x0, s1;
	[sflag:s0] =	ssyncset.done @!p0 $0x0  }
0x131: {  	[sflag:s0] =	ssyncadd.s32 @!p0 s1  }
0x132: {  	[bflag:$0x3] =	sbarrier.arrive $0xFFFF  }
0x133: {  	_ =	shalt  }

// kernel: kernel.9.cloned.1.call-start
scs
__scs_entry_jumppad:
0x0: {  	(pc) =	sbr.rel $0x88, $3  }
0x1: {  	(tag) =	ssettag $0x0;
	lr =	simm.s32 $0x1  }
0x2: {  	[smem:$0x3F96] =	sst lr;
	_ =	strace $0xD0000000  }
0x3: {  	_ = 	snop  }
0x4: {  	_ = 	snop  }
0x5: {  	_ = 	snop  }
0x6: {  	_ = 	snop  }
0x7: {  	_ = 	snop  }
__scs_overlays_trampoline_lowered:
0x8: {  	[smem:$0x3FA5] =	sst s0  }
0x9: {  	[smem:$0x3FA6] =	sst s1  }
0xa: {  	[smem:$0x3FA7] =	sst s2  }
0xb: {  	[smem:$0x3FA8] =	sst s3  }
0xc: {  	[smem:$0x3FA9] =	sst s4  }
0xd: {  	[smem:$0x3FAA] =	sst s5  }
0xe: {  	[smem:$0x3FAB] =	sst s6  }
0xf: {  	[smem:$0x3FAC] =	sst s7  }
0x10: {  	[smem:$0x3FAD] =	sst s8  }
0x11: {  	[smem:$0x3FAE] =	sst s9;
	s0 =	simm.s32 @!p0 $0x0  }
0x12: {  	s1 =	sld [smem:$0x3F94];
	s0 =	simm.s32 @p0 $0x1  }
0x13: {  	[smem:$0x3FAF] =	sst s0;
	s0 =	simm.s32 @!p1 $0x0  }
0x14: {  	s2 =	sld [smem:$0x3F93];
	s0 =	simm.s32 @p1 $0x1  }
0x15: {  	[smem:$0x3FB0] =	sst s0;
	s0 =	simm.s32 @!p2 $0x0  }
0x16: {  	s3 =	sld [smem:$0x3FDB];
	s0 =	simm.s32 @p2 $0x1  }
0x17: {  	s4 =	simm.s32 $0x1BF5;
	[smem:$0x3FB2] =	sst s0  }
0x18: {  	s0 =	sld [smem:$0x3F95];
	_ =	swait.ge [sflag:s4], $0x0  }
0x19: {  	s7 =	sld [smem:$0x3F96]  }
0x1a: {  	s8 =	sadd.s32 $0xFFFFE003, lr  }
0x1b: {  	s9 =	sadd.s32 $0xFFFFFEF7, lr;
	s5 =	simm.s32 $0xFFFFFFFF;
	p2 =	slt.u32 s8, $0xFFFFF086  }
0x1c: {  	p1 =	slt.u32 s9, $0xF7A;
	s5 =	simm.s32 @!p2 $0x0  }
0x1d: {  	s5 =	simm.s32 @p1 $0x1;
	p0 =	seq.s32 s7, s2  }
0x1e: {  	s7 =	smul.u32 @!p0 $0xF7A, s2;
	p2 =	seq.s32 @!p0 s5, $0x0  }
0x1f: {  	s9 =	smul.u32 $0xF7A, s1;
	s8 =	simm.s32 @!p0 $0x1BF5;
	p2 =	por !p2, p0  }
0x20: {  	[sflag:s8] =	ssyncset.s32 @!p0 $0xFFFFF086;
	s6 =	sadd.s32 @!p0 s3, s7;
	s7 =	simm.s32 @!p0 $0x108  }
0x21: {  	s3 =	sadd.s32 s3, s9;
	s6 =	sadd.s32 @!p0 $0x88, s6;
	s7 =	simm.s32 @p2 $0x1082  }
0x22: {  	[simem:s7], [sflag:s8] =	dma.local @!p0 [hbm:s6], $0xF7A  }
0x23: {  	s9 =	sor.u32 $0xD0000000, s2;
	s6 =	simm.s32 $0x108;
	_ =	swait.ge @!p0 [sflag:s8], $0x0  }
0x24: {  	s3 =	sadd.s32 $0x88, s3;
	s6 =	simm.s32 @!p1 $0x1082;
	[sflag:s4] =	ssyncset.s32 $0xFFFFF086  }
0x25: {  	[simem:s6], [sflag:s4] =	dma.local [hbm:s3], $0xF7A  }
0x26: {  	[smem:$0x3F96] =	sst s1;
	(tag) =	ssettag s2;
	_ =	strace s9  }
0x27: {  	s1 =	sld [smem:$0x3FA6]  }
0x28: {  	s2 =	sld [smem:$0x3FA7]  }
0x29: {  	s4 =	sld [smem:$0x3FA9]  }
0x2a: {  	p0 =	seq.s32 s5, $0x0;
	s5 =	sld [smem:$0x3FAA]  }
0x2b: {  	s6 =	sld [smem:$0x3FAB]  }
0x2c: {  	s7 =	sld [smem:$0x3FAC]  }
0x2d: {  	s3 =	simm.s32 $0x108;
	s8 =	sld [smem:$0x3FAD]  }
0x2e: {  	s3 =	simm.s32 @!p0 $0x1082;
	s9 =	sld [smem:$0x3FAE]  }
0x2f: {  	lr =	sadd.s32 s0, s3;
	s0 =	sld [smem:$0x3FA5]  }
0x30: {  	s3 =	sld [smem:$0x3FA8]  }
0x31: {  	[smem:$0x3FB1] =	sst s10  }
0x32: {  	s10 =	sld [smem:$0x3FAF];
	_ =	sdelay $0x3  }
0x33: {  	p0 =	seq.s32 s10, $0x1;
	s10 =	sld [smem:$0x3FB1];
	_ =	sdelay $0x3  }
0x34: {  	[smem:$0x3FB1] =	sst s10  }
0x35: {  	s10 =	sld [smem:$0x3FB0];
	_ =	sdelay $0x3  }
0x36: {  	p1 =	seq.s32 s10, $0x1;
	s10 =	sld [smem:$0x3FB1];
	_ =	sdelay $0x3  }
0x37: {  	[smem:$0x3FB1] =	sst s10  }
0x38: {  	s10 =	sld [smem:$0x3FB2]  }
0x39: {  	_ = 	snop;
	(pc) =	sbr.ind lr, $3  }
0x3a: {  	_ = 	snop  }
0x3b: {  	_ = 	snop  }
0x3c: {  	p2 =	seq.s32 s10, $0x1;
	s10 =	sld [smem:$0x3FB1]  }
0x3d: {  	_ =	shalt  }
0x3e: {  	_ =	shalt  }
0x3f: {  	_ =	shalt  }
0x40: {  	_ =	shalt  }
0x41: {  	_ =	shalt  }
0x42: {  	_ =	shalt  }
0x43: {  	_ =	shalt  }
0x44: {  	_ =	shalt  }
0x45: {  	_ =	shalt  }
0x46: {  	_ =	shalt  }
0x47: {  	_ =	shalt  }
0x48: {  	_ =	shalt  }
0x49: {  	_ =	shalt  }
0x4a: {  	_ =	shalt  }
0x4b: {  	_ =	shalt  }
0x4c: {  	_ =	shalt  }
0x4d: {  	_ =	shalt  }
0x4e: {  	_ =	shalt  }
0x4f: {  	_ =	shalt  }
0x50: {  	_ =	shalt  }
0x51: {  	_ =	shalt  }
0x52: {  	_ =	shalt  }
0x53: {  	_ =	shalt  }
0x54: {  	_ =	shalt  }
0x55: {  	_ =	shalt  }
0x56: {  	_ =	shalt  }
0x57: {  	_ =	shalt  }
0x58: {  	_ =	shalt  }
0x59: {  	_ =	shalt  }
0x5a: {  	_ =	shalt  }
0x5b: {  	_ =	shalt  }
0x5c: {  	_ =	shalt  }
0x5d: {  	_ =	shalt  }
0x5e: {  	_ =	shalt  }
0x5f: {  	_ =	shalt  }
0x60: {  	_ =	shalt  }
0x61: {  	_ =	shalt  }
0x62: {  	_ =	shalt  }
0x63: {  	_ =	shalt  }
0x64: {  	_ =	shalt  }
0x65: {  	_ =	shalt  }
0x66: {  	_ =	shalt  }
0x67: {  	_ =	shalt  }
0x68: {  	_ =	shalt  }
0x69: {  	_ =	shalt  }
0x6a: {  	_ =	shalt  }
0x6b: {  	_ =	shalt  }
0x6c: {  	_ =	shalt  }
0x6d: {  	_ =	shalt  }
0x6e: {  	_ =	shalt  }
0x6f: {  	_ =	shalt  }
0x70: {  	_ =	shalt  }
0x71: {  	_ =	shalt  }
0x72: {  	_ =	shalt  }
0x73: {  	_ =	shalt  }
0x74: {  	_ =	shalt  }
0x75: {  	_ =	shalt  }
0x76: {  	_ =	shalt  }
0x77: {  	_ =	shalt  }
0x78: {  	_ =	shalt  }
0x79: {  	_ =	shalt  }
0x7a: {  	_ =	shalt  }
0x7b: {  	_ =	shalt  }
0x7c: {  	_ =	shalt  }
0x7d: {  	_ =	shalt  }
0x7e: {  	_ =	shalt  }
0x7f: {  	_ =	shalt  }
0x80: {  	_ =	shalt  }
0x81: {  	_ =	shalt  }
0x82: {  	_ =	shalt  }
0x83: {  	_ =	shalt  }
0x84: {  	_ =	shalt  }
0x85: {  	_ =	shalt  }
0x86: {  	_ =	shalt  }
0x87: {  	_ =	shalt  }
.Lfunc_end0:
.L_simem_size_0:
called_computation.1_lowered:
.L_overlay_start_0:
0x88: {  	s2 =	sld [smem:$0x3FD9]  }
0x89: {  	s3 =	sld [smem:$0x3FFE];
	_ =	sdelay $0x1  }
0x8a: {  	s1 =	srdreg.scid  }
0x8b: {  	s0 =	sand.u32 $0x1, s1  }
0x8c: {  	s14 =	sshll.u32 s0, $0xA;
	s2 =	sadd.s32 s3, s2  }
0x8d: {  	s2 =	sadd.s32 s2, s14  }
0x8e: {  	[smem:$0x3FBD] =	sst s2  }
0x8f: {  	_ = 	snop  }
0x90: {  	s2 =	sld [smem:$0x3FD0];
	_ =	sdelay $0x2  }
0x91: {  	s15 =	simm.s32 $0xA;
	s4 =	simm.s32 $0x10  }
0x92: {  	[smem:s4], [sflag:s15] =	dma.local [hbm:s2], $0x1  }
0x93: {  	_ =	swait.eq [sflag:s15], $0x1  }
0x94: {  	[sflag:s15] =	ssyncset.done $0x0  }
0x95: {  	s16 =	sld [smem:$0x10];
	[sflag:s15] =	ssyncadd.s32 $0xFFFFFFFF  }
0x96: {  	s17 =	sld [smem:$0x11];
	(tm) =	ssettm $0x1  }
0x97: {  	s18 =	sld [smem:$0x3FFB];
	_ =	sdelay $0x3  }
0x98: {  	_ =	strace s18  }
0x99: {  	s4 =	sld [smem:$0x3FFC];
	_ =	sdelay $0x3  }
0x9a: {  	_ =	strace s4  }
0x9b: {  	s4 =	sld [smem:$0x3FFD];
	_ =	sdelay $0x3  }
0x9c: {  	_ =	strace s4  }
0x9d: {  	_ =	strace $0x8FFFFFFF  }
0x9e: {  	s19 =	sld [smem:$0x3FDB];
	_ =	sdelay $0x1  }
0x9f: {  	s5 =	simm.s32 $_scs_section_size  }
0xa0: {  	s6 =	simm.s32 $_size__tile_overlayer_lowered;
	s7 =	simm.s32 $_tile_overlayer_lowered  }
0xa1: {  	s22 =	simm.s32 $0x1BFF;
	s21 =	sshll.u32 s7, $0x1;
	s4 =	sadd.s32 s5, s19  }
0xa2: {  	s8 =	simm.s32 $0x0;
	s20 =	sshll.u32 s6, $0x1;
	s6 =	sadd.s32 s21, s4  }
0xa3: {  	[timem:s8], [sflag:s22] =	dma.local [hbm:s6], s20  }
0xa4: {  	_ =	swait.ge [sflag:s22], s20  }
0xa5: {  	s5 =	ssub.s32 $0x0, s20;
	[sflag:s22] =	ssyncset.done $0x0  }
0xa6: {  	[sflag:s22] =	ssyncadd.s32 s5;
	_ =	sdelay $0x1  }
0xa7: {  	s23 =	simm.s32 $0x1B8B  }
0xa8: {  	_ =	swait.ge [sflag:s23], $0x1  }
0xa9: {  	[sflag:s23] =	ssyncset.done $0x0  }
0xaa: {  	s25 =	simm.s32 $0x1B8E;
	s24 =	sld [smem:$0x3FFE];
	[sflag:s23] =	ssyncadd.s32 $0xFFFFFFFF  }
0xab: {  	s26 =	simm.s32 $execute0_lowered;
	[smem:$0x3FD2] =	sst s25  }
0xac: {  	s6 =	sshll.u32 s26, $0x1;
	_ =	strace $0x80000049;
	[dreg:$0x1] =	wrdreg $0xFFFFFFFF  }
0xad: {  	s28 =	simm.s32 $_size_execute0_lowered;
	s4 =	sadd.s32 s4, s6;
	[dreg:$0x0] =	wrdreg $0x0  }
0xae: {  	s6 =	sshll.u32 s28, $0x1;
	[dreg:$0x2] =	wrdreg s4  }
0xaf: {  	[dreg:$0x3] =	wrdreg s6  }
0xb0: {  	[dreg:$0x4] =	wrdreg $0xC0  }
0xb1: {  	_ =	task [dreg:s8], $0x5FFFF  }
0xb2: {  	[dreg:$0x1] =	wrdreg $0xFFFFFFFF  }
0xb3: {  	[dreg:$0x0] =	wrdreg $0x60  }
0xb4: {  	[dreg:$0x2] =	wrdreg s24  }
0xb5: {  	[dreg:$0x3] =	wrdreg s16  }
0xb6: {  	[dreg:$0x4] =	wrdreg s17  }
0xb7: {  	[dreg:$0x5] =	wrdreg $0x0  }
0xb8: {  	[dreg:$0x6] =	wrdreg $0x9  }
0xb9: {  	_ =	task.clear_ibuf [dreg:s8], $0x7FFFF;
	_ =	strace $0x90000049  }
0xba: {  	s29 =	simm.s32 $0x9;
	_ =	strace $0x8000004B  }
0xbb: {  	_ =	swait.ge [sflag:s29], $0x1  }
0xbc: {  	[sflag:s29] =	ssyncadd.s32 $0xFFFFFFFF  }
0xbd: {  	_ =	strace $0x9000004B  }
0xbe: {  	_ =	sfence  }
0xbf: {  	s30 =	sld [smem:$0x0];
	_ =	sdelay $0x2  }
0xc0: {  	s31 =	sshll.u32 s1, $0xD;
	s1 =	sshrl.u32 s1, $0x2  }
0xc1: {  	s3 =	sand.u32 $0x4000, s31;
	s1 =	sadd.s32 s1, s30  }
0xc2: {  	s0 =	sor.u32 s3, s0;
	s1 =	sshll.u32 s1, $0x11  }
0xc3: {  	s0 =	sor.u32 s1, s0  }
0xc4: {  	s0 =	sadd.s32 $0x8F2B, s0  }
0xc5: {  	[sflag:s0] =	ssyncadd.remote.s32 $0x1  }
0xc6: {  	_ =	sfence.sel $0xFFFF  }
0xc7: {  	[dreg:$0x0] =	wrdreg $0xFFFFFFFF;
	(pc) =	sbr.abs _section_cstart, $3  }
0xc8: {  	[dreg:$0x1] =	wrdreg $0xFFFFFFFF  }
0xc9: {  	_ =	task.clear_ibuf [dreg:s8], $0x2FFFF;
	_ =	strace $0x9FFFFFFF  }
0xca: {  	(tm) =	ssettm $0x7FFFFFFF  }
0xcb: {  	_ =	shalt  }
tec
execute0_lowered:
.L_overlay_start_1:
0x0: {  	(tag) =	ssettag $0x1  }
0x1: {  	s0 =	rddreg [dreg:$0x0]  }
0x2: {  	s1 =	rddreg [dreg:$0x1]  }
0x3: {  	s2 =	rddreg [dreg:$0x2]  }
0x4: {  	s4 =	rddreg [dreg:$0x3]  }
0x5: {  	s5 =	simm.s32 $0x0;
	s15 =	stileid.u32;
	s6 =	srdreg.scid  }
0x6: {  	s19 =	simm.s32 $0x5;
	s28 =	simm.s32 $0x1A100;
	s29 =	simm.s32 $0x2  }
0x7: {  	s30 =	simm.s32 $0x14D80;
	s31 =	simm.s32 $0x3;
	s3 =	smul.u32 $0xA00, s15  }
0x8: {  	[smem:$0x7FF] =	sst s5;
	s8 =	smul.u32 $0x2700, s15;
	s9 =	sand.u32 $0x1, s6  }
0x9: {  	s6 =	sadd.s32 $0x16600, s0;
	s11 =	smul.u32 $0x4E000, s15;
	s7 =	sadd.s32 $0x3E600, s0  }
0xa: {  	s23 =	sadd.s32 $0x8D600, s0;
	s26 =	sshll.u32 s15, $0x6;
	p1 =	sne.s32 s15, $0xF  }
0xb: {  	_ =	strace $0x8000004A;
	s10 =	ssub.s32 $0x2, s9;
	p0 =	seq.s32 s9, $0x1  }
0xc: {  	[dreg:$0x7] =	wrdreg s23;
	s17 =	sor.u32 $0x1C05, s26;
	s23 =	simm.s32 $0x80  }
0xd: {  	s26 =	simm.s32 $0x13980;
	s9 =	simm.s32 $0x0;
	s3 =	sadd.s32 s3, s0  }
0xe: {  	s12 =	sshrl.u32 s10, $0x1;
	s14 =	sadd.s32 s8, s0;
	s11 =	sshrl.u32 s11, $0x2  }
0xf: {  	s8 =	smul.u32 $0x270, s15;
	s0 =	sadd.s32 $0xB5600, s0;
	s10 =	ssub.s32 s10, s12  }
0x10: {  	s21 =	sadd.s32 s11, s4;
	s22 =	sadd.s32 $0x66600, s14;
	s11 =	sadd.s32 $0x138000, s4  }
0x11: {  	s12 =	sadd.s32 $0x2600, s3;
	s13 =	sadd.s32 $0xC600, s3;
	[dreg:$0x9] =	wrdreg s0  }
.Ltmp0:
0x12: {  	s24 =	sadd.s32 $0x8E600, s14;
	[dreg:$0x5] =	wrdreg s22;
	(pc) =	sbr.rel .LBB2_1-.Ltmp0, $4  }
0x13: {  	s0 =	simm.s32 $0x13A00;
	s3 =	simm.s32 $0x4;
	[dreg:$0x8] =	wrdreg s24  }
0x14: {  	s25 =	smax.u32 s10, $0x1;
	s18 =	sshrl.u32 s21, $0x3;
	[dreg:$0x6] =	wrdreg s11  }
0x15: {  	s20 =	sshrl.u32 @!p1 s11, $0x3;
	s21 =	simm.s32 $0x13900;
	s22 =	simm.s32 $0x14D00  }
0x16: {  	s24 =	simm.s32 $0x16100;
	[dreg:$0xa] =	wrdreg s25;
	s25 =	simm.s32 $0x1  }
.LBB2_28:
0x17: {  	s10 =	sadd.s32 $0x27000, s10  }
0x18: {  	[hbm4b:s10+s5] =	stream.linear.scatter [tilespmem:s24], [sflag:$0x5], $0x800, $0x38;
	[tilespmem:$0x1E100] =	vst v63  }
0x19: {  	_ =	swait.ge [sflag:s19], $0x800  }
0x1a: {  	[sflag:s19] =	ssyncset.done $0x0  }
0x1b: {  	[sflag:s19] =	ssyncadd.s32 $0xFFFFF800  }
.LBB2_29:
0x1c: {  	s9 =	sadd.s32 $0x1, s9;
	s10 =	rddreg [dreg:$0xa]  }
0x1d: {  	p2 =	sne.s32 s9, s10  }
.Ltmp1:
0x1e: {  	_ = 	snop;
	(pc) =	sbr.rel @!p2 .LBB2_30-.Ltmp1, $1  }
0x1f: {  	_ =	sdelay $0x3  }
.LBB2_1:
.Ltmp2:
0x20: {  	(pc) =	sbr.rel @!p0 .LBB2_2-.Ltmp2, $1  }
0x21: {  	_ =	sdelay $0x3  }
0x22: {  	s10 =	rddreg [dreg:$0x8]  }
0x23: {  	[spmem:s18], [sflag:s17] =	dma.local [hbm:s10], $0x2700  }
0x24: {  	_ =	swait.ge [sflag:s19], $0x2700  }
0x25: {  	[sflag:s19] =	ssyncset.done $0x0  }
0x26: {  	s10 =	rddreg [dreg:$0x9];
	[sflag:s19] =	ssyncadd.s32 $0xFFFFD900  }
0x27: {  	[spmem:s20], [sflag:s17] =	dma.local @!p1 [hbm:s10], $0x100  }
0x28: {  	s10 =	simm.s32 @!p1 $0x5  }
.Ltmp3:
0x29: {  	_ =	swait.ge @!p1 [sflag:s10], $0x100;
	(pc) =	sbr.rel .LBB2_16-.Ltmp3, $4  }
0x2a: {  	[sflag:s10] =	ssyncset.done @!p1 $0x0  }
0x2b: {  	[sflag:s10] =	ssyncadd.s32 @!p1 $0xFFFFFF00  }
0x2c: {  	[bflag:$0x0] =	sbarrier.arrive $0xFFFF  }
0x2d: {  	s11 =	simm.s32 $0x0  }
.LBB2_19:
0x2e: {  	s11 =	sadd.s32 $0x1, s11  }
0x2f: {  	p2 =	sne.s32 s11, $0x4  }
.Ltmp4:
0x30: {  	_ = 	snop;
	(pc) =	sbr.rel @!p2 .LBB2_20-.Ltmp4, $4  }
0x31: {  	_ = 	snop  }
0x32: {  	_ =	swait.ge [sflag:s3], $0x4000  }
0x33: {  	[sflag:s3] =	ssyncset.done $0x0  }
0x34: {  	[sflag:s3] =	ssyncadd.s32 $0xFFFFC000  }
.LBB2_16:
0x35: {  	s10 =	smul.u32 $0x280, s11;
	_ =	sdelay $0x1  }
0x36: {  	s14 =	sadd.s32 s10, s13  }
0x37: {  	[tilespmem:s21], [sflag:$0x5] =	stream.linear.gather [hbm4b:s14+s5], $0x1400, $0x38;
	[tilespmem:$0x1E100] =	vst v63  }
0x38: {  	_ =	swait.ge [sflag:s19], $0x1400  }
0x39: {  	[sflag:s19] =	ssyncset.done $0x0  }
0x3a: {  	s10 =	sadd.s32 s10, s12;
	[sflag:s19] =	ssyncadd.s32 $0xFFFFEC00  }
0x3b: {  	[tilespmem:s22], [sflag:$0x5] =	stream.linear.gather [hbm4b:s10+s5], $0x1400, $0x38;
	[tilespmem:$0x1E100] =	vst v63  }
0x3c: {  	_ =	swait.ge [sflag:s19], $0x1400  }
0x3d: {  	[sflag:s19] =	ssyncset.done $0x0  }
0x3e: {  	[sflag:s19] =	ssyncadd.s32 $0xFFFFEC00  }
0x3f: {  	[tilespmem:s24], [sflag:$0x1] =	stream.indirect.gather [hbm4b:s7+s23], $0x80, s21, s23, $0xb8;
	[tilespmem:$0x1E100] =	vst v63  }
0x40: {  	_ =	swait.ge [sflag:s25], $0x4000  }
0x41: {  	[sflag:s25] =	ssyncset.done $0x0  }
0x42: {  	[sflag:s25] =	ssyncadd.s32 $0xFFFFC000  }
0x43: {  	[spmem:s4] =	stream.indirect.scatter.add.f32 [tilespmem:s24], [sflag:$0x3], $0x80, s22, s23, $0xb8;
	[tilespmem:$0x1E100] =	vst v63  }
0x44: {  	_ = 	snop  }
0x45: {  	[tilespmem:s28], [sflag:$0x2] =	stream.indirect.gather [hbm4b:s7+s23], $0x80, s26, s23, $0xb8;
	[tilespmem:$0x1E100] =	vst v63  }
0x46: {  	_ =	swait.ge [sflag:s29], $0x4000  }
0x47: {  	[sflag:s29] =	ssyncset.done $0x0  }
0x48: {  	[sflag:s29] =	ssyncadd.s32 $0xFFFFC000  }
0x49: {  	[spmem:s4] =	stream.indirect.scatter.add.f32 [tilespmem:s28], [sflag:$0x4], $0x80, s30, s23, $0xb8;
	[tilespmem:$0x1E100] =	vst v63  }
0x4a: {  	_ =	swait.ge [sflag:s31], $0x4000  }
0x4b: {  	[sflag:s31] =	ssyncset.done $0x0  }
0x4c: {  	s10 =	simm.s32 $0xFFFFB800;
	[sflag:s31] =	ssyncadd.s32 $0xFFFFC000  }
0x4d: {  	[tilespmem:s24], [sflag:$0x1] =	stream.indirect.gather [hbm4b:s7+s23], $0x80, s0, s23, $0xb8;
	[tilespmem:$0x1E100] =	vst v63  }
.LBB2_17:
0x4e: {  	_ =	swait.ge [sflag:s25], $0x4000  }
0x4f: {  	s14 =	sshra.s32 s10, $0x2;
	[sflag:s25] =	ssyncset.done $0x0  }
0x50: {  	s15 =	sadd.s32 $0x16000, s14;
	[sflag:s25] =	ssyncadd.s32 $0xFFFFC000  }
0x51: {  	[spmem:s4] =	stream.indirect.scatter.add.f32 [tilespmem:s24], [sflag:$0x3], $0x80, s15, s23, $0xb8;
	[tilespmem:$0x1E100] =	vst v63  }
0x52: {  	_ =	swait.ge [sflag:s3], $0x4000  }
0x53: {  	[sflag:s3] =	ssyncset.done $0x0  }
0x54: {  	s16 =	sadd.s32 $0x14C80, s14;
	[sflag:s3] =	ssyncadd.s32 $0xFFFFC000  }
0x55: {  	[tilespmem:s28], [sflag:$0x2] =	stream.indirect.gather [hbm4b:s7+s23], $0x80, s16, s23, $0xb8;
	[tilespmem:$0x1E100] =	vst v63  }
0x56: {  	_ =	swait.ge [sflag:s29], $0x4000  }
0x57: {  	p2 =	seq.s32 s10, $0x0;
	[sflag:s29] =	ssyncset.done $0x0  }
.Ltmp5:
0x58: {  	s16 =	sadd.s32 $0x16080, s14;
	[sflag:s29] =	ssyncadd.s32 $0xFFFFC000;
	(pc) =	sbr.rel @p2 .LBB2_19-.Ltmp5, $4  }
0x59: {  	[spmem:s4] =	stream.indirect.scatter.add.f32 [tilespmem:s28], [sflag:$0x4], $0x80, s16, s23, $0xb8;
	[tilespmem:$0x1E100] =	vst v63  }
0x5a: {  	_ =	swait.ge [sflag:s31], $0x4000  }
0x5b: {  	[sflag:s31] =	ssyncset.done $0x0  }
0x5c: {  	[sflag:s31] =	ssyncadd.s32 $0xFFFFC000  }
.Ltmp6:
0x5d: {  	(pc) =	sbr.rel .LBB2_17-.Ltmp6, $3  }
0x5e: {  	_ =	sdelay $0x1  }
0x5f: {  	s14 =	sadd.s32 $0x14D00, s14;
	s10 =	sadd.s32 $0x400, s10  }
0x60: {  	[tilespmem:s24], [sflag:$0x1] =	stream.indirect.gather [hbm4b:s7+s23], $0x80, s14, s23, $0xb8;
	[tilespmem:$0x1E100] =	vst v63  }
.LBB2_2:
0x61: {  	s10 =	rddreg [dreg:$0x5]  }
0x62: {  	[spmem:s18], [sflag:s17] =	dma.local [hbm:s10], $0x2700  }
0x63: {  	_ =	swait.ge [sflag:s19], $0x2700  }
0x64: {  	[sflag:s19] =	ssyncset.done $0x0  }
0x65: {  	s10 =	rddreg [dreg:$0x7];
	[sflag:s19] =	ssyncadd.s32 $0xFFFFD900  }
0x66: {  	[spmem:s20], [sflag:s17] =	dma.local @!p1 [hbm:s10], $0x100  }
0x67: {  	s10 =	simm.s32 @!p1 $0x5  }
.Ltmp7:
0x68: {  	_ =	swait.ge @!p1 [sflag:s10], $0x100;
	(pc) =	sbr.rel .LBB2_3-.Ltmp7, $4  }
0x69: {  	[sflag:s10] =	ssyncset.done @!p1 $0x0  }
0x6a: {  	[sflag:s10] =	ssyncadd.s32 @!p1 $0xFFFFFF00  }
0x6b: {  	[bflag:$0x0] =	sbarrier.arrive $0xFFFF  }
0x6c: {  	s11 =	simm.s32 $0x0  }
.LBB2_6:
0x6d: {  	s11 =	sadd.s32 $0x1, s11  }
0x6e: {  	p2 =	sne.s32 s11, $0x4  }
.Ltmp8:
0x6f: {  	_ = 	snop;
	(pc) =	sbr.rel @!p2 .LBB2_7-.Ltmp8, $4  }
0x70: {  	_ = 	snop  }
0x71: {  	_ =	swait.ge [sflag:s3], $0x4000  }
0x72: {  	[sflag:s3] =	ssyncset.done $0x0  }
0x73: {  	[sflag:s3] =	ssyncadd.s32 $0xFFFFC000  }
.LBB2_3:
0x74: {  	s10 =	smul.u32 $0x280, s11;
	_ =	sdelay $0x1  }
0x75: {  	s14 =	sadd.s32 s10, s12  }
0x76: {  	[tilespmem:s21], [sflag:$0x5] =	stream.linear.gather [hbm4b:s14+s5], $0x1400, $0x38;
	[tilespmem:$0x1E100] =	vst v63  }
0x77: {  	_ =	swait.ge [sflag:s19], $0x1400  }
0x78: {  	[sflag:s19] =	ssyncset.done $0x0  }
0x79: {  	s10 =	sadd.s32 s10, s13;
	[sflag:s19] =	ssyncadd.s32 $0xFFFFEC00  }
0x7a: {  	[tilespmem:s22], [sflag:$0x5] =	stream.linear.gather [hbm4b:s10+s5], $0x1400, $0x38;
	[tilespmem:$0x1E100] =	vst v63  }
0x7b: {  	_ =	swait.ge [sflag:s19], $0x1400  }
0x7c: {  	[sflag:s19] =	ssyncset.done $0x0  }
0x7d: {  	[sflag:s19] =	ssyncadd.s32 $0xFFFFEC00  }
0x7e: {  	[tilespmem:s24], [sflag:$0x1] =	stream.indirect.gather [hbm4b:s6+s23], $0x80, s21, s23, $0xb8;
	[tilespmem:$0x1E100] =	vst v63  }
0x7f: {  	_ =	swait.ge [sflag:s25], $0x4000  }
0x80: {  	[sflag:s25] =	ssyncset.done $0x0  }
0x81: {  	[sflag:s25] =	ssyncadd.s32 $0xFFFFC000  }
0x82: {  	[spmem:s4] =	stream.indirect.scatter.add.f32 [tilespmem:s24], [sflag:$0x3], $0x80, s22, s23, $0xb8;
	[tilespmem:$0x1E100] =	vst v63  }
0x83: {  	_ = 	snop  }
0x84: {  	[tilespmem:s28], [sflag:$0x2] =	stream.indirect.gather [hbm4b:s6+s23], $0x80, s26, s23, $0xb8;
	[tilespmem:$0x1E100] =	vst v63  }
0x85: {  	_ =	swait.ge [sflag:s29], $0x4000  }
0x86: {  	[sflag:s29] =	ssyncset.done $0x0  }
0x87: {  	[sflag:s29] =	ssyncadd.s32 $0xFFFFC000  }
0x88: {  	[spmem:s4] =	stream.indirect.scatter.add.f32 [tilespmem:s28], [sflag:$0x4], $0x80, s30, s23, $0xb8;
	[tilespmem:$0x1E100] =	vst v63  }
0x89: {  	_ =	swait.ge [sflag:s31], $0x4000  }
0x8a: {  	[sflag:s31] =	ssyncset.done $0x0  }
0x8b: {  	s10 =	simm.s32 $0xFFFFB800;
	[sflag:s31] =	ssyncadd.s32 $0xFFFFC000  }
0x8c: {  	[tilespmem:s24], [sflag:$0x1] =	stream.indirect.gather [hbm4b:s6+s23], $0x80, s0, s23, $0xb8;
	[tilespmem:$0x1E100] =	vst v63  }
.LBB2_4:
0x8d: {  	_ =	swait.ge [sflag:s25], $0x4000  }
0x8e: {  	s14 =	sshra.s32 s10, $0x2;
	[sflag:s25] =	ssyncset.done $0x0  }
0x8f: {  	s15 =	sadd.s32 $0x16000, s14;
	[sflag:s25] =	ssyncadd.s32 $0xFFFFC000  }
0x90: {  	[spmem:s4] =	stream.indirect.scatter.add.f32 [tilespmem:s24], [sflag:$0x3], $0x80, s15, s23, $0xb8;
	[tilespmem:$0x1E100] =	vst v63  }
0x91: {  	_ =	swait.ge [sflag:s3], $0x4000  }
0x92: {  	[sflag:s3] =	ssyncset.done $0x0  }
0x93: {  	s16 =	sadd.s32 $0x14C80, s14;
	[sflag:s3] =	ssyncadd.s32 $0xFFFFC000  }
0x94: {  	[tilespmem:s28], [sflag:$0x2] =	stream.indirect.gather [hbm4b:s6+s23], $0x80, s16, s23, $0xb8;
	[tilespmem:$0x1E100] =	vst v63  }
0x95: {  	_ =	swait.ge [sflag:s29], $0x4000  }
0x96: {  	p2 =	seq.s32 s10, $0x0;
	[sflag:s29] =	ssyncset.done $0x0  }
.Ltmp9:
0x97: {  	s16 =	sadd.s32 $0x16080, s14;
	[sflag:s29] =	ssyncadd.s32 $0xFFFFC000;
	(pc) =	sbr.rel @p2 .LBB2_6-.Ltmp9, $4  }
0x98: {  	[spmem:s4] =	stream.indirect.scatter.add.f32 [tilespmem:s28], [sflag:$0x4], $0x80, s16, s23, $0xb8;
	[tilespmem:$0x1E100] =	vst v63  }
0x99: {  	_ =	swait.ge [sflag:s31], $0x4000  }
0x9a: {  	[sflag:s31] =	ssyncset.done $0x0  }
0x9b: {  	[sflag:s31] =	ssyncadd.s32 $0xFFFFC000  }
.Ltmp10:
0x9c: {  	(pc) =	sbr.rel .LBB2_4-.Ltmp10, $3  }
0x9d: {  	_ =	sdelay $0x1  }
0x9e: {  	s14 =	sadd.s32 $0x14D00, s14;
	s10 =	sadd.s32 $0x400, s10  }
0x9f: {  	[tilespmem:s24], [sflag:$0x1] =	stream.indirect.gather [hbm4b:s6+s23], $0x80, s14, s23, $0xb8;
	[tilespmem:$0x1E100] =	vst v63  }
.LBB2_20:
0xa0: {  	[bflag:$0x0] =	sbarrier.arrive $0xFFFF;
	s11 =	simm.s32 $0x0  }
.LBB2_21:
0xa1: {  	s10 =	smul.u32 $0x68, s11;
	_ =	sdelay $0x1  }
0xa2: {  	s14 =	sadd.s32 s8, s10  }
0xa3: {  	s10 =	sshll.u32 s14, $0x7  }
0xa4: {  	s10 =	sand.u32 $0x3FFFFF80, s10  }
0xa5: {  	s10 =	sadd.s32 s10, s4  }
0xa6: {  	[tilespmem:s24], [sflag:$0x5] =	stream.linear.gather [spmem:s10], $0x3400, $0x38;
	[tilespmem:$0x1E100] =	vst v63  }
0xa7: {  	_ =	swait.ge [sflag:s19], $0x3400  }
0xa8: {  	[sflag:s19] =	ssyncset.done $0x0  }
0xa9: {  	s15 =	simm.s32 $0x0;
	[sflag:s19] =	ssyncadd.s32 $0xFFFFCC00  }
0xaa: {  	v2 =	vld [tilespmem:s15+$0x16100]  }
0xab: {  	v4 =	vld [tilespmem:s15+$0x16110]  }
0xac: {  	v3 =	vld [tilespmem:s15+$0x16120]  }
0xad: {  	v1 =	vld [tilespmem:s15+$0x16130]  }
0xae: {  	v0 =	vld [tilespmem:s15+$0x16140]  }
0xaf: {  	v5 =	vmax.f32 v2, $0.0e+00;
	v2 =	vld [tilespmem:s15+$0x16150]  }
0xb0: {  	s10 =	simm.s32 $0x200;
	[tilespmem:s15+$0x16100] =	vst v5;
	v5 =	vmax.f32 v4, $0.0e+00;
	v4 =	vld [tilespmem:s15+$0x16160]  }
.LBB2_22:
0xb1: {  	s16 =	sshra.s32 s10, $0x2;
	p2 =	sne.s32 s10, $0xCE00;
	[tilespmem:s15+$0x16110] =	vst v5;
	v3 =	vmax.f32 v3, $0.0e+00;
	v5 =	vld [tilespmem:s15+$0x16170]  }
0xb2: {  	v6 =	vld [tilespmem:s16+$0x16100];
	[tilespmem:s15+$0x16120] =	vst v3;
	v1 =	vmax.f32 v1, $0.0e+00  }
0xb3: {  	v7 =	vld [tilespmem:s16+$0x16110];
	[tilespmem:s15+$0x16130] =	vst v1;
	v0 =	vmax.f32 v0, $0.0e+00  }
.Ltmp11:
0xb4: {  	v3 =	vld [tilespmem:s16+$0x16120];
	[tilespmem:s15+$0x16140] =	vst v0;
	v0 =	vmax.f32 v2, $0.0e+00;
	(pc) =	sbr.rel @p2 .LBB2_22-.Ltmp11, $4  }
0xb5: {  	v1 =	vld [tilespmem:s16+$0x16130];
	[tilespmem:s15+$0x16150] =	vst v0;
	v2 =	vmax.f32 v4, $0.0e+00  }
0xb6: {  	v0 =	vld [tilespmem:s16+$0x16140];
	[tilespmem:s15+$0x16160] =	vst v2;
	v4 =	vmax.f32 v5, $0.0e+00  }
0xb7: {  	v5 =	vmax.f32 v6, $0.0e+00;
	v2 =	vld [tilespmem:s16+$0x16150];
	[tilespmem:s15+$0x16170] =	vst v4;
	s15 =	smov.u32 s16  }
0xb8: {  	s10 =	sadd.s32 $0x200, s10;
	[tilespmem:s15+$0x16100] =	vst v5;
	v5 =	vmax.f32 v7, $0.0e+00;
	v4 =	vld [tilespmem:s15+$0x16160]  }
0xb9: {  	[tilespmem:s15+$0x16110] =	vst v5;
	v3 =	vmax.f32 v3, $0.0e+00;
	v60 =	vld [tilespmem:s15+$0x16170]  }
0xba: {  	[tilespmem:s15+$0x16120] =	vst v3;
	v1 =	vmax.f32 v1, $0.0e+00  }
0xbb: {  	[tilespmem:s15+$0x16130] =	vst v1;
	v0 =	vmax.f32 v0, $0.0e+00  }
0xbc: {  	[tilespmem:s15+$0x16140] =	vst v0;
	v61 =	vmax.f32 v2, $0.0e+00  }
0xbd: {  	s11 =	sadd.s32 $0x1, s11;
	[tilespmem:s15+$0x16150] =	vst v61;
	v62 =	vmax.f32 v4, $0.0e+00  }
0xbe: {  	s10 =	sshll.u32 s14, $0x4;
	p2 =	sne.s32 s11, $0x6;
	[tilespmem:s15+$0x16160] =	vst v62;
	v63 =	vmax.f32 v60, $0.0e+00  }
.Ltmp12:
0xbf: {  	s10 =	sadd.s32 s2, s10;
	[tilespmem:s15+$0x16170] =	vst v63;
	(pc) =	sbr.rel @p2 .LBB2_21-.Ltmp12, $4  }
0xc0: {  	[hbm4b:s10+s5] =	stream.linear.scatter [tilespmem:s24], [sflag:$0x5], $0x3400, $0x38;
	[tilespmem:$0x1E100] =	vst v63  }
0xc1: {  	_ =	swait.ge [sflag:s19], $0x3400  }
0xc2: {  	[sflag:s19] =	ssyncset.done $0x0  }
0xc3: {  	[sflag:s19] =	ssyncadd.s32 $0xFFFFCC00  }
.Ltmp13:
0xc4: {  	(pc) =	sbr.rel @p1 .LBB2_29-.Ltmp13, $1  }
0xc5: {  	_ =	sdelay $0x3  }
0xc6: {  	s10 =	rddreg [dreg:$0x6]  }
0xc7: {  	[tilespmem:s24], [sflag:$0x5] =	stream.linear.gather [spmem:s10], $0x800, $0x38;
	[tilespmem:$0x1E100] =	vst v63  }
0xc8: {  	_ =	swait.ge [sflag:s19], $0x800  }
0xc9: {  	[sflag:s19] =	ssyncset.done $0x0  }
0xca: {  	s11 =	simm.s32 $0x0;
	[sflag:s19] =	ssyncadd.s32 $0xFFFFF800  }
0xcb: {  	v2 =	vld [tilespmem:s11+$0x16100]  }
0xcc: {  	v4 =	vld [tilespmem:s11+$0x16110]  }
0xcd: {  	v3 =	vld [tilespmem:s11+$0x16120]  }
0xce: {  	v1 =	vld [tilespmem:s11+$0x16130]  }
0xcf: {  	v0 =	vld [tilespmem:s11+$0x16140]  }
0xd0: {  	v5 =	vmax.f32 v2, $0.0e+00;
	v2 =	vld [tilespmem:s11+$0x16150]  }
0xd1: {  	s10 =	simm.s32 $0x200;
	[tilespmem:s11+$0x16100] =	vst v5;
	v5 =	vmax.f32 v4, $0.0e+00;
	v4 =	vld [tilespmem:s11+$0x16160]  }
.LBB2_26:
0xd2: {  	s14 =	sshra.s32 s10, $0x2;
	p2 =	sne.s32 s10, $0x1E00;
	[tilespmem:s11+$0x16110] =	vst v5;
	v3 =	vmax.f32 v3, $0.0e+00;
	v5 =	vld [tilespmem:s11+$0x16170]  }
0xd3: {  	v6 =	vld [tilespmem:s14+$0x16100];
	[tilespmem:s11+$0x16120] =	vst v3;
	v1 =	vmax.f32 v1, $0.0e+00  }
0xd4: {  	v7 =	vld [tilespmem:s14+$0x16110];
	[tilespmem:s11+$0x16130] =	vst v1;
	v0 =	vmax.f32 v0, $0.0e+00  }
.Ltmp14:
0xd5: {  	v3 =	vld [tilespmem:s14+$0x16120];
	[tilespmem:s11+$0x16140] =	vst v0;
	v0 =	vmax.f32 v2, $0.0e+00;
	(pc) =	sbr.rel @p2 .LBB2_26-.Ltmp14, $4  }
0xd6: {  	v1 =	vld [tilespmem:s14+$0x16130];
	[tilespmem:s11+$0x16150] =	vst v0;
	v2 =	vmax.f32 v4, $0.0e+00  }
0xd7: {  	v0 =	vld [tilespmem:s14+$0x16140];
	[tilespmem:s11+$0x16160] =	vst v2;
	v4 =	vmax.f32 v5, $0.0e+00  }
0xd8: {  	v5 =	vmax.f32 v6, $0.0e+00;
	v2 =	vld [tilespmem:s14+$0x16150];
	[tilespmem:s11+$0x16170] =	vst v4;
	s11 =	smov.u32 s14  }
0xd9: {  	s10 =	sadd.s32 $0x200, s10;
	[tilespmem:s11+$0x16100] =	vst v5;
	v5 =	vmax.f32 v7, $0.0e+00;
	v4 =	vld [tilespmem:s11+$0x16160]  }
0xda: {  	[tilespmem:s11+$0x16110] =	vst v5;
	v3 =	vmax.f32 v3, $0.0e+00;
	v60 =	vld [tilespmem:s11+$0x16170]  }
0xdb: {  	[tilespmem:s11+$0x16120] =	vst v3;
	v1 =	vmax.f32 v1, $0.0e+00  }
.Ltmp15:
0xdc: {  	[tilespmem:s11+$0x16130] =	vst v1;
	v0 =	vmax.f32 v0, $0.0e+00;
	(pc) =	sbr.rel .LBB2_28-.Ltmp15, $4  }
0xdd: {  	[tilespmem:s11+$0x16140] =	vst v0;
	v61 =	vmax.f32 v2, $0.0e+00  }
0xde: {  	[tilespmem:s11+$0x16150] =	vst v61;
	v62 =	vmax.f32 v4, $0.0e+00  }
0xdf: {  	[tilespmem:s11+$0x16160] =	vst v62;
	v63 =	vmax.f32 v60, $0.0e+00  }
0xe0: {  	s10 =	smov.u32 s2;
	[tilespmem:s11+$0x16170] =	vst v63  }
.LBB2_7:
0xe1: {  	[bflag:$0x0] =	sbarrier.arrive $0xFFFF;
	s11 =	simm.s32 $0x0  }
.LBB2_8:
0xe2: {  	s10 =	smul.u32 $0x68, s11;
	_ =	sdelay $0x1  }
0xe3: {  	s14 =	sadd.s32 s8, s10  }
0xe4: {  	s10 =	sshll.u32 s14, $0x7  }
0xe5: {  	s10 =	sand.u32 $0x3FFFFF80, s10  }
0xe6: {  	s10 =	sadd.s32 s10, s4  }
0xe7: {  	[tilespmem:s24], [sflag:$0x5] =	stream.linear.gather [spmem:s10], $0x3400, $0x38;
	[tilespmem:$0x1E100] =	vst v63  }
0xe8: {  	_ =	swait.ge [sflag:s19], $0x3400  }
0xe9: {  	[sflag:s19] =	ssyncset.done $0x0  }
0xea: {  	s15 =	simm.s32 $0x0;
	[sflag:s19] =	ssyncadd.s32 $0xFFFFCC00  }
0xeb: {  	v2 =	vld [tilespmem:s15+$0x16100]  }
0xec: {  	v4 =	vld [tilespmem:s15+$0x16110]  }
0xed: {  	v3 =	vld [tilespmem:s15+$0x16120]  }
0xee: {  	v1 =	vld [tilespmem:s15+$0x16130]  }
0xef: {  	v0 =	vld [tilespmem:s15+$0x16140]  }
0xf0: {  	v5 =	vmax.f32 v2, $0.0e+00;
	v2 =	vld [tilespmem:s15+$0x16150]  }
0xf1: {  	s10 =	simm.s32 $0x200;
	[tilespmem:s15+$0x16100] =	vst v5;
	v5 =	vmax.f32 v4, $0.0e+00;
	v4 =	vld [tilespmem:s15+$0x16160]  }
.LBB2_9:
0xf2: {  	s16 =	sshra.s32 s10, $0x2;
	p2 =	sne.s32 s10, $0xCE00;
	[tilespmem:s15+$0x16110] =	vst v5;
	v3 =	vmax.f32 v3, $0.0e+00;
	v5 =	vld [tilespmem:s15+$0x16170]  }
0xf3: {  	v6 =	vld [tilespmem:s16+$0x16100];
	[tilespmem:s15+$0x16120] =	vst v3;
	v1 =	vmax.f32 v1, $0.0e+00  }
0xf4: {  	v7 =	vld [tilespmem:s16+$0x16110];
	[tilespmem:s15+$0x16130] =	vst v1;
	v0 =	vmax.f32 v0, $0.0e+00  }
.Ltmp16:
0xf5: {  	v3 =	vld [tilespmem:s16+$0x16120];
	[tilespmem:s15+$0x16140] =	vst v0;
	v0 =	vmax.f32 v2, $0.0e+00;
	(pc) =	sbr.rel @p2 .LBB2_9-.Ltmp16, $4  }
0xf6: {  	v1 =	vld [tilespmem:s16+$0x16130];
	[tilespmem:s15+$0x16150] =	vst v0;
	v2 =	vmax.f32 v4, $0.0e+00  }
0xf7: {  	v0 =	vld [tilespmem:s16+$0x16140];
	[tilespmem:s15+$0x16160] =	vst v2;
	v4 =	vmax.f32 v5, $0.0e+00  }
0xf8: {  	v5 =	vmax.f32 v6, $0.0e+00;
	v2 =	vld [tilespmem:s16+$0x16150];
	[tilespmem:s15+$0x16170] =	vst v4;
	s15 =	smov.u32 s16  }
0xf9: {  	s10 =	sadd.s32 $0x200, s10;
	[tilespmem:s15+$0x16100] =	vst v5;
	v5 =	vmax.f32 v7, $0.0e+00;
	v4 =	vld [tilespmem:s15+$0x16160]  }
0xfa: {  	[tilespmem:s15+$0x16110] =	vst v5;
	v3 =	vmax.f32 v3, $0.0e+00;
	v60 =	vld [tilespmem:s15+$0x16170]  }
0xfb: {  	[tilespmem:s15+$0x16120] =	vst v3;
	v1 =	vmax.f32 v1, $0.0e+00  }
0xfc: {  	[tilespmem:s15+$0x16130] =	vst v1;
	v0 =	vmax.f32 v0, $0.0e+00  }
0xfd: {  	[tilespmem:s15+$0x16140] =	vst v0;
	v61 =	vmax.f32 v2, $0.0e+00  }
0xfe: {  	s11 =	sadd.s32 $0x1, s11;
	[tilespmem:s15+$0x16150] =	vst v61;
	v62 =	vmax.f32 v4, $0.0e+00  }
0xff: {  	s10 =	sshll.u32 s14, $0x4;
	p2 =	sne.s32 s11, $0x6;
	[tilespmem:s15+$0x16160] =	vst v62;
	v63 =	vmax.f32 v60, $0.0e+00  }
.Ltmp17:
0x100: {  	s10 =	sadd.s32 s1, s10;
	[tilespmem:s15+$0x16170] =	vst v63;
	(pc) =	sbr.rel @p2 .LBB2_8-.Ltmp17, $4  }
0x101: {  	[hbm4b:s10+s5] =	stream.linear.scatter [tilespmem:s24], [sflag:$0x5], $0x3400, $0x38;
	[tilespmem:$0x1E100] =	vst v63  }
0x102: {  	_ =	swait.ge [sflag:s19], $0x3400  }
0x103: {  	[sflag:s19] =	ssyncset.done $0x0  }
0x104: {  	[sflag:s19] =	ssyncadd.s32 $0xFFFFCC00  }
.Ltmp18:
0x105: {  	(pc) =	sbr.rel @p1 .LBB2_29-.Ltmp18, $1  }
0x106: {  	_ =	sdelay $0x3  }
0x107: {  	s10 =	rddreg [dreg:$0x6]  }
0x108: {  	[tilespmem:s24], [sflag:$0x5] =	stream.linear.gather [spmem:s10], $0x800, $0x38;
	[tilespmem:$0x1E100] =	vst v63  }
0x109: {  	_ =	swait.ge [sflag:s19], $0x800  }
0x10a: {  	[sflag:s19] =	ssyncset.done $0x0  }
0x10b: {  	s11 =	simm.s32 $0x0;
	[sflag:s19] =	ssyncadd.s32 $0xFFFFF800  }
0x10c: {  	v2 =	vld [tilespmem:s11+$0x16100]  }
0x10d: {  	v4 =	vld [tilespmem:s11+$0x16110]  }
0x10e: {  	v3 =	vld [tilespmem:s11+$0x16120]  }
0x10f: {  	v1 =	vld [tilespmem:s11+$0x16130]  }
0x110: {  	v0 =	vld [tilespmem:s11+$0x16140]  }
0x111: {  	v5 =	vmax.f32 v2, $0.0e+00;
	v2 =	vld [tilespmem:s11+$0x16150]  }
0x112: {  	s10 =	simm.s32 $0x200;
	[tilespmem:s11+$0x16100] =	vst v5;
	v5 =	vmax.f32 v4, $0.0e+00;
	v4 =	vld [tilespmem:s11+$0x16160]  }
.LBB2_13:
0x113: {  	s14 =	sshra.s32 s10, $0x2;
	p2 =	seq.s32 s10, $0x1E00;
	[tilespmem:s11+$0x16110] =	vst v5;
	v3 =	vmax.f32 v3, $0.0e+00;
	v5 =	vld [tilespmem:s11+$0x16170]  }
0x114: {  	v6 =	vld [tilespmem:s14+$0x16100];
	[tilespmem:s11+$0x16120] =	vst v3;
	v1 =	vmax.f32 v1, $0.0e+00  }
0x115: {  	v7 =	vld [tilespmem:s14+$0x16110];
	[tilespmem:s11+$0x16130] =	vst v1;
	v0 =	vmax.f32 v0, $0.0e+00  }
.Ltmp19:
0x116: {  	v3 =	vld [tilespmem:s14+$0x16120];
	[tilespmem:s11+$0x16140] =	vst v0;
	v0 =	vmax.f32 v2, $0.0e+00;
	(pc) =	sbr.rel @!p2 .LBB2_13-.Ltmp19, $4  }
0x117: {  	v1 =	vld [tilespmem:s14+$0x16130];
	[tilespmem:s11+$0x16150] =	vst v0;
	v2 =	vmax.f32 v4, $0.0e+00  }
0x118: {  	v0 =	vld [tilespmem:s14+$0x16140];
	[tilespmem:s11+$0x16160] =	vst v2;
	v4 =	vmax.f32 v5, $0.0e+00  }
0x119: {  	v5 =	vmax.f32 v6, $0.0e+00;
	v2 =	vld [tilespmem:s14+$0x16150];
	[tilespmem:s11+$0x16170] =	vst v4;
	s11 =	smov.u32 s14  }
0x11a: {  	s10 =	sadd.s32 $0x200, s10;
	[tilespmem:s11+$0x16100] =	vst v5;
	v5 =	vmax.f32 v7, $0.0e+00;
	v4 =	vld [tilespmem:s11+$0x16160]  }
0x11b: {  	[tilespmem:s11+$0x16110] =	vst v5;
	v3 =	vmax.f32 v3, $0.0e+00;
	v60 =	vld [tilespmem:s11+$0x16170]  }
0x11c: {  	[tilespmem:s11+$0x16120] =	vst v3;
	v1 =	vmax.f32 v1, $0.0e+00  }
.Ltmp20:
0x11d: {  	[tilespmem:s11+$0x16130] =	vst v1;
	v0 =	vmax.f32 v0, $0.0e+00;
	(pc) =	sbr.rel .LBB2_28-.Ltmp20, $4  }
0x11e: {  	[tilespmem:s11+$0x16140] =	vst v0;
	v61 =	vmax.f32 v2, $0.0e+00  }
0x11f: {  	[tilespmem:s11+$0x16150] =	vst v61;
	v62 =	vmax.f32 v4, $0.0e+00  }
0x120: {  	[tilespmem:s11+$0x16160] =	vst v62;
	v63 =	vmax.f32 v60, $0.0e+00  }
0x121: {  	s10 =	smov.u32 s1;
	[tilespmem:s11+$0x16170] =	vst v63  }
.LBB2_30:
0x122: {  	_ =	sfence.sel $0x180000  }
0x123: {  	[bflag:$0x0] =	sbarrier.arrive $0xFFFF  }
0x124: {  	_ =	strace $0x9000004A  }
0x125: {  	s0 =	stileid.u32;
	[bflag:$0x2] =	sbarrier.arrive $0xFFFF  }
0x126: {  	p0 =	sne.s32 s0, $0x0;
	s0 =	rddreg [dreg:$0x4]  }
0x127: {  	s0 =	sadd.s32 @!p0 $0x100000, s0  }
0x128: {  	[sflag:s0] =	ssyncadd.tile.s32 @!p0 $0x1;
	_ =	shalt  }
.Lfunc_end2:
_tile_overlayer_lowered:
.L_overlay_start_2:
0x129: {  	(tag) =	ssettag $0x2  }
0x12a: {  	s0 =	rddreg [dreg:$0x0];
	s2 =	stileid.u32  }
0x12b: {  	s1 =	rddreg [dreg:$0x1];
	p0 =	sne.s32 s2, $0x0  }
0x12c: {  	s3 =	rddreg [dreg:$0x2];
	[bflag:$0x3] =	sbarrier.arrive $0xFFFF;
	s2 =	simm.s32 @!p0 $0x1C05  }
0x12d: {  	[timem:s3], [sflag:s2] =	dma.local @!p0 [hbm:s0], s1  }
0x12e: {  	s0 =	simm.s32 @!p0 $0x5  }
0x12f: {  	_ =	swait.ge @!p0 [sflag:s0], s1  }
0x130: {  	s1 =	ssub.s32 @!p0 $0x0, s1;
	[sflag:s0] =	ssyncset.done @!p0 $0x0  }
0x131: {  	[sflag:s0] =	ssyncadd.s32 @!p0 s1  }
0x132: {  	[bflag:$0x3] =	sbarrier.arrive $0xFFFF  }
0x133: {  	_ =	shalt  }

</sc_bundles>
